<compile_context>
chip_gen: v7x
topology: tpu7x:2x2x1
jax: 0.10.2.dev20260603
libtpu: 0.0.44.dev20260713+nightly
codegen_flags: <defaults>
</compile_context>

<pallas_src>
import functools

import jax
import jax.numpy as jnp
from jax import lax
from jax.experimental import pallas as pl
from jax.experimental.pallas import tpu as pltpu
from jax.experimental.pallas import tpu_sc as plsc

B = 16384
V = 1000000
D = 32
NNEG = 20
NC = 2
NS = 16
DPC = D // NC
RPT = B // NS
STG = 8
VCH = V // STG
NGRP = 5

BV = 4096
NBLK = pl.cdiv(V, BV)
DROW = NBLK * BV // 128
DRUN = DROW * 128

_mesh = plsc.VectorSubcoreMesh(core_axis_name="c", subcore_axis_name="s")


def _repack_body(in_ref, out_ref):
    x = in_ref[...]
    out_ref[...] = x.reshape(8, BV // 128, 128)


_repack = pl.pallas_call(
    _repack_body,
    grid=(D // 8, NBLK),
    in_specs=[pl.BlockSpec((8, BV), lambda g, i: (g, i))],
    out_specs=pl.BlockSpec((8, BV // 128, 128), lambda g, i: (g, i, 0)),
    out_shape=jax.ShapeDtypeStruct((D, DROW, 128), jnp.float32),
)


@functools.partial(
    pl.kernel,
    mesh=_mesh,
    compiler_params=pltpu.CompilerParams(
        needs_layout_passes=False, use_tc_tiling_on_sc=False
    ),
    out_type=(
        jax.ShapeDtypeStruct((NC * B,), jnp.float32),
        jax.ShapeDtypeStruct((NC * NNEG * B,), jnp.float32),
    ),
    scratch_types=[
        pltpu.VMEM_SHARED((V,), jnp.float32),
        pltpu.VMEM((RPT,), jnp.int32),
        pltpu.VMEM((RPT,), jnp.int32),
        pltpu.VMEM((NNEG * RPT,), jnp.int32),
        pltpu.VMEM((DPC * RPT,), jnp.float32),
        pltpu.VMEM((RPT,), jnp.float32),
        pltpu.VMEM((NGRP * RPT,), jnp.float32),
        pltpu.VMEM((RPT,), jnp.float32),
        pltpu.VMEM((NNEG * RPT,), jnp.float32),
        pltpu.SemaphoreType.DMA,
        pltpu.SemaphoreType.DMA,
    ],
)
def _sc_dots(center_hbm, context_hbm, negtf_hbm, int_hbm, outt_hbm,
             posd_hbm, negd_hbm,
             rowbuf, cidx, tidx, nidx, cvals, tvals, nvals, pacc, nacc,
             sem0, sem1):
    c = lax.axis_index("c")
    s = lax.axis_index("s")
    rbase = s * RPT

    pltpu.sync_copy(center_hbm.at[pl.ds(rbase, RPT)], cidx)
    pltpu.sync_copy(context_hbm.at[pl.ds(rbase, RPT)], tidx)
    for n in range(NNEG):
        pltpu.sync_copy(
            negtf_hbm.at[pl.ds(n * B + rbase, RPT)],
            nidx.at[pl.ds(n * RPT, RPT)],
        )

    zero16 = jnp.zeros((16,), jnp.float32)

    def zero_body(rv, _):
        pacc[pl.ds(rv * 16, 16)] = zero16
        for n in range(NNEG):
            nacc[pl.ds(n * RPT + rv * 16, 16)] = zero16
        return 0

    lax.fori_loop(0, RPT // 16, zero_body, 0)

    def stage_row(table_hbm, gd):
        @pl.when(s < STG)
        def _():
            off = s * VCH
            pltpu.async_copy(
                table_hbm.at[pl.ds(gd * DRUN + off, VCH)],
                rowbuf.at[pl.ds(off, VCH)],
                sem0,
            ).wait()
        plsc.subcore_barrier()

    def in_body(d, _):
        stage_row(int_hbm, c * DPC + d)
        pltpu.sync_copy(rowbuf.at[cidx], cvals.at[pl.ds(d * RPT, RPT)])
        plsc.subcore_barrier()
        return 0

    lax.fori_loop(0, DPC, in_body, 0)

    def out_body(d, _):
        stage_row(outt_hbm, c * DPC + d)
        pltpu.sync_copy(rowbuf.at[tidx], tvals)

        def pos_body(rv, _):
            r16 = rv * 16
            cv = cvals[pl.ds(d * RPT + r16, 16)]
            pacc[pl.ds(r16, 16)] = pacc[pl.ds(r16, 16)] + cv * tvals[pl.ds(r16, 16)]
            return 0

        lax.fori_loop(0, RPT // 16, pos_body, 0)

        for g in range(NNEG // NGRP):
            cps = [
                pltpu.async_copy(
                    rowbuf.at[nidx.at[pl.ds((g * NGRP + n) * RPT, RPT)]],
                    nvals.at[pl.ds(n * RPT, RPT)],
                    sem1,
                )
                for n in range(NGRP)
            ]
            for cp in cps:
                cp.wait()

            def fma_body(rv, _, g=g):
                r16 = rv * 16
                cv = cvals[pl.ds(d * RPT + r16, 16)]
                for n in range(NGRP):
                    o = (g * NGRP + n) * RPT + r16
                    i = n * RPT + r16
                    nacc[pl.ds(o, 16)] = nacc[pl.ds(o, 16)] + cv * nvals[pl.ds(i, 16)]
                return 0

            lax.fori_loop(0, RPT // 16, fma_body, 0)
        plsc.subcore_barrier()
        return 0

    lax.fori_loop(0, DPC, out_body, 0)

    pltpu.sync_copy(pacc, posd_hbm.at[pl.ds(c * B + rbase, RPT)])
    for n in range(NNEG):
        pltpu.sync_copy(
            nacc.at[pl.ds(n * RPT, RPT)],
            negd_hbm.at[pl.ds(c * (NNEG * B) + n * B + rbase, RPT)],
        )


def _loss_body(posd_ref, negd_ref, out_ref):
    pos_dot = posd_ref[0] + posd_ref[1]
    neg_dot = negd_ref[0:NNEG, :] + negd_ref[NNEG:2 * NNEG, :]
    pos = 1.0 / (1.0 + jnp.exp(-pos_dot))
    negs = jnp.sum(1.0 / (1.0 + jnp.exp(neg_dot)), axis=0)
    total = jnp.sum(jnp.log(pos)) + jnp.sum(jnp.log(negs))
    out_ref[0, 0] = -total / B


_finish = pl.pallas_call(
    _loss_body,
    out_shape=jax.ShapeDtypeStruct((1, 1), jnp.float32),
    out_specs=pl.BlockSpec(memory_space=pltpu.SMEM),
)


def kernel(center, context, negative, in_embed, out_embed):
    negtf = negative.T.reshape(-1)
    in_lin = _repack(in_embed.T).reshape(-1)
    out_lin = _repack(out_embed.T).reshape(-1)
    posd, negd = _sc_dots(center, context, negtf, in_lin, out_lin)
    loss = _finish(posd.reshape(NC, B), negd.reshape(NC * NNEG, B))
    return loss[0, 0]

# --- scband reference (transcript-rebuilt; emitter-appended) ---
"""Pipeline reference for scband-skip-gram-model-63943473102988 (READ-ONLY COPY).

The authoritative reference and input builder live on the scoring server;
editing this copy changes nothing except your own understanding.
"""

import jax, jax.numpy as jnp
import numpy as np

VOCAB = 1000000
EMBED = 32
BATCH = 16384
NNEG = 20

def setup_inputs(seed: int = 0) -> dict:
    key = jax.random.key(seed)
    k1, k2, k3, k4, k5 = jax.random.split(key, 5)
    center = jax.random.randint(k1, (BATCH,), 0, VOCAB, dtype=jnp.int64 if jax.config.jax_enable_x64 else jnp.int32).astype(jnp.int32)
    context = jax.random.randint(k2, (BATCH,), 0, VOCAB).astype(jnp.int32)
    negative = jax.random.randint(k3, (BATCH, NNEG), 0, VOCAB).astype(jnp.int32)
    in_embed = jax.random.normal(k4, (VOCAB, EMBED), dtype=jnp.float32) * 0.1
    out_embed = jax.random.normal(k5, (VOCAB, EMBED), dtype=jnp.float32) * 0.1
    return {"center": center, "context": context, "negative": negative, "in_embed": in_embed, "out_embed": out_embed}

def reference(center, context, negative, in_embed, out_embed):
    center_embeds = jnp.take(in_embed, center, axis=0)          # [B, D]
    context_embeds = jnp.take(out_embed, context, axis=0)       # [B, D]
    negative_embeds = jnp.take(out_embed, negative, axis=0)     # [B, N, D]
    pos_score = jnp.sum(center_embeds * context_embeds, axis=1)  # [B]
    pos_score = jax.nn.sigmoid(pos_score)
    # bmm([B,N,D],[B,D,1]) -> [B,N]
    neg_score = jnp.einsum('bnd,bd->bn', negative_embeds, center_embeds)
    neg_score = jnp.sum(jax.nn.sigmoid(-neg_score), axis=1)     # [B]
    return -1.0 * jnp.mean(jnp.log(pos_score) + jnp.log(neg_score))

if False:  # reference __main__ guard neutralized (emitter)
    out = reference(**setup_inputs())
    print(out)

if __name__ == "__main__":
    import jax
    _d = setup_inputs()
    print(jax.jit(kernel)(*tuple(_d.values())))

</pallas_src>

<mosaic_0001>
#map = affine_map<(d0, d1) -> (0)>
module attributes {stable_mosaic.version = 14 : i64} {
  func.func @_sc_dots(%arg0: i32, %arg1: i32, %arg2: memref<16384xi32, #tpu.memory_space<hbm>>, %arg3: memref<16384xi32, #tpu.memory_space<hbm>>, %arg4: memref<327680xi32, #tpu.memory_space<hbm>>, %arg5: memref<32112640xf32, #tpu.memory_space<hbm>>, %arg6: memref<32112640xf32, #tpu.memory_space<hbm>>, %arg7: memref<32768xf32, #tpu.memory_space<hbm>>, %arg8: memref<655360xf32, #tpu.memory_space<hbm>>, %arg9: memref<1000000xf32, #tpu.memory_space<vmem_shared>>, %arg10: memref<1024xi32, #tpu.memory_space<vmem>>, %arg11: memref<1024xi32, #tpu.memory_space<vmem>>, %arg12: memref<20480xi32, #tpu.memory_space<vmem>>, %arg13: memref<16384xf32, #tpu.memory_space<vmem>>, %arg14: memref<1024xf32, #tpu.memory_space<vmem>>, %arg15: memref<5120xf32, #tpu.memory_space<vmem>>, %arg16: memref<1024xf32, #tpu.memory_space<vmem>>, %arg17: memref<20480xf32, #tpu.memory_space<vmem>>, %arg18: memref<!tpu.dma_semaphore, #tpu.memory_space<semaphore_mem>>, %arg19: memref<!tpu.dma_semaphore, #tpu.memory_space<semaphore_mem>>) attributes {dimension_semantics = [#tpu.dimension_semantics<core_parallel>, #tpu.dimension_semantics<subcore_parallel>], iteration_bounds = array<i64: 2, 16>, scalar_prefetch = 0 : i64, scratch_operands = 11 : i64, tpu.core_type = #tpu.core_type<sc_vector_subcore>, window_params = [{transform_indices = #map}, {transform_indices = #map}, {transform_indices = #map}, {transform_indices = #map}, {transform_indices = #map}, {transform_indices = #map}, {transform_indices = #map}]} {
    %mul3A = arith.constant 1024 : i32
    %mul3A_0 = arith.muli %arg1, %mul3A : i32
    "tpu.region"() ({
      %run_scoped3A = tpu.sem_alloc : memref<!tpu.dma_semaphore, #tpu.memory_space<semaphore_mem>>
      %dma_start3A = tpu.memref_slice %arg2[%mul3A_0] : memref<16384xi32, #tpu.memory_space<hbm>> -> memref<1024xi32, #tpu.memory_space<hbm>>
      %dma_start3A_164 = tpu.memref_slice %arg2[%mul3A_0] : memref<16384xi32, #tpu.memory_space<hbm>> -> memref<1024xi32, #tpu.memory_space<hbm>>
      tpu.enqueue_dma source(%dma_start3A_164 : memref<1024xi32, #tpu.memory_space<hbm>>) target(%arg10 : memref<1024xi32, #tpu.memory_space<vmem>>) target_semaphore(%run_scoped3A : memref<!tpu.dma_semaphore, #tpu.memory_space<semaphore_mem>>)
      %dma_wait3A = tpu.memref_slice %arg2[%mul3A_0] : memref<16384xi32, #tpu.memory_space<hbm>> -> memref<1024xi32, #tpu.memory_space<hbm>>
      %dma_wait3A_165 = tpu.memref_slice %arg2[%mul3A_0] : memref<16384xi32, #tpu.memory_space<hbm>> -> memref<1024xi32, #tpu.memory_space<hbm>>
      tpu.wait_dma2 semaphore(%run_scoped3A : memref<!tpu.dma_semaphore, #tpu.memory_space<semaphore_mem>>) src(%dma_wait3A_165 : memref<1024xi32, #tpu.memory_space<hbm>>) dst(%arg10 : memref<1024xi32, #tpu.memory_space<vmem>>)
      tpu.yield
    }) : () -> ()
    "tpu.region"() ({
      %run_scoped3A = tpu.sem_alloc : memref<!tpu.dma_semaphore, #tpu.memory_space<semaphore_mem>>
      %dma_start3A = tpu.memref_slice %arg3[%mul3A_0] : memref<16384xi32, #tpu.memory_space<hbm>> -> memref<1024xi32, #tpu.memory_space<hbm>>
      %dma_start3A_164 = tpu.memref_slice %arg3[%mul3A_0] : memref<16384xi32, #tpu.memory_space<hbm>> -> memref<1024xi32, #tpu.memory_space<hbm>>
      tpu.enqueue_dma source(%dma_start3A_164 : memref<1024xi32, #tpu.memory_space<hbm>>) target(%arg11 : memref<1024xi32, #tpu.memory_space<vmem>>) target_semaphore(%run_scoped3A : memref<!tpu.dma_semaphore, #tpu.memory_space<semaphore_mem>>)
      %dma_wait3A = tpu.memref_slice %arg3[%mul3A_0] : memref<16384xi32, #tpu.memory_space<hbm>> -> memref<1024xi32, #tpu.memory_space<hbm>>
      %dma_wait3A_165 = tpu.memref_slice %arg3[%mul3A_0] : memref<16384xi32, #tpu.memory_space<hbm>> -> memref<1024xi32, #tpu.memory_space<hbm>>
      tpu.wait_dma2 semaphore(%run_scoped3A : memref<!tpu.dma_semaphore, #tpu.memory_space<semaphore_mem>>) src(%dma_wait3A_165 : memref<1024xi32, #tpu.memory_space<hbm>>) dst(%arg11 : memref<1024xi32, #tpu.memory_space<vmem>>)
      tpu.yield
    }) : () -> ()
    %add3A = arith.constant 0 : i32
    %add3A_1 = arith.addi %add3A, %mul3A_0 : i32
    "tpu.region"() ({
      %run_scoped3A = tpu.sem_alloc : memref<!tpu.dma_semaphore, #tpu.memory_space<semaphore_mem>>
      %dma_start3A = arith.constant 0 : i32
      %dma_start3A_164 = tpu.memref_slice %arg12[%dma_start3A] : memref<20480xi32, #tpu.memory_space<vmem>> -> memref<1024xi32, #tpu.memory_space<vmem>>
      %dma_start3A_165 = tpu.memref_slice %arg4[%add3A_1] : memref<327680xi32, #tpu.memory_space<hbm>> -> memref<1024xi32, #tpu.memory_space<hbm>>
      %dma_start3A_166 = arith.constant 0 : i32
      %dma_start3A_167 = tpu.memref_slice %arg12[%dma_start3A_166] : memref<20480xi32, #tpu.memory_space<vmem>> -> memref<1024xi32, #tpu.memory_space<vmem>>
      %dma_start3A_168 = tpu.memref_slice %arg4[%add3A_1] : memref<327680xi32, #tpu.memory_space<hbm>> -> memref<1024xi32, #tpu.memory_space<hbm>>
      tpu.enqueue_dma source(%dma_start3A_168 : memref<1024xi32, #tpu.memory_space<hbm>>) target(%dma_start3A_167 : memref<1024xi32, #tpu.memory_space<vmem>>) target_semaphore(%run_scoped3A : memref<!tpu.dma_semaphore, #tpu.memory_space<semaphore_mem>>)
      %dma_wait3A = arith.constant 0 : i32
      %dma_wait3A_169 = tpu.memref_slice %arg12[%dma_wait3A] : memref<20480xi32, #tpu.memory_space<vmem>> -> memref<1024xi32, #tpu.memory_space<vmem>>
      %dma_wait3A_170 = tpu.memref_slice %arg4[%add3A_1] : memref<327680xi32, #tpu.memory_space<hbm>> -> memref<1024xi32, #tpu.memory_space<hbm>>
      %dma_wait3A_171 = arith.constant 0 : i32
      %dma_wait3A_172 = tpu.memref_slice %arg12[%dma_wait3A_171] : memref<20480xi32, #tpu.memory_space<vmem>> -> memref<1024xi32, #tpu.memory_space<vmem>>
      %dma_wait3A_173 = tpu.memref_slice %arg4[%add3A_1] : memref<327680xi32, #tpu.memory_space<hbm>> -> memref<1024xi32, #tpu.memory_space<hbm>>
      tpu.wait_dma2 semaphore(%run_scoped3A : memref<!tpu.dma_semaphore, #tpu.memory_space<semaphore_mem>>) src(%dma_wait3A_173 : memref<1024xi32, #tpu.memory_space<hbm>>) dst(%dma_wait3A_172 : memref<1024xi32, #tpu.memory_space<vmem>>)
      tpu.yield
    }) : () -> ()
    %add3A_2 = arith.constant 16384 : i32
    %add3A_3 = arith.addi %add3A_2, %mul3A_0 : i32
    "tpu.region"() ({
      %run_scoped3A = tpu.sem_alloc : memref<!tpu.dma_semaphore, #tpu.memory_space<semaphore_mem>>
      %dma_start3A = arith.constant 1024 : i32
      %dma_start3A_164 = tpu.memref_slice %arg12[%dma_start3A] : memref<20480xi32, #tpu.memory_space<vmem>> -> memref<1024xi32, #tpu.memory_space<vmem>>
      %dma_start3A_165 = tpu.memref_slice %arg4[%add3A_3] : memref<327680xi32, #tpu.memory_space<hbm>> -> memref<1024xi32, #tpu.memory_space<hbm>>
      %dma_start3A_166 = arith.constant 1024 : i32
      %dma_start3A_167 = tpu.memref_slice %arg12[%dma_start3A_166] : memref<20480xi32, #tpu.memory_space<vmem>> -> memref<1024xi32, #tpu.memory_space<vmem>>
      %dma_start3A_168 = tpu.memref_slice %arg4[%add3A_3] : memref<327680xi32, #tpu.memory_space<hbm>> -> memref<1024xi32, #tpu.memory_space<hbm>>
      tpu.enqueue_dma source(%dma_start3A_168 : memref<1024xi32, #tpu.memory_space<hbm>>) target(%dma_start3A_167 : memref<1024xi32, #tpu.memory_space<vmem>>) target_semaphore(%run_scoped3A : memref<!tpu.dma_semaphore, #tpu.memory_space<semaphore_mem>>)
      %dma_wait3A = arith.constant 1024 : i32
      %dma_wait3A_169 = tpu.memref_slice %arg12[%dma_wait3A] : memref<20480xi32, #tpu.memory_space<vmem>> -> memref<1024xi32, #tpu.memory_space<vmem>>
      %dma_wait3A_170 = tpu.memref_slice %arg4[%add3A_3] : memref<327680xi32, #tpu.memory_space<hbm>> -> memref<1024xi32, #tpu.memory_space<hbm>>
      %dma_wait3A_171 = arith.constant 1024 : i32
      %dma_wait3A_172 = tpu.memref_slice %arg12[%dma_wait3A_171] : memref<20480xi32, #tpu.memory_space<vmem>> -> memref<1024xi32, #tpu.memory_space<vmem>>
      %dma_wait3A_173 = tpu.memref_slice %arg4[%add3A_3] : memref<327680xi32, #tpu.memory_space<hbm>> -> memref<1024xi32, #tpu.memory_space<hbm>>
      tpu.wait_dma2 semaphore(%run_scoped3A : memref<!tpu.dma_semaphore, #tpu.memory_space<semaphore_mem>>) src(%dma_wait3A_173 : memref<1024xi32, #tpu.memory_space<hbm>>) dst(%dma_wait3A_172 : memref<1024xi32, #tpu.memory_space<vmem>>)
      tpu.yield
    }) : () -> ()
    %add3A_4 = arith.constant 32768 : i32
    %add3A_5 = arith.addi %add3A_4, %mul3A_0 : i32
    "tpu.region"() ({
      %run_scoped3A = tpu.sem_alloc : memref<!tpu.dma_semaphore, #tpu.memory_space<semaphore_mem>>
      %dma_start3A = arith.constant 2048 : i32
      %dma_start3A_164 = tpu.memref_slice %arg12[%dma_start3A] : memref<20480xi32, #tpu.memory_space<vmem>> -> memref<1024xi32, #tpu.memory_space<vmem>>
      %dma_start3A_165 = tpu.memref_slice %arg4[%add3A_5] : memref<327680xi32, #tpu.memory_space<hbm>> -> memref<1024xi32, #tpu.memory_space<hbm>>
      %dma_start3A_166 = arith.constant 2048 : i32
      %dma_start3A_167 = tpu.memref_slice %arg12[%dma_start3A_166] : memref<20480xi32, #tpu.memory_space<vmem>> -> memref<1024xi32, #tpu.memory_space<vmem>>
      %dma_start3A_168 = tpu.memref_slice %arg4[%add3A_5] : memref<327680xi32, #tpu.memory_space<hbm>> -> memref<1024xi32, #tpu.memory_space<hbm>>
      tpu.enqueue_dma source(%dma_start3A_168 : memref<1024xi32, #tpu.memory_space<hbm>>) target(%dma_start3A_167 : memref<1024xi32, #tpu.memory_space<vmem>>) target_semaphore(%run_scoped3A : memref<!tpu.dma_semaphore, #tpu.memory_space<semaphore_mem>>)
      %dma_wait3A = arith.constant 2048 : i32
      %dma_wait3A_169 = tpu.memref_slice %arg12[%dma_wait3A] : memref<20480xi32, #tpu.memory_space<vmem>> -> memref<1024xi32, #tpu.memory_space<vmem>>
      %dma_wait3A_170 = tpu.memref_slice %arg4[%add3A_5] : memref<327680xi32, #tpu.memory_space<hbm>> -> memref<1024xi32, #tpu.memory_space<hbm>>
      %dma_wait3A_171 = arith.constant 2048 : i32
      %dma_wait3A_172 = tpu.memref_slice %arg12[%dma_wait3A_171] : memref<20480xi32, #tpu.memory_space<vmem>> -> memref<1024xi32, #tpu.memory_space<vmem>>
      %dma_wait3A_173 = tpu.memref_slice %arg4[%add3A_5] : memref<327680xi32, #tpu.memory_space<hbm>> -> memref<1024xi32, #tpu.memory_space<hbm>>
      tpu.wait_dma2 semaphore(%run_scoped3A : memref<!tpu.dma_semaphore, #tpu.memory_space<semaphore_mem>>) src(%dma_wait3A_173 : memref<1024xi32, #tpu.memory_space<hbm>>) dst(%dma_wait3A_172 : memref<1024xi32, #tpu.memory_space<vmem>>)
      tpu.yield
    }) : () -> ()
    %add3A_6 = arith.constant 49152 : i32
    %add3A_7 = arith.addi %add3A_6, %mul3A_0 : i32
    "tpu.region"() ({
      %run_scoped3A = tpu.sem_alloc : memref<!tpu.dma_semaphore, #tpu.memory_space<semaphore_mem>>
      %dma_start3A = arith.constant 3072 : i32
      %dma_start3A_164 = tpu.memref_slice %arg12[%dma_start3A] : memref<20480xi32, #tpu.memory_space<vmem>> -> memref<1024xi32, #tpu.memory_space<vmem>>
      %dma_start3A_165 = tpu.memref_slice %arg4[%add3A_7] : memref<327680xi32, #tpu.memory_space<hbm>> -> memref<1024xi32, #tpu.memory_space<hbm>>
      %dma_start3A_166 = arith.constant 3072 : i32
      %dma_start3A_167 = tpu.memref_slice %arg12[%dma_start3A_166] : memref<20480xi32, #tpu.memory_space<vmem>> -> memref<1024xi32, #tpu.memory_space<vmem>>
      %dma_start3A_168 = tpu.memref_slice %arg4[%add3A_7] : memref<327680xi32, #tpu.memory_space<hbm>> -> memref<1024xi32, #tpu.memory_space<hbm>>
      tpu.enqueue_dma source(%dma_start3A_168 : memref<1024xi32, #tpu.memory_space<hbm>>) target(%dma_start3A_167 : memref<1024xi32, #tpu.memory_space<vmem>>) target_semaphore(%run_scoped3A : memref<!tpu.dma_semaphore, #tpu.memory_space<semaphore_mem>>)
      %dma_wait3A = arith.constant 3072 : i32
      %dma_wait3A_169 = tpu.memref_slice %arg12[%dma_wait3A] : memref<20480xi32, #tpu.memory_space<vmem>> -> memref<1024xi32, #tpu.memory_space<vmem>>
      %dma_wait3A_170 = tpu.memref_slice %arg4[%add3A_7] : memref<327680xi32, #tpu.memory_space<hbm>> -> memref<1024xi32, #tpu.memory_space<hbm>>
      %dma_wait3A_171 = arith.constant 3072 : i32
      %dma_wait3A_172 = tpu.memref_slice %arg12[%dma_wait3A_171] : memref<20480xi32, #tpu.memory_space<vmem>> -> memref<1024xi32, #tpu.memory_space<vmem>>
      %dma_wait3A_173 = tpu.memref_slice %arg4[%add3A_7] : memref<327680xi32, #tpu.memory_space<hbm>> -> memref<1024xi32, #tpu.memory_space<hbm>>
      tpu.wait_dma2 semaphore(%run_scoped3A : memref<!tpu.dma_semaphore, #tpu.memory_space<semaphore_mem>>) src(%dma_wait3A_173 : memref<1024xi32, #tpu.memory_space<hbm>>) dst(%dma_wait3A_172 : memref<1024xi32, #tpu.memory_space<vmem>>)
      tpu.yield
    }) : () -> ()
    %add3A_8 = arith.constant 65536 : i32
    %add3A_9 = arith.addi %add3A_8, %mul3A_0 : i32
    "tpu.region"() ({
      %run_scoped3A = tpu.sem_alloc : memref<!tpu.dma_semaphore, #tpu.memory_space<semaphore_mem>>
      %dma_start3A = arith.constant 4096 : i32
      %dma_start3A_164 = tpu.memref_slice %arg12[%dma_start3A] : memref<20480xi32, #tpu.memory_space<vmem>> -> memref<1024xi32, #tpu.memory_space<vmem>>
      %dma_start3A_165 = tpu.memref_slice %arg4[%add3A_9] : memref<327680xi32, #tpu.memory_space<hbm>> -> memref<1024xi32, #tpu.memory_space<hbm>>
      %dma_start3A_166 = arith.constant 4096 : i32
      %dma_start3A_167 = tpu.memref_slice %arg12[%dma_start3A_166] : memref<20480xi32, #tpu.memory_space<vmem>> -> memref<1024xi32, #tpu.memory_space<vmem>>
      %dma_start3A_168 = tpu.memref_slice %arg4[%add3A_9] : memref<327680xi32, #tpu.memory_space<hbm>> -> memref<1024xi32, #tpu.memory_space<hbm>>
      tpu.enqueue_dma source(%dma_start3A_168 : memref<1024xi32, #tpu.memory_space<hbm>>) target(%dma_start3A_167 : memref<1024xi32, #tpu.memory_space<vmem>>) target_semaphore(%run_scoped3A : memref<!tpu.dma_semaphore, #tpu.memory_space<semaphore_mem>>)
      %dma_wait3A = arith.constant 4096 : i32
      %dma_wait3A_169 = tpu.memref_slice %arg12[%dma_wait3A] : memref<20480xi32, #tpu.memory_space<vmem>> -> memref<1024xi32, #tpu.memory_space<vmem>>
      %dma_wait3A_170 = tpu.memref_slice %arg4[%add3A_9] : memref<327680xi32, #tpu.memory_space<hbm>> -> memref<1024xi32, #tpu.memory_space<hbm>>
      %dma_wait3A_171 = arith.constant 4096 : i32
      %dma_wait3A_172 = tpu.memref_slice %arg12[%dma_wait3A_171] : memref<20480xi32, #tpu.memory_space<vmem>> -> memref<1024xi32, #tpu.memory_space<vmem>>
      %dma_wait3A_173 = tpu.memref_slice %arg4[%add3A_9] : memref<327680xi32, #tpu.memory_space<hbm>> -> memref<1024xi32, #tpu.memory_space<hbm>>
      tpu.wait_dma2 semaphore(%run_scoped3A : memref<!tpu.dma_semaphore, #tpu.memory_space<semaphore_mem>>) src(%dma_wait3A_173 : memref<1024xi32, #tpu.memory_space<hbm>>) dst(%dma_wait3A_172 : memref<1024xi32, #tpu.memory_space<vmem>>)
      tpu.yield
    }) : () -> ()
    %add3A_10 = arith.constant 81920 : i32
    %add3A_11 = arith.addi %add3A_10, %mul3A_0 : i32
    "tpu.region"() ({
      %run_scoped3A = tpu.sem_alloc : memref<!tpu.dma_semaphore, #tpu.memory_space<semaphore_mem>>
      %dma_start3A = arith.constant 5120 : i32
      %dma_start3A_164 = tpu.memref_slice %arg12[%dma_start3A] : memref<20480xi32, #tpu.memory_space<vmem>> -> memref<1024xi32, #tpu.memory_space<vmem>>
      %dma_start3A_165 = tpu.memref_slice %arg4[%add3A_11] : memref<327680xi32, #tpu.memory_space<hbm>> -> memref<1024xi32, #tpu.memory_space<hbm>>
      %dma_start3A_166 = arith.constant 5120 : i32
      %dma_start3A_167 = tpu.memref_slice %arg12[%dma_start3A_166] : memref<20480xi32, #tpu.memory_space<vmem>> -> memref<1024xi32, #tpu.memory_space<vmem>>
      %dma_start3A_168 = tpu.memref_slice %arg4[%add3A_11] : memref<327680xi32, #tpu.memory_space<hbm>> -> memref<1024xi32, #tpu.memory_space<hbm>>
      tpu.enqueue_dma source(%dma_start3A_168 : memref<1024xi32, #tpu.memory_space<hbm>>) target(%dma_start3A_167 : memref<1024xi32, #tpu.memory_space<vmem>>) target_semaphore(%run_scoped3A : memref<!tpu.dma_semaphore, #tpu.memory_space<semaphore_mem>>)
      %dma_wait3A = arith.constant 5120 : i32
      %dma_wait3A_169 = tpu.memref_slice %arg12[%dma_wait3A] : memref<20480xi32, #tpu.memory_space<vmem>> -> memref<1024xi32, #tpu.memory_space<vmem>>
      %dma_wait3A_170 = tpu.memref_slice %arg4[%add3A_11] : memref<327680xi32, #tpu.memory_space<hbm>> -> memref<1024xi32, #tpu.memory_space<hbm>>
      %dma_wait3A_171 = arith.constant 5120 : i32
      %dma_wait3A_172 = tpu.memref_slice %arg12[%dma_wait3A_171] : memref<20480xi32, #tpu.memory_space<vmem>> -> memref<1024xi32, #tpu.memory_space<vmem>>
      %dma_wait3A_173 = tpu.memref_slice %arg4[%add3A_11] : memref<327680xi32, #tpu.memory_space<hbm>> -> memref<1024xi32, #tpu.memory_space<hbm>>
      tpu.wait_dma2 semaphore(%run_scoped3A : memref<!tpu.dma_semaphore, #tpu.memory_space<semaphore_mem>>) src(%dma_wait3A_173 : memref<1024xi32, #tpu.memory_space<hbm>>) dst(%dma_wait3A_172 : memref<1024xi32, #tpu.memory_space<vmem>>)
      tpu.yield
    }) : () -> ()
    %add3A_12 = arith.constant 98304 : i32
    %add3A_13 = arith.addi %add3A_12, %mul3A_0 : i32
    "tpu.region"() ({
      %run_scoped3A = tpu.sem_alloc : memref<!tpu.dma_semaphore, #tpu.memory_space<semaphore_mem>>
      %dma_start3A = arith.constant 6144 : i32
      %dma_start3A_164 = tpu.memref_slice %arg12[%dma_start3A] : memref<20480xi32, #tpu.memory_space<vmem>> -> memref<1024xi32, #tpu.memory_space<vmem>>
      %dma_start3A_165 = tpu.memref_slice %arg4[%add3A_13] : memref<327680xi32, #tpu.memory_space<hbm>> -> memref<1024xi32, #tpu.memory_space<hbm>>
      %dma_start3A_166 = arith.constant 6144 : i32
      %dma_start3A_167 = tpu.memref_slice %arg12[%dma_start3A_166] : memref<20480xi32, #tpu.memory_space<vmem>> -> memref<1024xi32, #tpu.memory_space<vmem>>
      %dma_start3A_168 = tpu.memref_slice %arg4[%add3A_13] : memref<327680xi32, #tpu.memory_space<hbm>> -> memref<1024xi32, #tpu.memory_space<hbm>>
      tpu.enqueue_dma source(%dma_start3A_168 : memref<1024xi32, #tpu.memory_space<hbm>>) target(%dma_start3A_167 : memref<1024xi32, #tpu.memory_space<vmem>>) target_semaphore(%run_scoped3A : memref<!tpu.dma_semaphore, #tpu.memory_space<semaphore_mem>>)
      %dma_wait3A = arith.constant 6144 : i32
      %dma_wait3A_169 = tpu.memref_slice %arg12[%dma_wait3A] : memref<20480xi32, #tpu.memory_space<vmem>> -> memref<1024xi32, #tpu.memory_space<vmem>>
      %dma_wait3A_170 = tpu.memref_slice %arg4[%add3A_13] : memref<327680xi32, #tpu.memory_space<hbm>> -> memref<1024xi32, #tpu.memory_space<hbm>>
      %dma_wait3A_171 = arith.constant 6144 : i32
      %dma_wait3A_172 = tpu.memref_slice %arg12[%dma_wait3A_171] : memref<20480xi32, #tpu.memory_space<vmem>> -> memref<1024xi32, #tpu.memory_space<vmem>>
      %dma_wait3A_173 = tpu.memref_slice %arg4[%add3A_13] : memref<327680xi32, #tpu.memory_space<hbm>> -> memref<1024xi32, #tpu.memory_space<hbm>>
      tpu.wait_dma2 semaphore(%run_scoped3A : memref<!tpu.dma_semaphore, #tpu.memory_space<semaphore_mem>>) src(%dma_wait3A_173 : memref<1024xi32, #tpu.memory_space<hbm>>) dst(%dma_wait3A_172 : memref<1024xi32, #tpu.memory_space<vmem>>)
      tpu.yield
    }) : () -> ()
    %add3A_14 = arith.constant 114688 : i32
    %add3A_15 = arith.addi %add3A_14, %mul3A_0 : i32
    "tpu.region"() ({
      %run_scoped3A = tpu.sem_alloc : memref<!tpu.dma_semaphore, #tpu.memory_space<semaphore_mem>>
      %dma_start3A = arith.constant 7168 : i32
      %dma_start3A_164 = tpu.memref_slice %arg12[%dma_start3A] : memref<20480xi32, #tpu.memory_space<vmem>> -> memref<1024xi32, #tpu.memory_space<vmem>>
      %dma_start3A_165 = tpu.memref_slice %arg4[%add3A_15] : memref<327680xi32, #tpu.memory_space<hbm>> -> memref<1024xi32, #tpu.memory_space<hbm>>
      %dma_start3A_166 = arith.constant 7168 : i32
      %dma_start3A_167 = tpu.memref_slice %arg12[%dma_start3A_166] : memref<20480xi32, #tpu.memory_space<vmem>> -> memref<1024xi32, #tpu.memory_space<vmem>>
      %dma_start3A_168 = tpu.memref_slice %arg4[%add3A_15] : memref<327680xi32, #tpu.memory_space<hbm>> -> memref<1024xi32, #tpu.memory_space<hbm>>
      tpu.enqueue_dma source(%dma_start3A_168 : memref<1024xi32, #tpu.memory_space<hbm>>) target(%dma_start3A_167 : memref<1024xi32, #tpu.memory_space<vmem>>) target_semaphore(%run_scoped3A : memref<!tpu.dma_semaphore, #tpu.memory_space<semaphore_mem>>)
      %dma_wait3A = arith.constant 7168 : i32
      %dma_wait3A_169 = tpu.memref_slice %arg12[%dma_wait3A] : memref<20480xi32, #tpu.memory_space<vmem>> -> memref<1024xi32, #tpu.memory_space<vmem>>
      %dma_wait3A_170 = tpu.memref_slice %arg4[%add3A_15] : memref<327680xi32, #tpu.memory_space<hbm>> -> memref<1024xi32, #tpu.memory_space<hbm>>
      %dma_wait3A_171 = arith.constant 7168 : i32
      %dma_wait3A_172 = tpu.memref_slice %arg12[%dma_wait3A_171] : memref<20480xi32, #tpu.memory_space<vmem>> -> memref<1024xi32, #tpu.memory_space<vmem>>
      %dma_wait3A_173 = tpu.memref_slice %arg4[%add3A_15] : memref<327680xi32, #tpu.memory_space<hbm>> -> memref<1024xi32, #tpu.memory_space<hbm>>
      tpu.wait_dma2 semaphore(%run_scoped3A : memref<!tpu.dma_semaphore, #tpu.memory_space<semaphore_mem>>) src(%dma_wait3A_173 : memref<1024xi32, #tpu.memory_space<hbm>>) dst(%dma_wait3A_172 : memref<1024xi32, #tpu.memory_space<vmem>>)
      tpu.yield
    }) : () -> ()
    %add3A_16 = arith.constant 131072 : i32
    %add3A_17 = arith.addi %add3A_16, %mul3A_0 : i32
    "tpu.region"() ({
      %run_scoped3A = tpu.sem_alloc : memref<!tpu.dma_semaphore, #tpu.memory_space<semaphore_mem>>
      %dma_start3A = arith.constant 8192 : i32
      %dma_start3A_164 = tpu.memref_slice %arg12[%dma_start3A] : memref<20480xi32, #tpu.memory_space<vmem>> -> memref<1024xi32, #tpu.memory_space<vmem>>
      %dma_start3A_165 = tpu.memref_slice %arg4[%add3A_17] : memref<327680xi32, #tpu.memory_space<hbm>> -> memref<1024xi32, #tpu.memory_space<hbm>>
      %dma_start3A_166 = arith.constant 8192 : i32
      %dma_start3A_167 = tpu.memref_slice %arg12[%dma_start3A_166] : memref<20480xi32, #tpu.memory_space<vmem>> -> memref<1024xi32, #tpu.memory_space<vmem>>
      %dma_start3A_168 = tpu.memref_slice %arg4[%add3A_17] : memref<327680xi32, #tpu.memory_space<hbm>> -> memref<1024xi32, #tpu.memory_space<hbm>>
      tpu.enqueue_dma source(%dma_start3A_168 : memref<1024xi32, #tpu.memory_space<hbm>>) target(%dma_start3A_167 : memref<1024xi32, #tpu.memory_space<vmem>>) target_semaphore(%run_scoped3A : memref<!tpu.dma_semaphore, #tpu.memory_space<semaphore_mem>>)
      %dma_wait3A = arith.constant 8192 : i32
      %dma_wait3A_169 = tpu.memref_slice %arg12[%dma_wait3A] : memref<20480xi32, #tpu.memory_space<vmem>> -> memref<1024xi32, #tpu.memory_space<vmem>>
      %dma_wait3A_170 = tpu.memref_slice %arg4[%add3A_17] : memref<327680xi32, #tpu.memory_space<hbm>> -> memref<1024xi32, #tpu.memory_space<hbm>>
      %dma_wait3A_171 = arith.constant 8192 : i32
      %dma_wait3A_172 = tpu.memref_slice %arg12[%dma_wait3A_171] : memref<20480xi32, #tpu.memory_space<vmem>> -> memref<1024xi32, #tpu.memory_space<vmem>>
      %dma_wait3A_173 = tpu.memref_slice %arg4[%add3A_17] : memref<327680xi32, #tpu.memory_space<hbm>> -> memref<1024xi32, #tpu.memory_space<hbm>>
      tpu.wait_dma2 semaphore(%run_scoped3A : memref<!tpu.dma_semaphore, #tpu.memory_space<semaphore_mem>>) src(%dma_wait3A_173 : memref<1024xi32, #tpu.memory_space<hbm>>) dst(%dma_wait3A_172 : memref<1024xi32, #tpu.memory_space<vmem>>)
      tpu.yield
    }) : () -> ()
    %add3A_18 = arith.constant 147456 : i32
    %add3A_19 = arith.addi %add3A_18, %mul3A_0 : i32
    "tpu.region"() ({
      %run_scoped3A = tpu.sem_alloc : memref<!tpu.dma_semaphore, #tpu.memory_space<semaphore_mem>>
      %dma_start3A = arith.constant 9216 : i32
      %dma_start3A_164 = tpu.memref_slice %arg12[%dma_start3A] : memref<20480xi32, #tpu.memory_space<vmem>> -> memref<1024xi32, #tpu.memory_space<vmem>>
      %dma_start3A_165 = tpu.memref_slice %arg4[%add3A_19] : memref<327680xi32, #tpu.memory_space<hbm>> -> memref<1024xi32, #tpu.memory_space<hbm>>
      %dma_start3A_166 = arith.constant 9216 : i32
      %dma_start3A_167 = tpu.memref_slice %arg12[%dma_start3A_166] : memref<20480xi32, #tpu.memory_space<vmem>> -> memref<1024xi32, #tpu.memory_space<vmem>>
      %dma_start3A_168 = tpu.memref_slice %arg4[%add3A_19] : memref<327680xi32, #tpu.memory_space<hbm>> -> memref<1024xi32, #tpu.memory_space<hbm>>
      tpu.enqueue_dma source(%dma_start3A_168 : memref<1024xi32, #tpu.memory_space<hbm>>) target(%dma_start3A_167 : memref<1024xi32, #tpu.memory_space<vmem>>) target_semaphore(%run_scoped3A : memref<!tpu.dma_semaphore, #tpu.memory_space<semaphore_mem>>)
      %dma_wait3A = arith.constant 9216 : i32
      %dma_wait3A_169 = tpu.memref_slice %arg12[%dma_wait3A] : memref<20480xi32, #tpu.memory_space<vmem>> -> memref<1024xi32, #tpu.memory_space<vmem>>
      %dma_wait3A_170 = tpu.memref_slice %arg4[%add3A_19] : memref<327680xi32, #tpu.memory_space<hbm>> -> memref<1024xi32, #tpu.memory_space<hbm>>
      %dma_wait3A_171 = arith.constant 9216 : i32
      %dma_wait3A_172 = tpu.memref_slice %arg12[%dma_wait3A_171] : memref<20480xi32, #tpu.memory_space<vmem>> -> memref<1024xi32, #tpu.memory_space<vmem>>
      %dma_wait3A_173 = tpu.memref_slice %arg4[%add3A_19] : memref<327680xi32, #tpu.memory_space<hbm>> -> memref<1024xi32, #tpu.memory_space<hbm>>
      tpu.wait_dma2 semaphore(%run_scoped3A : memref<!tpu.dma_semaphore, #tpu.memory_space<semaphore_mem>>) src(%dma_wait3A_173 : memref<1024xi32, #tpu.memory_space<hbm>>) dst(%dma_wait3A_172 : memref<1024xi32, #tpu.memory_space<vmem>>)
      tpu.yield
    }) : () -> ()
    %add3A_20 = arith.constant 163840 : i32
    %add3A_21 = arith.addi %add3A_20, %mul3A_0 : i32
    "tpu.region"() ({
      %run_scoped3A = tpu.sem_alloc : memref<!tpu.dma_semaphore, #tpu.memory_space<semaphore_mem>>
      %dma_start3A = arith.constant 10240 : i32
      %dma_start3A_164 = tpu.memref_slice %arg12[%dma_start3A] : memref<20480xi32, #tpu.memory_space<vmem>> -> memref<1024xi32, #tpu.memory_space<vmem>>
      %dma_start3A_165 = tpu.memref_slice %arg4[%add3A_21] : memref<327680xi32, #tpu.memory_space<hbm>> -> memref<1024xi32, #tpu.memory_space<hbm>>
      %dma_start3A_166 = arith.constant 10240 : i32
      %dma_start3A_167 = tpu.memref_slice %arg12[%dma_start3A_166] : memref<20480xi32, #tpu.memory_space<vmem>> -> memref<1024xi32, #tpu.memory_space<vmem>>
      %dma_start3A_168 = tpu.memref_slice %arg4[%add3A_21] : memref<327680xi32, #tpu.memory_space<hbm>> -> memref<1024xi32, #tpu.memory_space<hbm>>
      tpu.enqueue_dma source(%dma_start3A_168 : memref<1024xi32, #tpu.memory_space<hbm>>) target(%dma_start3A_167 : memref<1024xi32, #tpu.memory_space<vmem>>) target_semaphore(%run_scoped3A : memref<!tpu.dma_semaphore, #tpu.memory_space<semaphore_mem>>)
      %dma_wait3A = arith.constant 10240 : i32
      %dma_wait3A_169 = tpu.memref_slice %arg12[%dma_wait3A] : memref<20480xi32, #tpu.memory_space<vmem>> -> memref<1024xi32, #tpu.memory_space<vmem>>
      %dma_wait3A_170 = tpu.memref_slice %arg4[%add3A_21] : memref<327680xi32, #tpu.memory_space<hbm>> -> memref<1024xi32, #tpu.memory_space<hbm>>
      %dma_wait3A_171 = arith.constant 10240 : i32
      %dma_wait3A_172 = tpu.memref_slice %arg12[%dma_wait3A_171] : memref<20480xi32, #tpu.memory_space<vmem>> -> memref<1024xi32, #tpu.memory_space<vmem>>
      %dma_wait3A_173 = tpu.memref_slice %arg4[%add3A_21] : memref<327680xi32, #tpu.memory_space<hbm>> -> memref<1024xi32, #tpu.memory_space<hbm>>
      tpu.wait_dma2 semaphore(%run_scoped3A : memref<!tpu.dma_semaphore, #tpu.memory_space<semaphore_mem>>) src(%dma_wait3A_173 : memref<1024xi32, #tpu.memory_space<hbm>>) dst(%dma_wait3A_172 : memref<1024xi32, #tpu.memory_space<vmem>>)
      tpu.yield
    }) : () -> ()
    %add3A_22 = arith.constant 180224 : i32
    %add3A_23 = arith.addi %add3A_22, %mul3A_0 : i32
    "tpu.region"() ({
      %run_scoped3A = tpu.sem_alloc : memref<!tpu.dma_semaphore, #tpu.memory_space<semaphore_mem>>
      %dma_start3A = arith.constant 11264 : i32
      %dma_start3A_164 = tpu.memref_slice %arg12[%dma_start3A] : memref<20480xi32, #tpu.memory_space<vmem>> -> memref<1024xi32, #tpu.memory_space<vmem>>
      %dma_start3A_165 = tpu.memref_slice %arg4[%add3A_23] : memref<327680xi32, #tpu.memory_space<hbm>> -> memref<1024xi32, #tpu.memory_space<hbm>>
      %dma_start3A_166 = arith.constant 11264 : i32
      %dma_start3A_167 = tpu.memref_slice %arg12[%dma_start3A_166] : memref<20480xi32, #tpu.memory_space<vmem>> -> memref<1024xi32, #tpu.memory_space<vmem>>
      %dma_start3A_168 = tpu.memref_slice %arg4[%add3A_23] : memref<327680xi32, #tpu.memory_space<hbm>> -> memref<1024xi32, #tpu.memory_space<hbm>>
      tpu.enqueue_dma source(%dma_start3A_168 : memref<1024xi32, #tpu.memory_space<hbm>>) target(%dma_start3A_167 : memref<1024xi32, #tpu.memory_space<vmem>>) target_semaphore(%run_scoped3A : memref<!tpu.dma_semaphore, #tpu.memory_space<semaphore_mem>>)
      %dma_wait3A = arith.constant 11264 : i32
      %dma_wait3A_169 = tpu.memref_slice %arg12[%dma_wait3A] : memref<20480xi32, #tpu.memory_space<vmem>> -> memref<1024xi32, #tpu.memory_space<vmem>>
      %dma_wait3A_170 = tpu.memref_slice %arg4[%add3A_23] : memref<327680xi32, #tpu.memory_space<hbm>> -> memref<1024xi32, #tpu.memory_space<hbm>>
      %dma_wait3A_171 = arith.constant 11264 : i32
      %dma_wait3A_172 = tpu.memref_slice %arg12[%dma_wait3A_171] : memref<20480xi32, #tpu.memory_space<vmem>> -> memref<1024xi32, #tpu.memory_space<vmem>>
      %dma_wait3A_173 = tpu.memref_slice %arg4[%add3A_23] : memref<327680xi32, #tpu.memory_space<hbm>> -> memref<1024xi32, #tpu.memory_space<hbm>>
      tpu.wait_dma2 semaphore(%run_scoped3A : memref<!tpu.dma_semaphore, #tpu.memory_space<semaphore_mem>>) src(%dma_wait3A_173 : memref<1024xi32, #tpu.memory_space<hbm>>) dst(%dma_wait3A_172 : memref<1024xi32, #tpu.memory_space<vmem>>)
      tpu.yield
    }) : () -> ()
    %add3A_24 = arith.constant 196608 : i32
    %add3A_25 = arith.addi %add3A_24, %mul3A_0 : i32
    "tpu.region"() ({
      %run_scoped3A = tpu.sem_alloc : memref<!tpu.dma_semaphore, #tpu.memory_space<semaphore_mem>>
      %dma_start3A = arith.constant 12288 : i32
      %dma_start3A_164 = tpu.memref_slice %arg12[%dma_start3A] : memref<20480xi32, #tpu.memory_space<vmem>> -> memref<1024xi32, #tpu.memory_space<vmem>>
      %dma_start3A_165 = tpu.memref_slice %arg4[%add3A_25] : memref<327680xi32, #tpu.memory_space<hbm>> -> memref<1024xi32, #tpu.memory_space<hbm>>
      %dma_start3A_166 = arith.constant 12288 : i32
      %dma_start3A_167 = tpu.memref_slice %arg12[%dma_start3A_166] : memref<20480xi32, #tpu.memory_space<vmem>> -> memref<1024xi32, #tpu.memory_space<vmem>>
      %dma_start3A_168 = tpu.memref_slice %arg4[%add3A_25] : memref<327680xi32, #tpu.memory_space<hbm>> -> memref<1024xi32, #tpu.memory_space<hbm>>
      tpu.enqueue_dma source(%dma_start3A_168 : memref<1024xi32, #tpu.memory_space<hbm>>) target(%dma_start3A_167 : memref<1024xi32, #tpu.memory_space<vmem>>) target_semaphore(%run_scoped3A : memref<!tpu.dma_semaphore, #tpu.memory_space<semaphore_mem>>)
      %dma_wait3A = arith.constant 12288 : i32
      %dma_wait3A_169 = tpu.memref_slice %arg12[%dma_wait3A] : memref<20480xi32, #tpu.memory_space<vmem>> -> memref<1024xi32, #tpu.memory_space<vmem>>
      %dma_wait3A_170 = tpu.memref_slice %arg4[%add3A_25] : memref<327680xi32, #tpu.memory_space<hbm>> -> memref<1024xi32, #tpu.memory_space<hbm>>
      %dma_wait3A_171 = arith.constant 12288 : i32
      %dma_wait3A_172 = tpu.memref_slice %arg12[%dma_wait3A_171] : memref<20480xi32, #tpu.memory_space<vmem>> -> memref<1024xi32, #tpu.memory_space<vmem>>
      %dma_wait3A_173 = tpu.memref_slice %arg4[%add3A_25] : memref<327680xi32, #tpu.memory_space<hbm>> -> memref<1024xi32, #tpu.memory_space<hbm>>
      tpu.wait_dma2 semaphore(%run_scoped3A : memref<!tpu.dma_semaphore, #tpu.memory_space<semaphore_mem>>) src(%dma_wait3A_173 : memref<1024xi32, #tpu.memory_space<hbm>>) dst(%dma_wait3A_172 : memref<1024xi32, #tpu.memory_space<vmem>>)
      tpu.yield
    }) : () -> ()
    %add3A_26 = arith.constant 212992 : i32
    %add3A_27 = arith.addi %add3A_26, %mul3A_0 : i32
    "tpu.region"() ({
      %run_scoped3A = tpu.sem_alloc : memref<!tpu.dma_semaphore, #tpu.memory_space<semaphore_mem>>
      %dma_start3A = arith.constant 13312 : i32
      %dma_start3A_164 = tpu.memref_slice %arg12[%dma_start3A] : memref<20480xi32, #tpu.memory_space<vmem>> -> memref<1024xi32, #tpu.memory_space<vmem>>
      %dma_start3A_165 = tpu.memref_slice %arg4[%add3A_27] : memref<327680xi32, #tpu.memory_space<hbm>> -> memref<1024xi32, #tpu.memory_space<hbm>>
      %dma_start3A_166 = arith.constant 13312 : i32
      %dma_start3A_167 = tpu.memref_slice %arg12[%dma_start3A_166] : memref<20480xi32, #tpu.memory_space<vmem>> -> memref<1024xi32, #tpu.memory_space<vmem>>
      %dma_start3A_168 = tpu.memref_slice %arg4[%add3A_27] : memref<327680xi32, #tpu.memory_space<hbm>> -> memref<1024xi32, #tpu.memory_space<hbm>>
      tpu.enqueue_dma source(%dma_start3A_168 : memref<1024xi32, #tpu.memory_space<hbm>>) target(%dma_start3A_167 : memref<1024xi32, #tpu.memory_space<vmem>>) target_semaphore(%run_scoped3A : memref<!tpu.dma_semaphore, #tpu.memory_space<semaphore_mem>>)
      %dma_wait3A = arith.constant 13312 : i32
      %dma_wait3A_169 = tpu.memref_slice %arg12[%dma_wait3A] : memref<20480xi32, #tpu.memory_space<vmem>> -> memref<1024xi32, #tpu.memory_space<vmem>>
      %dma_wait3A_170 = tpu.memref_slice %arg4[%add3A_27] : memref<327680xi32, #tpu.memory_space<hbm>> -> memref<1024xi32, #tpu.memory_space<hbm>>
      %dma_wait3A_171 = arith.constant 13312 : i32
      %dma_wait3A_172 = tpu.memref_slice %arg12[%dma_wait3A_171] : memref<20480xi32, #tpu.memory_space<vmem>> -> memref<1024xi32, #tpu.memory_space<vmem>>
      %dma_wait3A_173 = tpu.memref_slice %arg4[%add3A_27] : memref<327680xi32, #tpu.memory_space<hbm>> -> memref<1024xi32, #tpu.memory_space<hbm>>
      tpu.wait_dma2 semaphore(%run_scoped3A : memref<!tpu.dma_semaphore, #tpu.memory_space<semaphore_mem>>) src(%dma_wait3A_173 : memref<1024xi32, #tpu.memory_space<hbm>>) dst(%dma_wait3A_172 : memref<1024xi32, #tpu.memory_space<vmem>>)
      tpu.yield
    }) : () -> ()
    %add3A_28 = arith.constant 229376 : i32
    %add3A_29 = arith.addi %add3A_28, %mul3A_0 : i32
    "tpu.region"() ({
      %run_scoped3A = tpu.sem_alloc : memref<!tpu.dma_semaphore, #tpu.memory_space<semaphore_mem>>
      %dma_start3A = arith.constant 14336 : i32
      %dma_start3A_164 = tpu.memref_slice %arg12[%dma_start3A] : memref<20480xi32, #tpu.memory_space<vmem>> -> memref<1024xi32, #tpu.memory_space<vmem>>
      %dma_start3A_165 = tpu.memref_slice %arg4[%add3A_29] : memref<327680xi32, #tpu.memory_space<hbm>> -> memref<1024xi32, #tpu.memory_space<hbm>>
      %dma_start3A_166 = arith.constant 14336 : i32
      %dma_start3A_167 = tpu.memref_slice %arg12[%dma_start3A_166] : memref<20480xi32, #tpu.memory_space<vmem>> -> memref<1024xi32, #tpu.memory_space<vmem>>
      %dma_start3A_168 = tpu.memref_slice %arg4[%add3A_29] : memref<327680xi32, #tpu.memory_space<hbm>> -> memref<1024xi32, #tpu.memory_space<hbm>>
      tpu.enqueue_dma source(%dma_start3A_168 : memref<1024xi32, #tpu.memory_space<hbm>>) target(%dma_start3A_167 : memref<1024xi32, #tpu.memory_space<vmem>>) target_semaphore(%run_scoped3A : memref<!tpu.dma_semaphore, #tpu.memory_space<semaphore_mem>>)
      %dma_wait3A = arith.constant 14336 : i32
      %dma_wait3A_169 = tpu.memref_slice %arg12[%dma_wait3A] : memref<20480xi32, #tpu.memory_space<vmem>> -> memref<1024xi32, #tpu.memory_space<vmem>>
      %dma_wait3A_170 = tpu.memref_slice %arg4[%add3A_29] : memref<327680xi32, #tpu.memory_space<hbm>> -> memref<1024xi32, #tpu.memory_space<hbm>>
      %dma_wait3A_171 = arith.constant 14336 : i32
      %dma_wait3A_172 = tpu.memref_slice %arg12[%dma_wait3A_171] : memref<20480xi32, #tpu.memory_space<vmem>> -> memref<1024xi32, #tpu.memory_space<vmem>>
      %dma_wait3A_173 = tpu.memref_slice %arg4[%add3A_29] : memref<327680xi32, #tpu.memory_space<hbm>> -> memref<1024xi32, #tpu.memory_space<hbm>>
      tpu.wait_dma2 semaphore(%run_scoped3A : memref<!tpu.dma_semaphore, #tpu.memory_space<semaphore_mem>>) src(%dma_wait3A_173 : memref<1024xi32, #tpu.memory_space<hbm>>) dst(%dma_wait3A_172 : memref<1024xi32, #tpu.memory_space<vmem>>)
      tpu.yield
    }) : () -> ()
    %add3A_30 = arith.constant 245760 : i32
    %add3A_31 = arith.addi %add3A_30, %mul3A_0 : i32
    "tpu.region"() ({
      %run_scoped3A = tpu.sem_alloc : memref<!tpu.dma_semaphore, #tpu.memory_space<semaphore_mem>>
      %dma_start3A = arith.constant 15360 : i32
      %dma_start3A_164 = tpu.memref_slice %arg12[%dma_start3A] : memref<20480xi32, #tpu.memory_space<vmem>> -> memref<1024xi32, #tpu.memory_space<vmem>>
      %dma_start3A_165 = tpu.memref_slice %arg4[%add3A_31] : memref<327680xi32, #tpu.memory_space<hbm>> -> memref<1024xi32, #tpu.memory_space<hbm>>
      %dma_start3A_166 = arith.constant 15360 : i32
      %dma_start3A_167 = tpu.memref_slice %arg12[%dma_start3A_166] : memref<20480xi32, #tpu.memory_space<vmem>> -> memref<1024xi32, #tpu.memory_space<vmem>>
      %dma_start3A_168 = tpu.memref_slice %arg4[%add3A_31] : memref<327680xi32, #tpu.memory_space<hbm>> -> memref<1024xi32, #tpu.memory_space<hbm>>
      tpu.enqueue_dma source(%dma_start3A_168 : memref<1024xi32, #tpu.memory_space<hbm>>) target(%dma_start3A_167 : memref<1024xi32, #tpu.memory_space<vmem>>) target_semaphore(%run_scoped3A : memref<!tpu.dma_semaphore, #tpu.memory_space<semaphore_mem>>)
      %dma_wait3A = arith.constant 15360 : i32
      %dma_wait3A_169 = tpu.memref_slice %arg12[%dma_wait3A] : memref<20480xi32, #tpu.memory_space<vmem>> -> memref<1024xi32, #tpu.memory_space<vmem>>
      %dma_wait3A_170 = tpu.memref_slice %arg4[%add3A_31] : memref<327680xi32, #tpu.memory_space<hbm>> -> memref<1024xi32, #tpu.memory_space<hbm>>
      %dma_wait3A_171 = arith.constant 15360 : i32
      %dma_wait3A_172 = tpu.memref_slice %arg12[%dma_wait3A_171] : memref<20480xi32, #tpu.memory_space<vmem>> -> memref<1024xi32, #tpu.memory_space<vmem>>
      %dma_wait3A_173 = tpu.memref_slice %arg4[%add3A_31] : memref<327680xi32, #tpu.memory_space<hbm>> -> memref<1024xi32, #tpu.memory_space<hbm>>
      tpu.wait_dma2 semaphore(%run_scoped3A : memref<!tpu.dma_semaphore, #tpu.memory_space<semaphore_mem>>) src(%dma_wait3A_173 : memref<1024xi32, #tpu.memory_space<hbm>>) dst(%dma_wait3A_172 : memref<1024xi32, #tpu.memory_space<vmem>>)
      tpu.yield
    }) : () -> ()
    %add3A_32 = arith.constant 262144 : i32
    %add3A_33 = arith.addi %add3A_32, %mul3A_0 : i32
    "tpu.region"() ({
      %run_scoped3A = tpu.sem_alloc : memref<!tpu.dma_semaphore, #tpu.memory_space<semaphore_mem>>
      %dma_start3A = arith.constant 16384 : i32
      %dma_start3A_164 = tpu.memref_slice %arg12[%dma_start3A] : memref<20480xi32, #tpu.memory_space<vmem>> -> memref<1024xi32, #tpu.memory_space<vmem>>
      %dma_start3A_165 = tpu.memref_slice %arg4[%add3A_33] : memref<327680xi32, #tpu.memory_space<hbm>> -> memref<1024xi32, #tpu.memory_space<hbm>>
      %dma_start3A_166 = arith.constant 16384 : i32
      %dma_start3A_167 = tpu.memref_slice %arg12[%dma_start3A_166] : memref<20480xi32, #tpu.memory_space<vmem>> -> memref<1024xi32, #tpu.memory_space<vmem>>
      %dma_start3A_168 = tpu.memref_slice %arg4[%add3A_33] : memref<327680xi32, #tpu.memory_space<hbm>> -> memref<1024xi32, #tpu.memory_space<hbm>>
      tpu.enqueue_dma source(%dma_start3A_168 : memref<1024xi32, #tpu.memory_space<hbm>>) target(%dma_start3A_167 : memref<1024xi32, #tpu.memory_space<vmem>>) target_semaphore(%run_scoped3A : memref<!tpu.dma_semaphore, #tpu.memory_space<semaphore_mem>>)
      %dma_wait3A = arith.constant 16384 : i32
      %dma_wait3A_169 = tpu.memref_slice %arg12[%dma_wait3A] : memref<20480xi32, #tpu.memory_space<vmem>> -> memref<1024xi32, #tpu.memory_space<vmem>>
      %dma_wait3A_170 = tpu.memref_slice %arg4[%add3A_33] : memref<327680xi32, #tpu.memory_space<hbm>> -> memref<1024xi32, #tpu.memory_space<hbm>>
      %dma_wait3A_171 = arith.constant 16384 : i32
      %dma_wait3A_172 = tpu.memref_slice %arg12[%dma_wait3A_171] : memref<20480xi32, #tpu.memory_space<vmem>> -> memref<1024xi32, #tpu.memory_space<vmem>>
      %dma_wait3A_173 = tpu.memref_slice %arg4[%add3A_33] : memref<327680xi32, #tpu.memory_space<hbm>> -> memref<1024xi32, #tpu.memory_space<hbm>>
      tpu.wait_dma2 semaphore(%run_scoped3A : memref<!tpu.dma_semaphore, #tpu.memory_space<semaphore_mem>>) src(%dma_wait3A_173 : memref<1024xi32, #tpu.memory_space<hbm>>) dst(%dma_wait3A_172 : memref<1024xi32, #tpu.memory_space<vmem>>)
      tpu.yield
    }) : () -> ()
    %add3A_34 = arith.constant 278528 : i32
    %add3A_35 = arith.addi %add3A_34, %mul3A_0 : i32
    "tpu.region"() ({
      %run_scoped3A = tpu.sem_alloc : memref<!tpu.dma_semaphore, #tpu.memory_space<semaphore_mem>>
      %dma_start3A = arith.constant 17408 : i32
      %dma_start3A_164 = tpu.memref_slice %arg12[%dma_start3A] : memref<20480xi32, #tpu.memory_space<vmem>> -> memref<1024xi32, #tpu.memory_space<vmem>>
      %dma_start3A_165 = tpu.memref_slice %arg4[%add3A_35] : memref<327680xi32, #tpu.memory_space<hbm>> -> memref<1024xi32, #tpu.memory_space<hbm>>
      %dma_start3A_166 = arith.constant 17408 : i32
      %dma_start3A_167 = tpu.memref_slice %arg12[%dma_start3A_166] : memref<20480xi32, #tpu.memory_space<vmem>> -> memref<1024xi32, #tpu.memory_space<vmem>>
      %dma_start3A_168 = tpu.memref_slice %arg4[%add3A_35] : memref<327680xi32, #tpu.memory_space<hbm>> -> memref<1024xi32, #tpu.memory_space<hbm>>
      tpu.enqueue_dma source(%dma_start3A_168 : memref<1024xi32, #tpu.memory_space<hbm>>) target(%dma_start3A_167 : memref<1024xi32, #tpu.memory_space<vmem>>) target_semaphore(%run_scoped3A : memref<!tpu.dma_semaphore, #tpu.memory_space<semaphore_mem>>)
      %dma_wait3A = arith.constant 17408 : i32
      %dma_wait3A_169 = tpu.memref_slice %arg12[%dma_wait3A] : memref<20480xi32, #tpu.memory_space<vmem>> -> memref<1024xi32, #tpu.memory_space<vmem>>
      %dma_wait3A_170 = tpu.memref_slice %arg4[%add3A_35] : memref<327680xi32, #tpu.memory_space<hbm>> -> memref<1024xi32, #tpu.memory_space<hbm>>
      %dma_wait3A_171 = arith.constant 17408 : i32
      %dma_wait3A_172 = tpu.memref_slice %arg12[%dma_wait3A_171] : memref<20480xi32, #tpu.memory_space<vmem>> -> memref<1024xi32, #tpu.memory_space<vmem>>
      %dma_wait3A_173 = tpu.memref_slice %arg4[%add3A_35] : memref<327680xi32, #tpu.memory_space<hbm>> -> memref<1024xi32, #tpu.memory_space<hbm>>
      tpu.wait_dma2 semaphore(%run_scoped3A : memref<!tpu.dma_semaphore, #tpu.memory_space<semaphore_mem>>) src(%dma_wait3A_173 : memref<1024xi32, #tpu.memory_space<hbm>>) dst(%dma_wait3A_172 : memref<1024xi32, #tpu.memory_space<vmem>>)
      tpu.yield
    }) : () -> ()
    %add3A_36 = arith.constant 294912 : i32
    %add3A_37 = arith.addi %add3A_36, %mul3A_0 : i32
    "tpu.region"() ({
      %run_scoped3A = tpu.sem_alloc : memref<!tpu.dma_semaphore, #tpu.memory_space<semaphore_mem>>
      %dma_start3A = arith.constant 18432 : i32
      %dma_start3A_164 = tpu.memref_slice %arg12[%dma_start3A] : memref<20480xi32, #tpu.memory_space<vmem>> -> memref<1024xi32, #tpu.memory_space<vmem>>
      %dma_start3A_165 = tpu.memref_slice %arg4[%add3A_37] : memref<327680xi32, #tpu.memory_space<hbm>> -> memref<1024xi32, #tpu.memory_space<hbm>>
      %dma_start3A_166 = arith.constant 18432 : i32
      %dma_start3A_167 = tpu.memref_slice %arg12[%dma_start3A_166] : memref<20480xi32, #tpu.memory_space<vmem>> -> memref<1024xi32, #tpu.memory_space<vmem>>
      %dma_start3A_168 = tpu.memref_slice %arg4[%add3A_37] : memref<327680xi32, #tpu.memory_space<hbm>> -> memref<1024xi32, #tpu.memory_space<hbm>>
      tpu.enqueue_dma source(%dma_start3A_168 : memref<1024xi32, #tpu.memory_space<hbm>>) target(%dma_start3A_167 : memref<1024xi32, #tpu.memory_space<vmem>>) target_semaphore(%run_scoped3A : memref<!tpu.dma_semaphore, #tpu.memory_space<semaphore_mem>>)
      %dma_wait3A = arith.constant 18432 : i32
      %dma_wait3A_169 = tpu.memref_slice %arg12[%dma_wait3A] : memref<20480xi32, #tpu.memory_space<vmem>> -> memref<1024xi32, #tpu.memory_space<vmem>>
      %dma_wait3A_170 = tpu.memref_slice %arg4[%add3A_37] : memref<327680xi32, #tpu.memory_space<hbm>> -> memref<1024xi32, #tpu.memory_space<hbm>>
      %dma_wait3A_171 = arith.constant 18432 : i32
      %dma_wait3A_172 = tpu.memref_slice %arg12[%dma_wait3A_171] : memref<20480xi32, #tpu.memory_space<vmem>> -> memref<1024xi32, #tpu.memory_space<vmem>>
      %dma_wait3A_173 = tpu.memref_slice %arg4[%add3A_37] : memref<327680xi32, #tpu.memory_space<hbm>> -> memref<1024xi32, #tpu.memory_space<hbm>>
      tpu.wait_dma2 semaphore(%run_scoped3A : memref<!tpu.dma_semaphore, #tpu.memory_space<semaphore_mem>>) src(%dma_wait3A_173 : memref<1024xi32, #tpu.memory_space<hbm>>) dst(%dma_wait3A_172 : memref<1024xi32, #tpu.memory_space<vmem>>)
      tpu.yield
    }) : () -> ()
    %add3A_38 = arith.constant 311296 : i32
    %add3A_39 = arith.addi %add3A_38, %mul3A_0 : i32
    "tpu.region"() ({
      %run_scoped3A = tpu.sem_alloc : memref<!tpu.dma_semaphore, #tpu.memory_space<semaphore_mem>>
      %dma_start3A = arith.constant 19456 : i32
      %dma_start3A_164 = tpu.memref_slice %arg12[%dma_start3A] : memref<20480xi32, #tpu.memory_space<vmem>> -> memref<1024xi32, #tpu.memory_space<vmem>>
      %dma_start3A_165 = tpu.memref_slice %arg4[%add3A_39] : memref<327680xi32, #tpu.memory_space<hbm>> -> memref<1024xi32, #tpu.memory_space<hbm>>
      %dma_start3A_166 = arith.constant 19456 : i32
      %dma_start3A_167 = tpu.memref_slice %arg12[%dma_start3A_166] : memref<20480xi32, #tpu.memory_space<vmem>> -> memref<1024xi32, #tpu.memory_space<vmem>>
      %dma_start3A_168 = tpu.memref_slice %arg4[%add3A_39] : memref<327680xi32, #tpu.memory_space<hbm>> -> memref<1024xi32, #tpu.memory_space<hbm>>
      tpu.enqueue_dma source(%dma_start3A_168 : memref<1024xi32, #tpu.memory_space<hbm>>) target(%dma_start3A_167 : memref<1024xi32, #tpu.memory_space<vmem>>) target_semaphore(%run_scoped3A : memref<!tpu.dma_semaphore, #tpu.memory_space<semaphore_mem>>)
      %dma_wait3A = arith.constant 19456 : i32
      %dma_wait3A_169 = tpu.memref_slice %arg12[%dma_wait3A] : memref<20480xi32, #tpu.memory_space<vmem>> -> memref<1024xi32, #tpu.memory_space<vmem>>
      %dma_wait3A_170 = tpu.memref_slice %arg4[%add3A_39] : memref<327680xi32, #tpu.memory_space<hbm>> -> memref<1024xi32, #tpu.memory_space<hbm>>
      %dma_wait3A_171 = arith.constant 19456 : i32
      %dma_wait3A_172 = tpu.memref_slice %arg12[%dma_wait3A_171] : memref<20480xi32, #tpu.memory_space<vmem>> -> memref<1024xi32, #tpu.memory_space<vmem>>
      %dma_wait3A_173 = tpu.memref_slice %arg4[%add3A_39] : memref<327680xi32, #tpu.memory_space<hbm>> -> memref<1024xi32, #tpu.memory_space<hbm>>
      tpu.wait_dma2 semaphore(%run_scoped3A : memref<!tpu.dma_semaphore, #tpu.memory_space<semaphore_mem>>) src(%dma_wait3A_173 : memref<1024xi32, #tpu.memory_space<hbm>>) dst(%dma_wait3A_172 : memref<1024xi32, #tpu.memory_space<vmem>>)
      tpu.yield
    }) : () -> ()
    %broadcast_in_dim3A = arith.constant 0.000000e+00 : f32
    %broadcast_in_dim3A_40 = vector.broadcast %broadcast_in_dim3A : f32 to vector<16xf32>
    %scan3A = arith.constant 0 : i32
    %scan3A_41 = arith.constant 0 : i32
    %scan3A_42 = arith.constant 64 : i32
    %scan3A_43 = arith.addi %scan3A_41, %scan3A_42 : i32
    %scan3A_44 = arith.constant 1 : i32
    %scan3A_45 = scf.for %scan3A_164 = %scan3A_41 to %scan3A_43 step %scan3A_44 iter_args(%scan3A_165 = %scan3A) -> (i32)  : i32 {
      %mul3A_166 = arith.constant 16 : i32
      %mul3A_167 = arith.muli %scan3A_164, %mul3A_166 : i32
      %swap3A = arith.index_cast %mul3A_167 : i32 to index
      %swap3A_168 = tpu.vector_load %arg16[%swap3A] {strides = array<i32>} : memref<1024xf32, #tpu.memory_space<vmem>>, vector<16xf32>,
      tpu.vector_store %arg16[%swap3A], %broadcast_in_dim3A_40 {strides = array<i32>} : memref<1024xf32, #tpu.memory_space<vmem>>, vector<16xf32>,
      %mul3A_169 = arith.constant 16 : i32
      %mul3A_170 = arith.muli %scan3A_164, %mul3A_169 : i32
      %add3A_171 = arith.constant 0 : i32
      %add3A_172 = arith.addi %add3A_171, %mul3A_170 : i32
      %swap3A_173 = arith.index_cast %add3A_172 : i32 to index
      %swap3A_174 = tpu.vector_load %arg17[%swap3A_173] {strides = array<i32>} : memref<20480xf32, #tpu.memory_space<vmem>>, vector<16xf32>,
      tpu.vector_store %arg17[%swap3A_173], %broadcast_in_dim3A_40 {strides = array<i32>} : memref<20480xf32, #tpu.memory_space<vmem>>, vector<16xf32>,
      %mul3A_175 = arith.constant 16 : i32
      %mul3A_176 = arith.muli %scan3A_164, %mul3A_175 : i32
      %add3A_177 = arith.constant 1024 : i32
      %add3A_178 = arith.addi %add3A_177, %mul3A_176 : i32
      %swap3A_179 = arith.index_cast %add3A_178 : i32 to index
      %swap3A_180 = tpu.vector_load %arg17[%swap3A_179] {strides = array<i32>} : memref<20480xf32, #tpu.memory_space<vmem>>, vector<16xf32>,
      tpu.vector_store %arg17[%swap3A_179], %broadcast_in_dim3A_40 {strides = array<i32>} : memref<20480xf32, #tpu.memory_space<vmem>>, vector<16xf32>,
      %mul3A_181 = arith.constant 16 : i32
      %mul3A_182 = arith.muli %scan3A_164, %mul3A_181 : i32
      %add3A_183 = arith.constant 2048 : i32
      %add3A_184 = arith.addi %add3A_183, %mul3A_182 : i32
      %swap3A_185 = arith.index_cast %add3A_184 : i32 to index
      %swap3A_186 = tpu.vector_load %arg17[%swap3A_185] {strides = array<i32>} : memref<20480xf32, #tpu.memory_space<vmem>>, vector<16xf32>,
      tpu.vector_store %arg17[%swap3A_185], %broadcast_in_dim3A_40 {strides = array<i32>} : memref<20480xf32, #tpu.memory_space<vmem>>, vector<16xf32>,
      %mul3A_187 = arith.constant 16 : i32
      %mul3A_188 = arith.muli %scan3A_164, %mul3A_187 : i32
      %add3A_189 = arith.constant 3072 : i32
      %add3A_190 = arith.addi %add3A_189, %mul3A_188 : i32
      %swap3A_191 = arith.index_cast %add3A_190 : i32 to index
      %swap3A_192 = tpu.vector_load %arg17[%swap3A_191] {strides = array<i32>} : memref<20480xf32, #tpu.memory_space<vmem>>, vector<16xf32>,
      tpu.vector_store %arg17[%swap3A_191], %broadcast_in_dim3A_40 {strides = array<i32>} : memref<20480xf32, #tpu.memory_space<vmem>>, vector<16xf32>,
      %mul3A_193 = arith.constant 16 : i32
      %mul3A_194 = arith.muli %scan3A_164, %mul3A_193 : i32
      %add3A_195 = arith.constant 4096 : i32
      %add3A_196 = arith.addi %add3A_195, %mul3A_194 : i32
      %swap3A_197 = arith.index_cast %add3A_196 : i32 to index
      %swap3A_198 = tpu.vector_load %arg17[%swap3A_197] {strides = array<i32>} : memref<20480xf32, #tpu.memory_space<vmem>>, vector<16xf32>,
      tpu.vector_store %arg17[%swap3A_197], %broadcast_in_dim3A_40 {strides = array<i32>} : memref<20480xf32, #tpu.memory_space<vmem>>, vector<16xf32>,
      %mul3A_199 = arith.constant 16 : i32
      %mul3A_200 = arith.muli %scan3A_164, %mul3A_199 : i32
      %add3A_201 = arith.constant 5120 : i32
      %add3A_202 = arith.addi %add3A_201, %mul3A_200 : i32
      %swap3A_203 = arith.index_cast %add3A_202 : i32 to index
      %swap3A_204 = tpu.vector_load %arg17[%swap3A_203] {strides = array<i32>} : memref<20480xf32, #tpu.memory_space<vmem>>, vector<16xf32>,
      tpu.vector_store %arg17[%swap3A_203], %broadcast_in_dim3A_40 {strides = array<i32>} : memref<20480xf32, #tpu.memory_space<vmem>>, vector<16xf32>,
      %mul3A_205 = arith.constant 16 : i32
      %mul3A_206 = arith.muli %scan3A_164, %mul3A_205 : i32
      %add3A_207 = arith.constant 6144 : i32
      %add3A_208 = arith.addi %add3A_207, %mul3A_206 : i32
      %swap3A_209 = arith.index_cast %add3A_208 : i32 to index
      %swap3A_210 = tpu.vector_load %arg17[%swap3A_209] {strides = array<i32>} : memref<20480xf32, #tpu.memory_space<vmem>>, vector<16xf32>,
      tpu.vector_store %arg17[%swap3A_209], %broadcast_in_dim3A_40 {strides = array<i32>} : memref<20480xf32, #tpu.memory_space<vmem>>, vector<16xf32>,
      %mul3A_211 = arith.constant 16 : i32
      %mul3A_212 = arith.muli %scan3A_164, %mul3A_211 : i32
      %add3A_213 = arith.constant 7168 : i32
      %add3A_214 = arith.addi %add3A_213, %mul3A_212 : i32
      %swap3A_215 = arith.index_cast %add3A_214 : i32 to index
      %swap3A_216 = tpu.vector_load %arg17[%swap3A_215] {strides = array<i32>} : memref<20480xf32, #tpu.memory_space<vmem>>, vector<16xf32>,
      tpu.vector_store %arg17[%swap3A_215], %broadcast_in_dim3A_40 {strides = array<i32>} : memref<20480xf32, #tpu.memory_space<vmem>>, vector<16xf32>,
      %mul3A_217 = arith.constant 16 : i32
      %mul3A_218 = arith.muli %scan3A_164, %mul3A_217 : i32
      %add3A_219 = arith.constant 8192 : i32
      %add3A_220 = arith.addi %add3A_219, %mul3A_218 : i32
      %swap3A_221 = arith.index_cast %add3A_220 : i32 to index
      %swap3A_222 = tpu.vector_load %arg17[%swap3A_221] {strides = array<i32>} : memref<20480xf32, #tpu.memory_space<vmem>>, vector<16xf32>,
      tpu.vector_store %arg17[%swap3A_221], %broadcast_in_dim3A_40 {strides = array<i32>} : memref<20480xf32, #tpu.memory_space<vmem>>, vector<16xf32>,
      %mul3A_223 = arith.constant 16 : i32
      %mul3A_224 = arith.muli %scan3A_164, %mul3A_223 : i32
      %add3A_225 = arith.constant 9216 : i32
      %add3A_226 = arith.addi %add3A_225, %mul3A_224 : i32
      %swap3A_227 = arith.index_cast %add3A_226 : i32 to index
      %swap3A_228 = tpu.vector_load %arg17[%swap3A_227] {strides = array<i32>} : memref<20480xf32, #tpu.memory_space<vmem>>, vector<16xf32>,
      tpu.vector_store %arg17[%swap3A_227], %broadcast_in_dim3A_40 {strides = array<i32>} : memref<20480xf32, #tpu.memory_space<vmem>>, vector<16xf32>,
      %mul3A_229 = arith.constant 16 : i32
      %mul3A_230 = arith.muli %scan3A_164, %mul3A_229 : i32
      %add3A_231 = arith.constant 10240 : i32
      %add3A_232 = arith.addi %add3A_231, %mul3A_230 : i32
      %swap3A_233 = arith.index_cast %add3A_232 : i32 to index
      %swap3A_234 = tpu.vector_load %arg17[%swap3A_233] {strides = array<i32>} : memref<20480xf32, #tpu.memory_space<vmem>>, vector<16xf32>,
      tpu.vector_store %arg17[%swap3A_233], %broadcast_in_dim3A_40 {strides = array<i32>} : memref<20480xf32, #tpu.memory_space<vmem>>, vector<16xf32>,
      %mul3A_235 = arith.constant 16 : i32
      %mul3A_236 = arith.muli %scan3A_164, %mul3A_235 : i32
      %add3A_237 = arith.constant 11264 : i32
      %add3A_238 = arith.addi %add3A_237, %mul3A_236 : i32
      %swap3A_239 = arith.index_cast %add3A_238 : i32 to index
      %swap3A_240 = tpu.vector_load %arg17[%swap3A_239] {strides = array<i32>} : memref<20480xf32, #tpu.memory_space<vmem>>, vector<16xf32>,
      tpu.vector_store %arg17[%swap3A_239], %broadcast_in_dim3A_40 {strides = array<i32>} : memref<20480xf32, #tpu.memory_space<vmem>>, vector<16xf32>,
      %mul3A_241 = arith.constant 16 : i32
      %mul3A_242 = arith.muli %scan3A_164, %mul3A_241 : i32
      %add3A_243 = arith.constant 12288 : i32
      %add3A_244 = arith.addi %add3A_243, %mul3A_242 : i32
      %swap3A_245 = arith.index_cast %add3A_244 : i32 to index
      %swap3A_246 = tpu.vector_load %arg17[%swap3A_245] {strides = array<i32>} : memref<20480xf32, #tpu.memory_space<vmem>>, vector<16xf32>,
      tpu.vector_store %arg17[%swap3A_245], %broadcast_in_dim3A_40 {strides = array<i32>} : memref<20480xf32, #tpu.memory_space<vmem>>, vector<16xf32>,
      %mul3A_247 = arith.constant 16 : i32
      %mul3A_248 = arith.muli %scan3A_164, %mul3A_247 : i32
      %add3A_249 = arith.constant 13312 : i32
      %add3A_250 = arith.addi %add3A_249, %mul3A_248 : i32
      %swap3A_251 = arith.index_cast %add3A_250 : i32 to index
      %swap3A_252 = tpu.vector_load %arg17[%swap3A_251] {strides = array<i32>} : memref<20480xf32, #tpu.memory_space<vmem>>, vector<16xf32>,
      tpu.vector_store %arg17[%swap3A_251], %broadcast_in_dim3A_40 {strides = array<i32>} : memref<20480xf32, #tpu.memory_space<vmem>>, vector<16xf32>,
      %mul3A_253 = arith.constant 16 : i32
      %mul3A_254 = arith.muli %scan3A_164, %mul3A_253 : i32
      %add3A_255 = arith.constant 14336 : i32
      %add3A_256 = arith.addi %add3A_255, %mul3A_254 : i32
      %swap3A_257 = arith.index_cast %add3A_256 : i32 to index
      %swap3A_258 = tpu.vector_load %arg17[%swap3A_257] {strides = array<i32>} : memref<20480xf32, #tpu.memory_space<vmem>>, vector<16xf32>,
      tpu.vector_store %arg17[%swap3A_257], %broadcast_in_dim3A_40 {strides = array<i32>} : memref<20480xf32, #tpu.memory_space<vmem>>, vector<16xf32>,
      %mul3A_259 = arith.constant 16 : i32
      %mul3A_260 = arith.muli %scan3A_164, %mul3A_259 : i32
      %add3A_261 = arith.constant 15360 : i32
      %add3A_262 = arith.addi %add3A_261, %mul3A_260 : i32
      %swap3A_263 = arith.index_cast %add3A_262 : i32 to index
      %swap3A_264 = tpu.vector_load %arg17[%swap3A_263] {strides = array<i32>} : memref<20480xf32, #tpu.memory_space<vmem>>, vector<16xf32>,
      tpu.vector_store %arg17[%swap3A_263], %broadcast_in_dim3A_40 {strides = array<i32>} : memref<20480xf32, #tpu.memory_space<vmem>>, vector<16xf32>,
      %mul3A_265 = arith.constant 16 : i32
      %mul3A_266 = arith.muli %scan3A_164, %mul3A_265 : i32
      %add3A_267 = arith.constant 16384 : i32
      %add3A_268 = arith.addi %add3A_267, %mul3A_266 : i32
      %swap3A_269 = arith.index_cast %add3A_268 : i32 to index
      %swap3A_270 = tpu.vector_load %arg17[%swap3A_269] {strides = array<i32>} : memref<20480xf32, #tpu.memory_space<vmem>>, vector<16xf32>,
      tpu.vector_store %arg17[%swap3A_269], %broadcast_in_dim3A_40 {strides = array<i32>} : memref<20480xf32, #tpu.memory_space<vmem>>, vector<16xf32>,
      %mul3A_271 = arith.constant 16 : i32
      %mul3A_272 = arith.muli %scan3A_164, %mul3A_271 : i32
      %add3A_273 = arith.constant 17408 : i32
      %add3A_274 = arith.addi %add3A_273, %mul3A_272 : i32
      %swap3A_275 = arith.index_cast %add3A_274 : i32 to index
      %swap3A_276 = tpu.vector_load %arg17[%swap3A_275] {strides = array<i32>} : memref<20480xf32, #tpu.memory_space<vmem>>, vector<16xf32>,
      tpu.vector_store %arg17[%swap3A_275], %broadcast_in_dim3A_40 {strides = array<i32>} : memref<20480xf32, #tpu.memory_space<vmem>>, vector<16xf32>,
      %mul3A_277 = arith.constant 16 : i32
      %mul3A_278 = arith.muli %scan3A_164, %mul3A_277 : i32
      %add3A_279 = arith.constant 18432 : i32
      %add3A_280 = arith.addi %add3A_279, %mul3A_278 : i32
      %swap3A_281 = arith.index_cast %add3A_280 : i32 to index
      %swap3A_282 = tpu.vector_load %arg17[%swap3A_281] {strides = array<i32>} : memref<20480xf32, #tpu.memory_space<vmem>>, vector<16xf32>,
      tpu.vector_store %arg17[%swap3A_281], %broadcast_in_dim3A_40 {strides = array<i32>} : memref<20480xf32, #tpu.memory_space<vmem>>, vector<16xf32>,
      %mul3A_283 = arith.constant 16 : i32
      %mul3A_284 = arith.muli %scan3A_164, %mul3A_283 : i32
      %add3A_285 = arith.constant 19456 : i32
      %add3A_286 = arith.addi %add3A_285, %mul3A_284 : i32
      %swap3A_287 = arith.index_cast %add3A_286 : i32 to index
      %swap3A_288 = tpu.vector_load %arg17[%swap3A_287] {strides = array<i32>} : memref<20480xf32, #tpu.memory_space<vmem>>, vector<16xf32>,
      tpu.vector_store %arg17[%swap3A_287], %broadcast_in_dim3A_40 {strides = array<i32>} : memref<20480xf32, #tpu.memory_space<vmem>>, vector<16xf32>,
      %scan3A_289 = arith.constant 0 : i32
      scf.yield %scan3A_289 : i32
    }
    %scan3A_46 = arith.constant 64 : i32
    %scan3A_47 = arith.constant 0 : i32
    %scan3A_48 = arith.constant 0 : i32
    %scan3A_49 = arith.constant 16 : i32
    %scan3A_50 = arith.addi %scan3A_48, %scan3A_49 : i32
    %scan3A_51 = arith.constant 1 : i32
    %scan3A_52 = scf.for %scan3A_164 = %scan3A_48 to %scan3A_50 step %scan3A_51 iter_args(%scan3A_165 = %scan3A_47) -> (i32)  : i32 {
      %mul3A_166 = arith.constant 16 : i32
      %mul3A_167 = arith.muli %arg0, %mul3A_166 : i32
      %add3A_168 = arith.addi %mul3A_167, %scan3A_164 : i32
      %lt3A = arith.constant 8 : i32
      %lt3A_169 = arith.cmpi slt, %arg1, %lt3A : i32
      %convert_element_type3A = arith.extui %lt3A_169 : i1 to i32
      %cond3A = arith.constant 0 : i32
      %cond3A_170 = arith.cmpi ne, %convert_element_type3A, %cond3A : i32
      scf.if %cond3A_170 {
        %mul3A_175 = arith.constant 125000 : i32
        %mul3A_176 = arith.muli %arg1, %mul3A_175 : i32
        %mul3A_177 = arith.constant 1003520 : i32
        %mul3A_178 = arith.muli %add3A_168, %mul3A_177 : i32
        %add3A_179 = arith.addi %mul3A_178, %mul3A_176 : i32
        %dma_start3A = tpu.memref_slice %arg9[%mul3A_176] : memref<1000000xf32, #tpu.memory_space<vmem_shared>> -> memref<125000xf32, #tpu.memory_space<vmem_shared>>
        %dma_start3A_180 = tpu.memref_slice %arg5[%add3A_179] : memref<32112640xf32, #tpu.memory_space<hbm>> -> memref<125000xf32, #tpu.memory_space<hbm>>
        tpu.enqueue_dma source(%dma_start3A_180 : memref<125000xf32, #tpu.memory_space<hbm>>) target(%dma_start3A : memref<125000xf32, #tpu.memory_space<vmem_shared>>) target_semaphore(%arg18 : memref<!tpu.dma_semaphore, #tpu.memory_space<semaphore_mem>>)
        %dma_wait3A = tpu.memref_slice %arg9[%mul3A_176] : memref<1000000xf32, #tpu.memory_space<vmem_shared>> -> memref<125000xf32, #tpu.memory_space<vmem_shared>>
        %dma_wait3A_181 = tpu.memref_slice %arg5[%add3A_179] : memref<32112640xf32, #tpu.memory_space<hbm>> -> memref<125000xf32, #tpu.memory_space<hbm>>
        tpu.wait_dma2 semaphore(%arg18 : memref<!tpu.dma_semaphore, #tpu.memory_space<semaphore_mem>>) src(%dma_wait3A_181 : memref<125000xf32, #tpu.memory_space<hbm>>) dst(%dma_wait3A : memref<125000xf32, #tpu.memory_space<vmem_shared>>)
      } else {
      }
      %barrier3A = arith.constant 0 : index
      tpu.barrier barrier_id(%barrier3A)
      %mul3A_171 = arith.constant 1024 : i32
      %mul3A_172 = arith.muli %scan3A_164, %mul3A_171 : i32
      "tpu.region"() ({
        %run_scoped3A = tpu.sem_alloc : memref<!tpu.dma_semaphore, #tpu.memory_space<semaphore_mem>>
        %dma_start3A = tpu.memref_slice %arg13[%mul3A_172] : memref<16384xf32, #tpu.memory_space<vmem>> -> memref<1024xf32, #tpu.memory_space<vmem>>
        %dma_start3A_175 = arith.constant 0 : i32
        %dma_start3A_176 = tpu.memref_slice %arg9[%dma_start3A_175] : memref<1000000xf32, #tpu.memory_space<vmem_shared>> -> memref<1000000xf32, #tpu.memory_space<vmem_shared>>
        tpu.enqueue_indirect_dma source(%dma_start3A_176 : memref<1000000xf32, #tpu.memory_space<vmem_shared>>) target(%dma_start3A : memref<1024xf32, #tpu.memory_space<vmem>>) offsets(%arg10 : memref<1024xi32, #tpu.memory_space<vmem>>) semaphore(%run_scoped3A : memref<!tpu.dma_semaphore, #tpu.memory_space<semaphore_mem>>)
        %dma_wait3A = tpu.memref_slice %arg13[%mul3A_172] : memref<16384xf32, #tpu.memory_space<vmem>> -> memref<1024xf32, #tpu.memory_space<vmem>>
        %dma_wait3A_177 = arith.constant 0 : i32
        %dma_wait3A_178 = tpu.memref_slice %arg9[%dma_wait3A_177] : memref<1000000xf32, #tpu.memory_space<vmem_shared>> -> memref<1000000xf32, #tpu.memory_space<vmem_shared>>
        tpu.wait_indirect_dma semaphore(%run_scoped3A : memref<!tpu.dma_semaphore, #tpu.memory_space<semaphore_mem>>) src(%dma_wait3A_178 : memref<1000000xf32, #tpu.memory_space<vmem_shared>>) dst(%dma_wait3A : memref<1024xf32, #tpu.memory_space<vmem>>)
        tpu.yield
      }) : () -> ()
      %barrier3A_173 = arith.constant 0 : index
      tpu.barrier barrier_id(%barrier3A_173)
      %scan3A_174 = arith.constant 0 : i32
      scf.yield %scan3A_174 : i32
    }
    %scan3A_53 = arith.constant 16 : i32
    %scan3A_54 = arith.constant 0 : i32
    %scan3A_55 = arith.constant 0 : i32
    %scan3A_56 = arith.constant 16 : i32
    %scan3A_57 = arith.addi %scan3A_55, %scan3A_56 : i32
    %scan3A_58 = arith.constant 1 : i32
    %scan3A_59 = scf.for %scan3A_164 = %scan3A_55 to %scan3A_57 step %scan3A_58 iter_args(%scan3A_165 = %scan3A_54) -> (i32)  : i32 {
      %mul3A_166 = arith.constant 16 : i32
      %mul3A_167 = arith.muli %arg0, %mul3A_166 : i32
      %add3A_168 = arith.addi %mul3A_167, %scan3A_164 : i32
      %lt3A = arith.constant 8 : i32
      %lt3A_169 = arith.cmpi slt, %arg1, %lt3A : i32
      %convert_element_type3A = arith.extui %lt3A_169 : i1 to i32
      %cond3A = arith.constant 0 : i32
      %cond3A_170 = arith.cmpi ne, %convert_element_type3A, %cond3A : i32
      scf.if %cond3A_170 {
        %mul3A_446 = arith.constant 125000 : i32
        %mul3A_447 = arith.muli %arg1, %mul3A_446 : i32
        %mul3A_448 = arith.constant 1003520 : i32
        %mul3A_449 = arith.muli %add3A_168, %mul3A_448 : i32
        %add3A_450 = arith.addi %mul3A_449, %mul3A_447 : i32
        %dma_start3A_451 = tpu.memref_slice %arg9[%mul3A_447] : memref<1000000xf32, #tpu.memory_space<vmem_shared>> -> memref<125000xf32, #tpu.memory_space<vmem_shared>>
        %dma_start3A_452 = tpu.memref_slice %arg6[%add3A_450] : memref<32112640xf32, #tpu.memory_space<hbm>> -> memref<125000xf32, #tpu.memory_space<hbm>>
        tpu.enqueue_dma source(%dma_start3A_452 : memref<125000xf32, #tpu.memory_space<hbm>>) target(%dma_start3A_451 : memref<125000xf32, #tpu.memory_space<vmem_shared>>) target_semaphore(%arg18 : memref<!tpu.dma_semaphore, #tpu.memory_space<semaphore_mem>>)
        %dma_wait3A_453 = tpu.memref_slice %arg9[%mul3A_447] : memref<1000000xf32, #tpu.memory_space<vmem_shared>> -> memref<125000xf32, #tpu.memory_space<vmem_shared>>
        %dma_wait3A_454 = tpu.memref_slice %arg6[%add3A_450] : memref<32112640xf32, #tpu.memory_space<hbm>> -> memref<125000xf32, #tpu.memory_space<hbm>>
        tpu.wait_dma2 semaphore(%arg18 : memref<!tpu.dma_semaphore, #tpu.memory_space<semaphore_mem>>) src(%dma_wait3A_454 : memref<125000xf32, #tpu.memory_space<hbm>>) dst(%dma_wait3A_453 : memref<125000xf32, #tpu.memory_space<vmem_shared>>)
      } else {
      }
      %barrier3A = arith.constant 0 : index
      tpu.barrier barrier_id(%barrier3A)
      "tpu.region"() ({
        %run_scoped3A = tpu.sem_alloc : memref<!tpu.dma_semaphore, #tpu.memory_space<semaphore_mem>>
        %dma_start3A_446 = arith.constant 0 : i32
        %dma_start3A_447 = tpu.memref_slice %arg9[%dma_start3A_446] : memref<1000000xf32, #tpu.memory_space<vmem_shared>> -> memref<1000000xf32, #tpu.memory_space<vmem_shared>>
        tpu.enqueue_indirect_dma source(%dma_start3A_447 : memref<1000000xf32, #tpu.memory_space<vmem_shared>>) target(%arg14 : memref<1024xf32, #tpu.memory_space<vmem>>) offsets(%arg11 : memref<1024xi32, #tpu.memory_space<vmem>>) semaphore(%run_scoped3A : memref<!tpu.dma_semaphore, #tpu.memory_space<semaphore_mem>>)
        %dma_wait3A_448 = arith.constant 0 : i32
        %dma_wait3A_449 = tpu.memref_slice %arg9[%dma_wait3A_448] : memref<1000000xf32, #tpu.memory_space<vmem_shared>> -> memref<1000000xf32, #tpu.memory_space<vmem_shared>>
        tpu.wait_indirect_dma semaphore(%run_scoped3A : memref<!tpu.dma_semaphore, #tpu.memory_space<semaphore_mem>>) src(%dma_wait3A_449 : memref<1000000xf32, #tpu.memory_space<vmem_shared>>) dst(%arg14 : memref<1024xf32, #tpu.memory_space<vmem>>)
        tpu.yield
      }) : () -> ()
      %scan3A_171 = arith.constant 0 : i32
      %scan3A_172 = arith.constant 0 : i32
      %scan3A_173 = arith.constant 64 : i32
      %scan3A_174 = arith.addi %scan3A_172, %scan3A_173 : i32
      %scan3A_175 = arith.constant 1 : i32
      %scan3A_176 = scf.for %scan3A_446 = %scan3A_172 to %scan3A_174 step %scan3A_175 iter_args(%scan3A_447 = %scan3A_171) -> (i32)  : i32 {
        %mul3A_448 = arith.constant 16 : i32
        %mul3A_449 = arith.muli %scan3A_446, %mul3A_448 : i32
        %mul3A_450 = arith.constant 1024 : i32
        %mul3A_451 = arith.muli %scan3A_164, %mul3A_450 : i32
        %add3A_452 = arith.addi %mul3A_451, %mul3A_449 : i32
        %get3A = arith.index_cast %add3A_452 : i32 to index
        %get3A_453 = tpu.vector_load %arg13[%get3A] {strides = array<i32>} : memref<16384xf32, #tpu.memory_space<vmem>>, vector<16xf32>,
        %get3A_454 = arith.index_cast %mul3A_449 : i32 to index
        %get3A_455 = tpu.vector_load %arg16[%get3A_454] {strides = array<i32>} : memref<1024xf32, #tpu.memory_space<vmem>>, vector<16xf32>,
        %get3A_456 = arith.index_cast %mul3A_449 : i32 to index
        %get3A_457 = tpu.vector_load %arg14[%get3A_456] {strides = array<i32>} : memref<1024xf32, #tpu.memory_space<vmem>>, vector<16xf32>,
        %mul3A_458 = arith.mulf %get3A_453, %get3A_457 : vector<16xf32>
        %add3A_459 = arith.addf %get3A_455, %mul3A_458 : vector<16xf32>
        %swap3A = arith.index_cast %mul3A_449 : i32 to index
        %swap3A_460 = tpu.vector_load %arg16[%swap3A] {strides = array<i32>} : memref<1024xf32, #tpu.memory_space<vmem>>, vector<16xf32>,
        tpu.vector_store %arg16[%swap3A], %add3A_459 {strides = array<i32>} : memref<1024xf32, #tpu.memory_space<vmem>>, vector<16xf32>,
        %scan3A_461 = arith.constant 0 : i32
        scf.yield %scan3A_461 : i32
      }
      %scan3A_177 = arith.constant 64 : i32
      %dma_start3A = arith.constant 0 : i32
      %dma_start3A_178 = tpu.memref_slice %arg15[%dma_start3A] : memref<5120xf32, #tpu.memory_space<vmem>> -> memref<1024xf32, #tpu.memory_space<vmem>>
      %dma_start3A_179 = arith.constant 0 : i32
      %dma_start3A_180 = tpu.memref_slice %arg12[%dma_start3A_179] : memref<20480xi32, #tpu.memory_space<vmem>> -> memref<1024xi32, #tpu.memory_space<vmem>>
      %dma_start3A_181 = arith.constant 0 : i32
      %dma_start3A_182 = tpu.memref_slice %arg9[%dma_start3A_181] : memref<1000000xf32, #tpu.memory_space<vmem_shared>> -> memref<1000000xf32, #tpu.memory_space<vmem_shared>>
      tpu.enqueue_indirect_dma source(%dma_start3A_182 : memref<1000000xf32, #tpu.memory_space<vmem_shared>>) target(%dma_start3A_178 : memref<1024xf32, #tpu.memory_space<vmem>>) offsets(%dma_start3A_180 : memref<1024xi32, #tpu.memory_space<vmem>>) semaphore(%arg19 : memref<!tpu.dma_semaphore, #tpu.memory_space<semaphore_mem>>)
      %dma_start3A_183 = arith.constant 1024 : i32
      %dma_start3A_184 = tpu.memref_slice %arg15[%dma_start3A_183] : memref<5120xf32, #tpu.memory_space<vmem>> -> memref<1024xf32, #tpu.memory_space<vmem>>
      %dma_start3A_185 = arith.constant 1024 : i32
      %dma_start3A_186 = tpu.memref_slice %arg12[%dma_start3A_185] : memref<20480xi32, #tpu.memory_space<vmem>> -> memref<1024xi32, #tpu.memory_space<vmem>>
      %dma_start3A_187 = arith.constant 0 : i32
      %dma_start3A_188 = tpu.memref_slice %arg9[%dma_start3A_187] : memref<1000000xf32, #tpu.memory_space<vmem_shared>> -> memref<1000000xf32, #tpu.memory_space<vmem_shared>>
      tpu.enqueue_indirect_dma source(%dma_start3A_188 : memref<1000000xf32, #tpu.memory_space<vmem_shared>>) target(%dma_start3A_184 : memref<1024xf32, #tpu.memory_space<vmem>>) offsets(%dma_start3A_186 : memref<1024xi32, #tpu.memory_space<vmem>>) semaphore(%arg19 : memref<!tpu.dma_semaphore, #tpu.memory_space<semaphore_mem>>)
      %dma_start3A_189 = arith.constant 2048 : i32
      %dma_start3A_190 = tpu.memref_slice %arg15[%dma_start3A_189] : memref<5120xf32, #tpu.memory_space<vmem>> -> memref<1024xf32, #tpu.memory_space<vmem>>
      %dma_start3A_191 = arith.constant 2048 : i32
      %dma_start3A_192 = tpu.memref_slice %arg12[%dma_start3A_191] : memref<20480xi32, #tpu.memory_space<vmem>> -> memref<1024xi32, #tpu.memory_space<vmem>>
      %dma_start3A_193 = arith.constant 0 : i32
      %dma_start3A_194 = tpu.memref_slice %arg9[%dma_start3A_193] : memref<1000000xf32, #tpu.memory_space<vmem_shared>> -> memref<1000000xf32, #tpu.memory_space<vmem_shared>>
      tpu.enqueue_indirect_dma source(%dma_start3A_194 : memref<1000000xf32, #tpu.memory_space<vmem_shared>>) target(%dma_start3A_190 : memref<1024xf32, #tpu.memory_space<vmem>>) offsets(%dma_start3A_192 : memref<1024xi32, #tpu.memory_space<vmem>>) semaphore(%arg19 : memref<!tpu.dma_semaphore, #tpu.memory_space<semaphore_mem>>)
      %dma_start3A_195 = arith.constant 3072 : i32
      %dma_start3A_196 = tpu.memref_slice %arg15[%dma_start3A_195] : memref<5120xf32, #tpu.memory_space<vmem>> -> memref<1024xf32, #tpu.memory_space<vmem>>
      %dma_start3A_197 = arith.constant 3072 : i32
      %dma_start3A_198 = tpu.memref_slice %arg12[%dma_start3A_197] : memref<20480xi32, #tpu.memory_space<vmem>> -> memref<1024xi32, #tpu.memory_space<vmem>>
      %dma_start3A_199 = arith.constant 0 : i32
      %dma_start3A_200 = tpu.memref_slice %arg9[%dma_start3A_199] : memref<1000000xf32, #tpu.memory_space<vmem_shared>> -> memref<1000000xf32, #tpu.memory_space<vmem_shared>>
      tpu.enqueue_indirect_dma source(%dma_start3A_200 : memref<1000000xf32, #tpu.memory_space<vmem_shared>>) target(%dma_start3A_196 : memref<1024xf32, #tpu.memory_space<vmem>>) offsets(%dma_start3A_198 : memref<1024xi32, #tpu.memory_space<vmem>>) semaphore(%arg19 : memref<!tpu.dma_semaphore, #tpu.memory_space<semaphore_mem>>)
      %dma_start3A_201 = arith.constant 4096 : i32
      %dma_start3A_202 = tpu.memref_slice %arg15[%dma_start3A_201] : memref<5120xf32, #tpu.memory_space<vmem>> -> memref<1024xf32, #tpu.memory_space<vmem>>
      %dma_start3A_203 = arith.constant 4096 : i32
      %dma_start3A_204 = tpu.memref_slice %arg12[%dma_start3A_203] : memref<20480xi32, #tpu.memory_space<vmem>> -> memref<1024xi32, #tpu.memory_space<vmem>>
      %dma_start3A_205 = arith.constant 0 : i32
      %dma_start3A_206 = tpu.memref_slice %arg9[%dma_start3A_205] : memref<1000000xf32, #tpu.memory_space<vmem_shared>> -> memref<1000000xf32, #tpu.memory_space<vmem_shared>>
      tpu.enqueue_indirect_dma source(%dma_start3A_206 : memref<1000000xf32, #tpu.memory_space<vmem_shared>>) target(%dma_start3A_202 : memref<1024xf32, #tpu.memory_space<vmem>>) offsets(%dma_start3A_204 : memref<1024xi32, #tpu.memory_space<vmem>>) semaphore(%arg19 : memref<!tpu.dma_semaphore, #tpu.memory_space<semaphore_mem>>)
      %dma_wait3A = arith.constant 0 : i32
      %dma_wait3A_207 = tpu.memref_slice %arg15[%dma_wait3A] : memref<5120xf32, #tpu.memory_space<vmem>> -> memref<1024xf32, #tpu.memory_space<vmem>>
      %dma_wait3A_208 = arith.constant 0 : i32
      %dma_wait3A_209 = tpu.memref_slice %arg12[%dma_wait3A_208] : memref<20480xi32, #tpu.memory_space<vmem>> -> memref<1024xi32, #tpu.memory_space<vmem>>
      %dma_wait3A_210 = arith.constant 0 : i32
      %dma_wait3A_211 = tpu.memref_slice %arg9[%dma_wait3A_210] : memref<1000000xf32, #tpu.memory_space<vmem_shared>> -> memref<1000000xf32, #tpu.memory_space<vmem_shared>>
      tpu.wait_indirect_dma semaphore(%arg19 : memref<!tpu.dma_semaphore, #tpu.memory_space<semaphore_mem>>) src(%dma_wait3A_211 : memref<1000000xf32, #tpu.memory_space<vmem_shared>>) dst(%dma_wait3A_207 : memref<1024xf32, #tpu.memory_space<vmem>>)
      %dma_wait3A_212 = arith.constant 1024 : i32
      %dma_wait3A_213 = tpu.memref_slice %arg15[%dma_wait3A_212] : memref<5120xf32, #tpu.memory_space<vmem>> -> memref<1024xf32, #tpu.memory_space<vmem>>
      %dma_wait3A_214 = arith.constant 1024 : i32
      %dma_wait3A_215 = tpu.memref_slice %arg12[%dma_wait3A_214] : memref<20480xi32, #tpu.memory_space<vmem>> -> memref<1024xi32, #tpu.memory_space<vmem>>
      %dma_wait3A_216 = arith.constant 0 : i32
      %dma_wait3A_217 = tpu.memref_slice %arg9[%dma_wait3A_216] : memref<1000000xf32, #tpu.memory_space<vmem_shared>> -> memref<1000000xf32, #tpu.memory_space<vmem_shared>>
      tpu.wait_indirect_dma semaphore(%arg19 : memref<!tpu.dma_semaphore, #tpu.memory_space<semaphore_mem>>) src(%dma_wait3A_217 : memref<1000000xf32, #tpu.memory_space<vmem_shared>>) dst(%dma_wait3A_213 : memref<1024xf32, #tpu.memory_space<vmem>>)
      %dma_wait3A_218 = arith.constant 2048 : i32
      %dma_wait3A_219 = tpu.memref_slice %arg15[%dma_wait3A_218] : memref<5120xf32, #tpu.memory_space<vmem>> -> memref<1024xf32, #tpu.memory_space<vmem>>
      %dma_wait3A_220 = arith.constant 2048 : i32
      %dma_wait3A_221 = tpu.memref_slice %arg12[%dma_wait3A_220] : memref<20480xi32, #tpu.memory_space<vmem>> -> memref<1024xi32, #tpu.memory_space<vmem>>
      %dma_wait3A_222 = arith.constant 0 : i32
      %dma_wait3A_223 = tpu.memref_slice %arg9[%dma_wait3A_222] : memref<1000000xf32, #tpu.memory_space<vmem_shared>> -> memref<1000000xf32, #tpu.memory_space<vmem_shared>>
      tpu.wait_indirect_dma semaphore(%arg19 : memref<!tpu.dma_semaphore, #tpu.memory_space<semaphore_mem>>) src(%dma_wait3A_223 : memref<1000000xf32, #tpu.memory_space<vmem_shared>>) dst(%dma_wait3A_219 : memref<1024xf32, #tpu.memory_space<vmem>>)
      %dma_wait3A_224 = arith.constant 3072 : i32
      %dma_wait3A_225 = tpu.memref_slice %arg15[%dma_wait3A_224] : memref<5120xf32, #tpu.memory_space<vmem>> -> memref<1024xf32, #tpu.memory_space<vmem>>
      %dma_wait3A_226 = arith.constant 3072 : i32
      %dma_wait3A_227 = tpu.memref_slice %arg12[%dma_wait3A_226] : memref<20480xi32, #tpu.memory_space<vmem>> -> memref<1024xi32, #tpu.memory_space<vmem>>
      %dma_wait3A_228 = arith.constant 0 : i32
      %dma_wait3A_229 = tpu.memref_slice %arg9[%dma_wait3A_228] : memref<1000000xf32, #tpu.memory_space<vmem_shared>> -> memref<1000000xf32, #tpu.memory_space<vmem_shared>>
      tpu.wait_indirect_dma semaphore(%arg19 : memref<!tpu.dma_semaphore, #tpu.memory_space<semaphore_mem>>) src(%dma_wait3A_229 : memref<1000000xf32, #tpu.memory_space<vmem_shared>>) dst(%dma_wait3A_225 : memref<1024xf32, #tpu.memory_space<vmem>>)
      %dma_wait3A_230 = arith.constant 4096 : i32
      %dma_wait3A_231 = tpu.memref_slice %arg15[%dma_wait3A_230] : memref<5120xf32, #tpu.memory_space<vmem>> -> memref<1024xf32, #tpu.memory_space<vmem>>
      %dma_wait3A_232 = arith.constant 4096 : i32
      %dma_wait3A_233 = tpu.memref_slice %arg12[%dma_wait3A_232] : memref<20480xi32, #tpu.memory_space<vmem>> -> memref<1024xi32, #tpu.memory_space<vmem>>
      %dma_wait3A_234 = arith.constant 0 : i32
      %dma_wait3A_235 = tpu.memref_slice %arg9[%dma_wait3A_234] : memref<1000000xf32, #tpu.memory_space<vmem_shared>> -> memref<1000000xf32, #tpu.memory_space<vmem_shared>>
      tpu.wait_indirect_dma semaphore(%arg19 : memref<!tpu.dma_semaphore, #tpu.memory_space<semaphore_mem>>) src(%dma_wait3A_235 : memref<1000000xf32, #tpu.memory_space<vmem_shared>>) dst(%dma_wait3A_231 : memref<1024xf32, #tpu.memory_space<vmem>>)
      %scan3A_236 = arith.constant 0 : i32
      %scan3A_237 = arith.constant 0 : i32
      %scan3A_238 = arith.constant 64 : i32
      %scan3A_239 = arith.addi %scan3A_237, %scan3A_238 : i32
      %scan3A_240 = arith.constant 1 : i32
      %scan3A_241 = scf.for %scan3A_446 = %scan3A_237 to %scan3A_239 step %scan3A_240 iter_args(%scan3A_447 = %scan3A_236) -> (i32)  : i32 {
        %mul3A_448 = arith.constant 16 : i32
        %mul3A_449 = arith.muli %scan3A_446, %mul3A_448 : i32
        %mul3A_450 = arith.constant 1024 : i32
        %mul3A_451 = arith.muli %scan3A_164, %mul3A_450 : i32
        %add3A_452 = arith.addi %mul3A_451, %mul3A_449 : i32
        %get3A = arith.index_cast %add3A_452 : i32 to index
        %get3A_453 = tpu.vector_load %arg13[%get3A] {strides = array<i32>} : memref<16384xf32, #tpu.memory_space<vmem>>, vector<16xf32>,
        %add3A_454 = arith.constant 0 : i32
        %add3A_455 = arith.addi %add3A_454, %mul3A_449 : i32
        %add3A_456 = arith.constant 0 : i32
        %add3A_457 = arith.addi %add3A_456, %mul3A_449 : i32
        %get3A_458 = arith.index_cast %add3A_455 : i32 to index
        %get3A_459 = tpu.vector_load %arg17[%get3A_458] {strides = array<i32>} : memref<20480xf32, #tpu.memory_space<vmem>>, vector<16xf32>,
        %get3A_460 = arith.index_cast %add3A_457 : i32 to index
        %get3A_461 = tpu.vector_load %arg15[%get3A_460] {strides = array<i32>} : memref<5120xf32, #tpu.memory_space<vmem>>, vector<16xf32>,
        %mul3A_462 = arith.mulf %get3A_453, %get3A_461 : vector<16xf32>
        %add3A_463 = arith.addf %get3A_459, %mul3A_462 : vector<16xf32>
        %swap3A = arith.index_cast %add3A_455 : i32 to index
        %swap3A_464 = tpu.vector_load %arg17[%swap3A] {strides = array<i32>} : memref<20480xf32, #tpu.memory_space<vmem>>, vector<16xf32>,
        tpu.vector_store %arg17[%swap3A], %add3A_463 {strides = array<i32>} : memref<20480xf32, #tpu.memory_space<vmem>>, vector<16xf32>,
        %add3A_465 = arith.constant 1024 : i32
        %add3A_466 = arith.addi %add3A_465, %mul3A_449 : i32
        %add3A_467 = arith.constant 1024 : i32
        %add3A_468 = arith.addi %add3A_467, %mul3A_449 : i32
        %get3A_469 = arith.index_cast %add3A_466 : i32 to index
        %get3A_470 = tpu.vector_load %arg17[%get3A_469] {strides = array<i32>} : memref<20480xf32, #tpu.memory_space<vmem>>, vector<16xf32>,
        %get3A_471 = arith.index_cast %add3A_468 : i32 to index
        %get3A_472 = tpu.vector_load %arg15[%get3A_471] {strides = array<i32>} : memref<5120xf32, #tpu.memory_space<vmem>>, vector<16xf32>,
        %mul3A_473 = arith.mulf %get3A_453, %get3A_472 : vector<16xf32>
        %add3A_474 = arith.addf %get3A_470, %mul3A_473 : vector<16xf32>
        %swap3A_475 = arith.index_cast %add3A_466 : i32 to index
        %swap3A_476 = tpu.vector_load %arg17[%swap3A_475] {strides = array<i32>} : memref<20480xf32, #tpu.memory_space<vmem>>, vector<16xf32>,
        tpu.vector_store %arg17[%swap3A_475], %add3A_474 {strides = array<i32>} : memref<20480xf32, #tpu.memory_space<vmem>>, vector<16xf32>,
        %add3A_477 = arith.constant 2048 : i32
        %add3A_478 = arith.addi %add3A_477, %mul3A_449 : i32
        %add3A_479 = arith.constant 2048 : i32
        %add3A_480 = arith.addi %add3A_479, %mul3A_449 : i32
        %get3A_481 = arith.index_cast %add3A_478 : i32 to index
        %get3A_482 = tpu.vector_load %arg17[%get3A_481] {strides = array<i32>} : memref<20480xf32, #tpu.memory_space<vmem>>, vector<16xf32>,
        %get3A_483 = arith.index_cast %add3A_480 : i32 to index
        %get3A_484 = tpu.vector_load %arg15[%get3A_483] {strides = array<i32>} : memref<5120xf32, #tpu.memory_space<vmem>>, vector<16xf32>,
        %mul3A_485 = arith.mulf %get3A_453, %get3A_484 : vector<16xf32>
        %add3A_486 = arith.addf %get3A_482, %mul3A_485 : vector<16xf32>
        %swap3A_487 = arith.index_cast %add3A_478 : i32 to index
        %swap3A_488 = tpu.vector_load %arg17[%swap3A_487] {strides = array<i32>} : memref<20480xf32, #tpu.memory_space<vmem>>, vector<16xf32>,
        tpu.vector_store %arg17[%swap3A_487], %add3A_486 {strides = array<i32>} : memref<20480xf32, #tpu.memory_space<vmem>>, vector<16xf32>,
        %add3A_489 = arith.constant 3072 : i32
        %add3A_490 = arith.addi %add3A_489, %mul3A_449 : i32
        %add3A_491 = arith.constant 3072 : i32
        %add3A_492 = arith.addi %add3A_491, %mul3A_449 : i32
        %get3A_493 = arith.index_cast %add3A_490 : i32 to index
        %get3A_494 = tpu.vector_load %arg17[%get3A_493] {strides = array<i32>} : memref<20480xf32, #tpu.memory_space<vmem>>, vector<16xf32>,
        %get3A_495 = arith.index_cast %add3A_492 : i32 to index
        %get3A_496 = tpu.vector_load %arg15[%get3A_495] {strides = array<i32>} : memref<5120xf32, #tpu.memory_space<vmem>>, vector<16xf32>,
        %mul3A_497 = arith.mulf %get3A_453, %get3A_496 : vector<16xf32>
        %add3A_498 = arith.addf %get3A_494, %mul3A_497 : vector<16xf32>
        %swap3A_499 = arith.index_cast %add3A_490 : i32 to index
        %swap3A_500 = tpu.vector_load %arg17[%swap3A_499] {strides = array<i32>} : memref<20480xf32, #tpu.memory_space<vmem>>, vector<16xf32>,
        tpu.vector_store %arg17[%swap3A_499], %add3A_498 {strides = array<i32>} : memref<20480xf32, #tpu.memory_space<vmem>>, vector<16xf32>,
        %add3A_501 = arith.constant 4096 : i32
        %add3A_502 = arith.addi %add3A_501, %mul3A_449 : i32
        %add3A_503 = arith.constant 4096 : i32
        %add3A_504 = arith.addi %add3A_503, %mul3A_449 : i32
        %get3A_505 = arith.index_cast %add3A_502 : i32 to index
        %get3A_506 = tpu.vector_load %arg17[%get3A_505] {strides = array<i32>} : memref<20480xf32, #tpu.memory_space<vmem>>, vector<16xf32>,
        %get3A_507 = arith.index_cast %add3A_504 : i32 to index
        %get3A_508 = tpu.vector_load %arg15[%get3A_507] {strides = array<i32>} : memref<5120xf32, #tpu.memory_space<vmem>>, vector<16xf32>,
        %mul3A_509 = arith.mulf %get3A_453, %get3A_508 : vector<16xf32>
        %add3A_510 = arith.addf %get3A_506, %mul3A_509 : vector<16xf32>
        %swap3A_511 = arith.index_cast %add3A_502 : i32 to index
        %swap3A_512 = tpu.vector_load %arg17[%swap3A_511] {strides = array<i32>} : memref<20480xf32, #tpu.memory_space<vmem>>, vector<16xf32>,
        tpu.vector_store %arg17[%swap3A_511], %add3A_510 {strides = array<i32>} : memref<20480xf32, #tpu.memory_space<vmem>>, vector<16xf32>,
        %scan3A_513 = arith.constant 0 : i32
        scf.yield %scan3A_513 : i32
      }
      %scan3A_242 = arith.constant 64 : i32
      %dma_start3A_243 = arith.constant 0 : i32
      %dma_start3A_244 = tpu.memref_slice %arg15[%dma_start3A_243] : memref<5120xf32, #tpu.memory_space<vmem>> -> memref<1024xf32, #tpu.memory_space<vmem>>
      %dma_start3A_245 = arith.constant 5120 : i32
      %dma_start3A_246 = tpu.memref_slice %arg12[%dma_start3A_245] : memref<20480xi32, #tpu.memory_space<vmem>> -> memref<1024xi32, #tpu.memory_space<vmem>>
      %dma_start3A_247 = arith.constant 0 : i32
      %dma_start3A_248 = tpu.memref_slice %arg9[%dma_start3A_247] : memref<1000000xf32, #tpu.memory_space<vmem_shared>> -> memref<1000000xf32, #tpu.memory_space<vmem_shared>>
      tpu.enqueue_indirect_dma source(%dma_start3A_248 : memref<1000000xf32, #tpu.memory_space<vmem_shared>>) target(%dma_start3A_244 : memref<1024xf32, #tpu.memory_space<vmem>>) offsets(%dma_start3A_246 : memref<1024xi32, #tpu.memory_space<vmem>>) semaphore(%arg19 : memref<!tpu.dma_semaphore, #tpu.memory_space<semaphore_mem>>)
      %dma_start3A_249 = arith.constant 1024 : i32
      %dma_start3A_250 = tpu.memref_slice %arg15[%dma_start3A_249] : memref<5120xf32, #tpu.memory_space<vmem>> -> memref<1024xf32, #tpu.memory_space<vmem>>
      %dma_start3A_251 = arith.constant 6144 : i32
      %dma_start3A_252 = tpu.memref_slice %arg12[%dma_start3A_251] : memref<20480xi32, #tpu.memory_space<vmem>> -> memref<1024xi32, #tpu.memory_space<vmem>>
      %dma_start3A_253 = arith.constant 0 : i32
      %dma_start3A_254 = tpu.memref_slice %arg9[%dma_start3A_253] : memref<1000000xf32, #tpu.memory_space<vmem_shared>> -> memref<1000000xf32, #tpu.memory_space<vmem_shared>>
      tpu.enqueue_indirect_dma source(%dma_start3A_254 : memref<1000000xf32, #tpu.memory_space<vmem_shared>>) target(%dma_start3A_250 : memref<1024xf32, #tpu.memory_space<vmem>>) offsets(%dma_start3A_252 : memref<1024xi32, #tpu.memory_space<vmem>>) semaphore(%arg19 : memref<!tpu.dma_semaphore, #tpu.memory_space<semaphore_mem>>)
      %dma_start3A_255 = arith.constant 2048 : i32
      %dma_start3A_256 = tpu.memref_slice %arg15[%dma_start3A_255] : memref<5120xf32, #tpu.memory_space<vmem>> -> memref<1024xf32, #tpu.memory_space<vmem>>
      %dma_start3A_257 = arith.constant 7168 : i32
      %dma_start3A_258 = tpu.memref_slice %arg12[%dma_start3A_257] : memref<20480xi32, #tpu.memory_space<vmem>> -> memref<1024xi32, #tpu.memory_space<vmem>>
      %dma_start3A_259 = arith.constant 0 : i32
      %dma_start3A_260 = tpu.memref_slice %arg9[%dma_start3A_259] : memref<1000000xf32, #tpu.memory_space<vmem_shared>> -> memref<1000000xf32, #tpu.memory_space<vmem_shared>>
      tpu.enqueue_indirect_dma source(%dma_start3A_260 : memref<1000000xf32, #tpu.memory_space<vmem_shared>>) target(%dma_start3A_256 : memref<1024xf32, #tpu.memory_space<vmem>>) offsets(%dma_start3A_258 : memref<1024xi32, #tpu.memory_space<vmem>>) semaphore(%arg19 : memref<!tpu.dma_semaphore, #tpu.memory_space<semaphore_mem>>)
      %dma_start3A_261 = arith.constant 3072 : i32
      %dma_start3A_262 = tpu.memref_slice %arg15[%dma_start3A_261] : memref<5120xf32, #tpu.memory_space<vmem>> -> memref<1024xf32, #tpu.memory_space<vmem>>
      %dma_start3A_263 = arith.constant 8192 : i32
      %dma_start3A_264 = tpu.memref_slice %arg12[%dma_start3A_263] : memref<20480xi32, #tpu.memory_space<vmem>> -> memref<1024xi32, #tpu.memory_space<vmem>>
      %dma_start3A_265 = arith.constant 0 : i32
      %dma_start3A_266 = tpu.memref_slice %arg9[%dma_start3A_265] : memref<1000000xf32, #tpu.memory_space<vmem_shared>> -> memref<1000000xf32, #tpu.memory_space<vmem_shared>>
      tpu.enqueue_indirect_dma source(%dma_start3A_266 : memref<1000000xf32, #tpu.memory_space<vmem_shared>>) target(%dma_start3A_262 : memref<1024xf32, #tpu.memory_space<vmem>>) offsets(%dma_start3A_264 : memref<1024xi32, #tpu.memory_space<vmem>>) semaphore(%arg19 : memref<!tpu.dma_semaphore, #tpu.memory_space<semaphore_mem>>)
      %dma_start3A_267 = arith.constant 4096 : i32
      %dma_start3A_268 = tpu.memref_slice %arg15[%dma_start3A_267] : memref<5120xf32, #tpu.memory_space<vmem>> -> memref<1024xf32, #tpu.memory_space<vmem>>
      %dma_start3A_269 = arith.constant 9216 : i32
      %dma_start3A_270 = tpu.memref_slice %arg12[%dma_start3A_269] : memref<20480xi32, #tpu.memory_space<vmem>> -> memref<1024xi32, #tpu.memory_space<vmem>>
      %dma_start3A_271 = arith.constant 0 : i32
      %dma_start3A_272 = tpu.memref_slice %arg9[%dma_start3A_271] : memref<1000000xf32, #tpu.memory_space<vmem_shared>> -> memref<1000000xf32, #tpu.memory_space<vmem_shared>>
      tpu.enqueue_indirect_dma source(%dma_start3A_272 : memref<1000000xf32, #tpu.memory_space<vmem_shared>>) target(%dma_start3A_268 : memref<1024xf32, #tpu.memory_space<vmem>>) offsets(%dma_start3A_270 : memref<1024xi32, #tpu.memory_space<vmem>>) semaphore(%arg19 : memref<!tpu.dma_semaphore, #tpu.memory_space<semaphore_mem>>)
      %dma_wait3A_273 = arith.constant 0 : i32
      %dma_wait3A_274 = tpu.memref_slice %arg15[%dma_wait3A_273] : memref<5120xf32, #tpu.memory_space<vmem>> -> memref<1024xf32, #tpu.memory_space<vmem>>
      %dma_wait3A_275 = arith.constant 5120 : i32
      %dma_wait3A_276 = tpu.memref_slice %arg12[%dma_wait3A_275] : memref<20480xi32, #tpu.memory_space<vmem>> -> memref<1024xi32, #tpu.memory_space<vmem>>
      %dma_wait3A_277 = arith.constant 0 : i32
      %dma_wait3A_278 = tpu.memref_slice %arg9[%dma_wait3A_277] : memref<1000000xf32, #tpu.memory_space<vmem_shared>> -> memref<1000000xf32, #tpu.memory_space<vmem_shared>>
      tpu.wait_indirect_dma semaphore(%arg19 : memref<!tpu.dma_semaphore, #tpu.memory_space<semaphore_mem>>) src(%dma_wait3A_278 : memref<1000000xf32, #tpu.memory_space<vmem_shared>>) dst(%dma_wait3A_274 : memref<1024xf32, #tpu.memory_space<vmem>>)
      %dma_wait3A_279 = arith.constant 1024 : i32
      %dma_wait3A_280 = tpu.memref_slice %arg15[%dma_wait3A_279] : memref<5120xf32, #tpu.memory_space<vmem>> -> memref<1024xf32, #tpu.memory_space<vmem>>
      %dma_wait3A_281 = arith.constant 6144 : i32
      %dma_wait3A_282 = tpu.memref_slice %arg12[%dma_wait3A_281] : memref<20480xi32, #tpu.memory_space<vmem>> -> memref<1024xi32, #tpu.memory_space<vmem>>
      %dma_wait3A_283 = arith.constant 0 : i32
      %dma_wait3A_284 = tpu.memref_slice %arg9[%dma_wait3A_283] : memref<1000000xf32, #tpu.memory_space<vmem_shared>> -> memref<1000000xf32, #tpu.memory_space<vmem_shared>>
      tpu.wait_indirect_dma semaphore(%arg19 : memref<!tpu.dma_semaphore, #tpu.memory_space<semaphore_mem>>) src(%dma_wait3A_284 : memref<1000000xf32, #tpu.memory_space<vmem_shared>>) dst(%dma_wait3A_280 : memref<1024xf32, #tpu.memory_space<vmem>>)
      %dma_wait3A_285 = arith.constant 2048 : i32
      %dma_wait3A_286 = tpu.memref_slice %arg15[%dma_wait3A_285] : memref<5120xf32, #tpu.memory_space<vmem>> -> memref<1024xf32, #tpu.memory_space<vmem>>
      %dma_wait3A_287 = arith.constant 7168 : i32
      %dma_wait3A_288 = tpu.memref_slice %arg12[%dma_wait3A_287] : memref<20480xi32, #tpu.memory_space<vmem>> -> memref<1024xi32, #tpu.memory_space<vmem>>
      %dma_wait3A_289 = arith.constant 0 : i32
      %dma_wait3A_290 = tpu.memref_slice %arg9[%dma_wait3A_289] : memref<1000000xf32, #tpu.memory_space<vmem_shared>> -> memref<1000000xf32, #tpu.memory_space<vmem_shared>>
      tpu.wait_indirect_dma semaphore(%arg19 : memref<!tpu.dma_semaphore, #tpu.memory_space<semaphore_mem>>) src(%dma_wait3A_290 : memref<1000000xf32, #tpu.memory_space<vmem_shared>>) dst(%dma_wait3A_286 : memref<1024xf32, #tpu.memory_space<vmem>>)
      %dma_wait3A_291 = arith.constant 3072 : i32
      %dma_wait3A_292 = tpu.memref_slice %arg15[%dma_wait3A_291] : memref<5120xf32, #tpu.memory_space<vmem>> -> memref<1024xf32, #tpu.memory_space<vmem>>
      %dma_wait3A_293 = arith.constant 8192 : i32
      %dma_wait3A_294 = tpu.memref_slice %arg12[%dma_wait3A_293] : memref<20480xi32, #tpu.memory_space<vmem>> -> memref<1024xi32, #tpu.memory_space<vmem>>
      %dma_wait3A_295 = arith.constant 0 : i32
      %dma_wait3A_296 = tpu.memref_slice %arg9[%dma_wait3A_295] : memref<1000000xf32, #tpu.memory_space<vmem_shared>> -> memref<1000000xf32, #tpu.memory_space<vmem_shared>>
      tpu.wait_indirect_dma semaphore(%arg19 : memref<!tpu.dma_semaphore, #tpu.memory_space<semaphore_mem>>) src(%dma_wait3A_296 : memref<1000000xf32, #tpu.memory_space<vmem_shared>>) dst(%dma_wait3A_292 : memref<1024xf32, #tpu.memory_space<vmem>>)
      %dma_wait3A_297 = arith.constant 4096 : i32
      %dma_wait3A_298 = tpu.memref_slice %arg15[%dma_wait3A_297] : memref<5120xf32, #tpu.memory_space<vmem>> -> memref<1024xf32, #tpu.memory_space<vmem>>
      %dma_wait3A_299 = arith.constant 9216 : i32
      %dma_wait3A_300 = tpu.memref_slice %arg12[%dma_wait3A_299] : memref<20480xi32, #tpu.memory_space<vmem>> -> memref<1024xi32, #tpu.memory_space<vmem>>
      %dma_wait3A_301 = arith.constant 0 : i32
      %dma_wait3A_302 = tpu.memref_slice %arg9[%dma_wait3A_301] : memref<1000000xf32, #tpu.memory_space<vmem_shared>> -> memref<1000000xf32, #tpu.memory_space<vmem_shared>>
      tpu.wait_indirect_dma semaphore(%arg19 : memref<!tpu.dma_semaphore, #tpu.memory_space<semaphore_mem>>) src(%dma_wait3A_302 : memref<1000000xf32, #tpu.memory_space<vmem_shared>>) dst(%dma_wait3A_298 : memref<1024xf32, #tpu.memory_space<vmem>>)
      %scan3A_303 = arith.constant 0 : i32
      %scan3A_304 = arith.constant 0 : i32
      %scan3A_305 = arith.constant 64 : i32
      %scan3A_306 = arith.addi %scan3A_304, %scan3A_305 : i32
      %scan3A_307 = arith.constant 1 : i32
      %scan3A_308 = scf.for %scan3A_446 = %scan3A_304 to %scan3A_306 step %scan3A_307 iter_args(%scan3A_447 = %scan3A_303) -> (i32)  : i32 {
        %mul3A_448 = arith.constant 16 : i32
        %mul3A_449 = arith.muli %scan3A_446, %mul3A_448 : i32
        %mul3A_450 = arith.constant 1024 : i32
        %mul3A_451 = arith.muli %scan3A_164, %mul3A_450 : i32
        %add3A_452 = arith.addi %mul3A_451, %mul3A_449 : i32
        %get3A = arith.index_cast %add3A_452 : i32 to index
        %get3A_453 = tpu.vector_load %arg13[%get3A] {strides = array<i32>} : memref<16384xf32, #tpu.memory_space<vmem>>, vector<16xf32>,
        %add3A_454 = arith.constant 5120 : i32
        %add3A_455 = arith.addi %add3A_454, %mul3A_449 : i32
        %add3A_456 = arith.constant 0 : i32
        %add3A_457 = arith.addi %add3A_456, %mul3A_449 : i32
        %get3A_458 = arith.index_cast %add3A_455 : i32 to index
        %get3A_459 = tpu.vector_load %arg17[%get3A_458] {strides = array<i32>} : memref<20480xf32, #tpu.memory_space<vmem>>, vector<16xf32>,
        %get3A_460 = arith.index_cast %add3A_457 : i32 to index
        %get3A_461 = tpu.vector_load %arg15[%get3A_460] {strides = array<i32>} : memref<5120xf32, #tpu.memory_space<vmem>>, vector<16xf32>,
        %mul3A_462 = arith.mulf %get3A_453, %get3A_461 : vector<16xf32>
        %add3A_463 = arith.addf %get3A_459, %mul3A_462 : vector<16xf32>
        %swap3A = arith.index_cast %add3A_455 : i32 to index
        %swap3A_464 = tpu.vector_load %arg17[%swap3A] {strides = array<i32>} : memref<20480xf32, #tpu.memory_space<vmem>>, vector<16xf32>,
        tpu.vector_store %arg17[%swap3A], %add3A_463 {strides = array<i32>} : memref<20480xf32, #tpu.memory_space<vmem>>, vector<16xf32>,
        %add3A_465 = arith.constant 6144 : i32
        %add3A_466 = arith.addi %add3A_465, %mul3A_449 : i32
        %add3A_467 = arith.constant 1024 : i32
        %add3A_468 = arith.addi %add3A_467, %mul3A_449 : i32
        %get3A_469 = arith.index_cast %add3A_466 : i32 to index
        %get3A_470 = tpu.vector_load %arg17[%get3A_469] {strides = array<i32>} : memref<20480xf32, #tpu.memory_space<vmem>>, vector<16xf32>,
        %get3A_471 = arith.index_cast %add3A_468 : i32 to index
        %get3A_472 = tpu.vector_load %arg15[%get3A_471] {strides = array<i32>} : memref<5120xf32, #tpu.memory_space<vmem>>, vector<16xf32>,
        %mul3A_473 = arith.mulf %get3A_453, %get3A_472 : vector<16xf32>
        %add3A_474 = arith.addf %get3A_470, %mul3A_473 : vector<16xf32>
        %swap3A_475 = arith.index_cast %add3A_466 : i32 to index
        %swap3A_476 = tpu.vector_load %arg17[%swap3A_475] {strides = array<i32>} : memref<20480xf32, #tpu.memory_space<vmem>>, vector<16xf32>,
        tpu.vector_store %arg17[%swap3A_475], %add3A_474 {strides = array<i32>} : memref<20480xf32, #tpu.memory_space<vmem>>, vector<16xf32>,
        %add3A_477 = arith.constant 7168 : i32
        %add3A_478 = arith.addi %add3A_477, %mul3A_449 : i32
        %add3A_479 = arith.constant 2048 : i32
        %add3A_480 = arith.addi %add3A_479, %mul3A_449 : i32
        %get3A_481 = arith.index_cast %add3A_478 : i32 to index
        %get3A_482 = tpu.vector_load %arg17[%get3A_481] {strides = array<i32>} : memref<20480xf32, #tpu.memory_space<vmem>>, vector<16xf32>,
        %get3A_483 = arith.index_cast %add3A_480 : i32 to index
        %get3A_484 = tpu.vector_load %arg15[%get3A_483] {strides = array<i32>} : memref<5120xf32, #tpu.memory_space<vmem>>, vector<16xf32>,
        %mul3A_485 = arith.mulf %get3A_453, %get3A_484 : vector<16xf32>
        %add3A_486 = arith.addf %get3A_482, %mul3A_485 : vector<16xf32>
        %swap3A_487 = arith.index_cast %add3A_478 : i32 to index
        %swap3A_488 = tpu.vector_load %arg17[%swap3A_487] {strides = array<i32>} : memref<20480xf32, #tpu.memory_space<vmem>>, vector<16xf32>,
        tpu.vector_store %arg17[%swap3A_487], %add3A_486 {strides = array<i32>} : memref<20480xf32, #tpu.memory_space<vmem>>, vector<16xf32>,
        %add3A_489 = arith.constant 8192 : i32
        %add3A_490 = arith.addi %add3A_489, %mul3A_449 : i32
        %add3A_491 = arith.constant 3072 : i32
        %add3A_492 = arith.addi %add3A_491, %mul3A_449 : i32
        %get3A_493 = arith.index_cast %add3A_490 : i32 to index
        %get3A_494 = tpu.vector_load %arg17[%get3A_493] {strides = array<i32>} : memref<20480xf32, #tpu.memory_space<vmem>>, vector<16xf32>,
        %get3A_495 = arith.index_cast %add3A_492 : i32 to index
        %get3A_496 = tpu.vector_load %arg15[%get3A_495] {strides = array<i32>} : memref<5120xf32, #tpu.memory_space<vmem>>, vector<16xf32>,
        %mul3A_497 = arith.mulf %get3A_453, %get3A_496 : vector<16xf32>
        %add3A_498 = arith.addf %get3A_494, %mul3A_497 : vector<16xf32>
        %swap3A_499 = arith.index_cast %add3A_490 : i32 to index
        %swap3A_500 = tpu.vector_load %arg17[%swap3A_499] {strides = array<i32>} : memref<20480xf32, #tpu.memory_space<vmem>>, vector<16xf32>,
        tpu.vector_store %arg17[%swap3A_499], %add3A_498 {strides = array<i32>} : memref<20480xf32, #tpu.memory_space<vmem>>, vector<16xf32>,
        %add3A_501 = arith.constant 9216 : i32
        %add3A_502 = arith.addi %add3A_501, %mul3A_449 : i32
        %add3A_503 = arith.constant 4096 : i32
        %add3A_504 = arith.addi %add3A_503, %mul3A_449 : i32
        %get3A_505 = arith.index_cast %add3A_502 : i32 to index
        %get3A_506 = tpu.vector_load %arg17[%get3A_505] {strides = array<i32>} : memref<20480xf32, #tpu.memory_space<vmem>>, vector<16xf32>,
        %get3A_507 = arith.index_cast %add3A_504 : i32 to index
        %get3A_508 = tpu.vector_load %arg15[%get3A_507] {strides = array<i32>} : memref<5120xf32, #tpu.memory_space<vmem>>, vector<16xf32>,
        %mul3A_509 = arith.mulf %get3A_453, %get3A_508 : vector<16xf32>
        %add3A_510 = arith.addf %get3A_506, %mul3A_509 : vector<16xf32>
        %swap3A_511 = arith.index_cast %add3A_502 : i32 to index
        %swap3A_512 = tpu.vector_load %arg17[%swap3A_511] {strides = array<i32>} : memref<20480xf32, #tpu.memory_space<vmem>>, vector<16xf32>,
        tpu.vector_store %arg17[%swap3A_511], %add3A_510 {strides = array<i32>} : memref<20480xf32, #tpu.memory_space<vmem>>, vector<16xf32>,
        %scan3A_513 = arith.constant 0 : i32
        scf.yield %scan3A_513 : i32
      }
      %scan3A_309 = arith.constant 64 : i32
      %dma_start3A_310 = arith.constant 0 : i32
      %dma_start3A_311 = tpu.memref_slice %arg15[%dma_start3A_310] : memref<5120xf32, #tpu.memory_space<vmem>> -> memref<1024xf32, #tpu.memory_space<vmem>>
      %dma_start3A_312 = arith.constant 10240 : i32
      %dma_start3A_313 = tpu.memref_slice %arg12[%dma_start3A_312] : memref<20480xi32, #tpu.memory_space<vmem>> -> memref<1024xi32, #tpu.memory_space<vmem>>
      %dma_start3A_314 = arith.constant 0 : i32
      %dma_start3A_315 = tpu.memref_slice %arg9[%dma_start3A_314] : memref<1000000xf32, #tpu.memory_space<vmem_shared>> -> memref<1000000xf32, #tpu.memory_space<vmem_shared>>
      tpu.enqueue_indirect_dma source(%dma_start3A_315 : memref<1000000xf32, #tpu.memory_space<vmem_shared>>) target(%dma_start3A_311 : memref<1024xf32, #tpu.memory_space<vmem>>) offsets(%dma_start3A_313 : memref<1024xi32, #tpu.memory_space<vmem>>) semaphore(%arg19 : memref<!tpu.dma_semaphore, #tpu.memory_space<semaphore_mem>>)
      %dma_start3A_316 = arith.constant 1024 : i32
      %dma_start3A_317 = tpu.memref_slice %arg15[%dma_start3A_316] : memref<5120xf32, #tpu.memory_space<vmem>> -> memref<1024xf32, #tpu.memory_space<vmem>>
      %dma_start3A_318 = arith.constant 11264 : i32
      %dma_start3A_319 = tpu.memref_slice %arg12[%dma_start3A_318] : memref<20480xi32, #tpu.memory_space<vmem>> -> memref<1024xi32, #tpu.memory_space<vmem>>
      %dma_start3A_320 = arith.constant 0 : i32
      %dma_start3A_321 = tpu.memref_slice %arg9[%dma_start3A_320] : memref<1000000xf32, #tpu.memory_space<vmem_shared>> -> memref<1000000xf32, #tpu.memory_space<vmem_shared>>
      tpu.enqueue_indirect_dma source(%dma_start3A_321 : memref<1000000xf32, #tpu.memory_space<vmem_shared>>) target(%dma_start3A_317 : memref<1024xf32, #tpu.memory_space<vmem>>) offsets(%dma_start3A_319 : memref<1024xi32, #tpu.memory_space<vmem>>) semaphore(%arg19 : memref<!tpu.dma_semaphore, #tpu.memory_space<semaphore_mem>>)
      %dma_start3A_322 = arith.constant 2048 : i32
      %dma_start3A_323 = tpu.memref_slice %arg15[%dma_start3A_322] : memref<5120xf32, #tpu.memory_space<vmem>> -> memref<1024xf32, #tpu.memory_space<vmem>>
      %dma_start3A_324 = arith.constant 12288 : i32
      %dma_start3A_325 = tpu.memref_slice %arg12[%dma_start3A_324] : memref<20480xi32, #tpu.memory_space<vmem>> -> memref<1024xi32, #tpu.memory_space<vmem>>
      %dma_start3A_326 = arith.constant 0 : i32
      %dma_start3A_327 = tpu.memref_slice %arg9[%dma_start3A_326] : memref<1000000xf32, #tpu.memory_space<vmem_shared>> -> memref<1000000xf32, #tpu.memory_space<vmem_shared>>
      tpu.enqueue_indirect_dma source(%dma_start3A_327 : memref<1000000xf32, #tpu.memory_space<vmem_shared>>) target(%dma_start3A_323 : memref<1024xf32, #tpu.memory_space<vmem>>) offsets(%dma_start3A_325 : memref<1024xi32, #tpu.memory_space<vmem>>) semaphore(%arg19 : memref<!tpu.dma_semaphore, #tpu.memory_space<semaphore_mem>>)
      %dma_start3A_328 = arith.constant 3072 : i32
      %dma_start3A_329 = tpu.memref_slice %arg15[%dma_start3A_328] : memref<5120xf32, #tpu.memory_space<vmem>> -> memref<1024xf32, #tpu.memory_space<vmem>>
      %dma_start3A_330 = arith.constant 13312 : i32
      %dma_start3A_331 = tpu.memref_slice %arg12[%dma_start3A_330] : memref<20480xi32, #tpu.memory_space<vmem>> -> memref<1024xi32, #tpu.memory_space<vmem>>
      %dma_start3A_332 = arith.constant 0 : i32
      %dma_start3A_333 = tpu.memref_slice %arg9[%dma_start3A_332] : memref<1000000xf32, #tpu.memory_space<vmem_shared>> -> memref<1000000xf32, #tpu.memory_space<vmem_shared>>
      tpu.enqueue_indirect_dma source(%dma_start3A_333 : memref<1000000xf32, #tpu.memory_space<vmem_shared>>) target(%dma_start3A_329 : memref<1024xf32, #tpu.memory_space<vmem>>) offsets(%dma_start3A_331 : memref<1024xi32, #tpu.memory_space<vmem>>) semaphore(%arg19 : memref<!tpu.dma_semaphore, #tpu.memory_space<semaphore_mem>>)
      %dma_start3A_334 = arith.constant 4096 : i32
      %dma_start3A_335 = tpu.memref_slice %arg15[%dma_start3A_334] : memref<5120xf32, #tpu.memory_space<vmem>> -> memref<1024xf32, #tpu.memory_space<vmem>>
      %dma_start3A_336 = arith.constant 14336 : i32
      %dma_start3A_337 = tpu.memref_slice %arg12[%dma_start3A_336] : memref<20480xi32, #tpu.memory_space<vmem>> -> memref<1024xi32, #tpu.memory_space<vmem>>
      %dma_start3A_338 = arith.constant 0 : i32
      %dma_start3A_339 = tpu.memref_slice %arg9[%dma_start3A_338] : memref<1000000xf32, #tpu.memory_space<vmem_shared>> -> memref<1000000xf32, #tpu.memory_space<vmem_shared>>
      tpu.enqueue_indirect_dma source(%dma_start3A_339 : memref<1000000xf32, #tpu.memory_space<vmem_shared>>) target(%dma_start3A_335 : memref<1024xf32, #tpu.memory_space<vmem>>) offsets(%dma_start3A_337 : memref<1024xi32, #tpu.memory_space<vmem>>) semaphore(%arg19 : memref<!tpu.dma_semaphore, #tpu.memory_space<semaphore_mem>>)
      %dma_wait3A_340 = arith.constant 0 : i32
      %dma_wait3A_341 = tpu.memref_slice %arg15[%dma_wait3A_340] : memref<5120xf32, #tpu.memory_space<vmem>> -> memref<1024xf32, #tpu.memory_space<vmem>>
      %dma_wait3A_342 = arith.constant 10240 : i32
      %dma_wait3A_343 = tpu.memref_slice %arg12[%dma_wait3A_342] : memref<20480xi32, #tpu.memory_space<vmem>> -> memref<1024xi32, #tpu.memory_space<vmem>>
      %dma_wait3A_344 = arith.constant 0 : i32
      %dma_wait3A_345 = tpu.memref_slice %arg9[%dma_wait3A_344] : memref<1000000xf32, #tpu.memory_space<vmem_shared>> -> memref<1000000xf32, #tpu.memory_space<vmem_shared>>
      tpu.wait_indirect_dma semaphore(%arg19 : memref<!tpu.dma_semaphore, #tpu.memory_space<semaphore_mem>>) src(%dma_wait3A_345 : memref<1000000xf32, #tpu.memory_space<vmem_shared>>) dst(%dma_wait3A_341 : memref<1024xf32, #tpu.memory_space<vmem>>)
      %dma_wait3A_346 = arith.constant 1024 : i32
      %dma_wait3A_347 = tpu.memref_slice %arg15[%dma_wait3A_346] : memref<5120xf32, #tpu.memory_space<vmem>> -> memref<1024xf32, #tpu.memory_space<vmem>>
      %dma_wait3A_348 = arith.constant 11264 : i32
      %dma_wait3A_349 = tpu.memref_slice %arg12[%dma_wait3A_348] : memref<20480xi32, #tpu.memory_space<vmem>> -> memref<1024xi32, #tpu.memory_space<vmem>>
      %dma_wait3A_350 = arith.constant 0 : i32
      %dma_wait3A_351 = tpu.memref_slice %arg9[%dma_wait3A_350] : memref<1000000xf32, #tpu.memory_space<vmem_shared>> -> memref<1000000xf32, #tpu.memory_space<vmem_shared>>
      tpu.wait_indirect_dma semaphore(%arg19 : memref<!tpu.dma_semaphore, #tpu.memory_space<semaphore_mem>>) src(%dma_wait3A_351 : memref<1000000xf32, #tpu.memory_space<vmem_shared>>) dst(%dma_wait3A_347 : memref<1024xf32, #tpu.memory_space<vmem>>)
      %dma_wait3A_352 = arith.constant 2048 : i32
      %dma_wait3A_353 = tpu.memref_slice %arg15[%dma_wait3A_352] : memref<5120xf32, #tpu.memory_space<vmem>> -> memref<1024xf32, #tpu.memory_space<vmem>>
      %dma_wait3A_354 = arith.constant 12288 : i32
      %dma_wait3A_355 = tpu.memref_slice %arg12[%dma_wait3A_354] : memref<20480xi32, #tpu.memory_space<vmem>> -> memref<1024xi32, #tpu.memory_space<vmem>>
      %dma_wait3A_356 = arith.constant 0 : i32
      %dma_wait3A_357 = tpu.memref_slice %arg9[%dma_wait3A_356] : memref<1000000xf32, #tpu.memory_space<vmem_shared>> -> memref<1000000xf32, #tpu.memory_space<vmem_shared>>
      tpu.wait_indirect_dma semaphore(%arg19 : memref<!tpu.dma_semaphore, #tpu.memory_space<semaphore_mem>>) src(%dma_wait3A_357 : memref<1000000xf32, #tpu.memory_space<vmem_shared>>) dst(%dma_wait3A_353 : memref<1024xf32, #tpu.memory_space<vmem>>)
      %dma_wait3A_358 = arith.constant 3072 : i32
      %dma_wait3A_359 = tpu.memref_slice %arg15[%dma_wait3A_358] : memref<5120xf32, #tpu.memory_space<vmem>> -> memref<1024xf32, #tpu.memory_space<vmem>>
      %dma_wait3A_360 = arith.constant 13312 : i32
      %dma_wait3A_361 = tpu.memref_slice %arg12[%dma_wait3A_360] : memref<20480xi32, #tpu.memory_space<vmem>> -> memref<1024xi32, #tpu.memory_space<vmem>>
      %dma_wait3A_362 = arith.constant 0 : i32
      %dma_wait3A_363 = tpu.memref_slice %arg9[%dma_wait3A_362] : memref<1000000xf32, #tpu.memory_space<vmem_shared>> -> memref<1000000xf32, #tpu.memory_space<vmem_shared>>
      tpu.wait_indirect_dma semaphore(%arg19 : memref<!tpu.dma_semaphore, #tpu.memory_space<semaphore_mem>>) src(%dma_wait3A_363 : memref<1000000xf32, #tpu.memory_space<vmem_shared>>) dst(%dma_wait3A_359 : memref<1024xf32, #tpu.memory_space<vmem>>)
      %dma_wait3A_364 = arith.constant 4096 : i32
      %dma_wait3A_365 = tpu.memref_slice %arg15[%dma_wait3A_364] : memref<5120xf32, #tpu.memory_space<vmem>> -> memref<1024xf32, #tpu.memory_space<vmem>>
      %dma_wait3A_366 = arith.constant 14336 : i32
      %dma_wait3A_367 = tpu.memref_slice %arg12[%dma_wait3A_366] : memref<20480xi32, #tpu.memory_space<vmem>> -> memref<1024xi32, #tpu.memory_space<vmem>>
      %dma_wait3A_368 = arith.constant 0 : i32
      %dma_wait3A_369 = tpu.memref_slice %arg9[%dma_wait3A_368] : memref<1000000xf32, #tpu.memory_space<vmem_shared>> -> memref<1000000xf32, #tpu.memory_space<vmem_shared>>
      tpu.wait_indirect_dma semaphore(%arg19 : memref<!tpu.dma_semaphore, #tpu.memory_space<semaphore_mem>>) src(%dma_wait3A_369 : memref<1000000xf32, #tpu.memory_space<vmem_shared>>) dst(%dma_wait3A_365 : memref<1024xf32, #tpu.memory_space<vmem>>)
      %scan3A_370 = arith.constant 0 : i32
      %scan3A_371 = arith.constant 0 : i32
      %scan3A_372 = arith.constant 64 : i32
      %scan3A_373 = arith.addi %scan3A_371, %scan3A_372 : i32
      %scan3A_374 = arith.constant 1 : i32
      %scan3A_375 = scf.for %scan3A_446 = %scan3A_371 to %scan3A_373 step %scan3A_374 iter_args(%scan3A_447 = %scan3A_370) -> (i32)  : i32 {
        %mul3A_448 = arith.constant 16 : i32
        %mul3A_449 = arith.muli %scan3A_446, %mul3A_448 : i32
        %mul3A_450 = arith.constant 1024 : i32
        %mul3A_451 = arith.muli %scan3A_164, %mul3A_450 : i32
        %add3A_452 = arith.addi %mul3A_451, %mul3A_449 : i32
        %get3A = arith.index_cast %add3A_452 : i32 to index
        %get3A_453 = tpu.vector_load %arg13[%get3A] {strides = array<i32>} : memref<16384xf32, #tpu.memory_space<vmem>>, vector<16xf32>,
        %add3A_454 = arith.constant 10240 : i32
        %add3A_455 = arith.addi %add3A_454, %mul3A_449 : i32
        %add3A_456 = arith.constant 0 : i32
        %add3A_457 = arith.addi %add3A_456, %mul3A_449 : i32
        %get3A_458 = arith.index_cast %add3A_455 : i32 to index
        %get3A_459 = tpu.vector_load %arg17[%get3A_458] {strides = array<i32>} : memref<20480xf32, #tpu.memory_space<vmem>>, vector<16xf32>,
        %get3A_460 = arith.index_cast %add3A_457 : i32 to index
        %get3A_461 = tpu.vector_load %arg15[%get3A_460] {strides = array<i32>} : memref<5120xf32, #tpu.memory_space<vmem>>, vector<16xf32>,
        %mul3A_462 = arith.mulf %get3A_453, %get3A_461 : vector<16xf32>
        %add3A_463 = arith.addf %get3A_459, %mul3A_462 : vector<16xf32>
        %swap3A = arith.index_cast %add3A_455 : i32 to index
        %swap3A_464 = tpu.vector_load %arg17[%swap3A] {strides = array<i32>} : memref<20480xf32, #tpu.memory_space<vmem>>, vector<16xf32>,
        tpu.vector_store %arg17[%swap3A], %add3A_463 {strides = array<i32>} : memref<20480xf32, #tpu.memory_space<vmem>>, vector<16xf32>,
        %add3A_465 = arith.constant 11264 : i32
        %add3A_466 = arith.addi %add3A_465, %mul3A_449 : i32
        %add3A_467 = arith.constant 1024 : i32
        %add3A_468 = arith.addi %add3A_467, %mul3A_449 : i32
        %get3A_469 = arith.index_cast %add3A_466 : i32 to index
        %get3A_470 = tpu.vector_load %arg17[%get3A_469] {strides = array<i32>} : memref<20480xf32, #tpu.memory_space<vmem>>, vector<16xf32>,
        %get3A_471 = arith.index_cast %add3A_468 : i32 to index
        %get3A_472 = tpu.vector_load %arg15[%get3A_471] {strides = array<i32>} : memref<5120xf32, #tpu.memory_space<vmem>>, vector<16xf32>,
        %mul3A_473 = arith.mulf %get3A_453, %get3A_472 : vector<16xf32>
        %add3A_474 = arith.addf %get3A_470, %mul3A_473 : vector<16xf32>
        %swap3A_475 = arith.index_cast %add3A_466 : i32 to index
        %swap3A_476 = tpu.vector_load %arg17[%swap3A_475] {strides = array<i32>} : memref<20480xf32, #tpu.memory_space<vmem>>, vector<16xf32>,
        tpu.vector_store %arg17[%swap3A_475], %add3A_474 {strides = array<i32>} : memref<20480xf32, #tpu.memory_space<vmem>>, vector<16xf32>,
        %add3A_477 = arith.constant 12288 : i32
        %add3A_478 = arith.addi %add3A_477, %mul3A_449 : i32
        %add3A_479 = arith.constant 2048 : i32
        %add3A_480 = arith.addi %add3A_479, %mul3A_449 : i32
        %get3A_481 = arith.index_cast %add3A_478 : i32 to index
        %get3A_482 = tpu.vector_load %arg17[%get3A_481] {strides = array<i32>} : memref<20480xf32, #tpu.memory_space<vmem>>, vector<16xf32>,
        %get3A_483 = arith.index_cast %add3A_480 : i32 to index
        %get3A_484 = tpu.vector_load %arg15[%get3A_483] {strides = array<i32>} : memref<5120xf32, #tpu.memory_space<vmem>>, vector<16xf32>,
        %mul3A_485 = arith.mulf %get3A_453, %get3A_484 : vector<16xf32>
        %add3A_486 = arith.addf %get3A_482, %mul3A_485 : vector<16xf32>
        %swap3A_487 = arith.index_cast %add3A_478 : i32 to index
        %swap3A_488 = tpu.vector_load %arg17[%swap3A_487] {strides = array<i32>} : memref<20480xf32, #tpu.memory_space<vmem>>, vector<16xf32>,
        tpu.vector_store %arg17[%swap3A_487], %add3A_486 {strides = array<i32>} : memref<20480xf32, #tpu.memory_space<vmem>>, vector<16xf32>,
        %add3A_489 = arith.constant 13312 : i32
        %add3A_490 = arith.addi %add3A_489, %mul3A_449 : i32
        %add3A_491 = arith.constant 3072 : i32
        %add3A_492 = arith.addi %add3A_491, %mul3A_449 : i32
        %get3A_493 = arith.index_cast %add3A_490 : i32 to index
        %get3A_494 = tpu.vector_load %arg17[%get3A_493] {strides = array<i32>} : memref<20480xf32, #tpu.memory_space<vmem>>, vector<16xf32>,
        %get3A_495 = arith.index_cast %add3A_492 : i32 to index
        %get3A_496 = tpu.vector_load %arg15[%get3A_495] {strides = array<i32>} : memref<5120xf32, #tpu.memory_space<vmem>>, vector<16xf32>,
        %mul3A_497 = arith.mulf %get3A_453, %get3A_496 : vector<16xf32>
        %add3A_498 = arith.addf %get3A_494, %mul3A_497 : vector<16xf32>
        %swap3A_499 = arith.index_cast %add3A_490 : i32 to index
        %swap3A_500 = tpu.vector_load %arg17[%swap3A_499] {strides = array<i32>} : memref<20480xf32, #tpu.memory_space<vmem>>, vector<16xf32>,
        tpu.vector_store %arg17[%swap3A_499], %add3A_498 {strides = array<i32>} : memref<20480xf32, #tpu.memory_space<vmem>>, vector<16xf32>,
        %add3A_501 = arith.constant 14336 : i32
        %add3A_502 = arith.addi %add3A_501, %mul3A_449 : i32
        %add3A_503 = arith.constant 4096 : i32
        %add3A_504 = arith.addi %add3A_503, %mul3A_449 : i32
        %get3A_505 = arith.index_cast %add3A_502 : i32 to index
        %get3A_506 = tpu.vector_load %arg17[%get3A_505] {strides = array<i32>} : memref<20480xf32, #tpu.memory_space<vmem>>, vector<16xf32>,
        %get3A_507 = arith.index_cast %add3A_504 : i32 to index
        %get3A_508 = tpu.vector_load %arg15[%get3A_507] {strides = array<i32>} : memref<5120xf32, #tpu.memory_space<vmem>>, vector<16xf32>,
        %mul3A_509 = arith.mulf %get3A_453, %get3A_508 : vector<16xf32>
        %add3A_510 = arith.addf %get3A_506, %mul3A_509 : vector<16xf32>
        %swap3A_511 = arith.index_cast %add3A_502 : i32 to index
        %swap3A_512 = tpu.vector_load %arg17[%swap3A_511] {strides = array<i32>} : memref<20480xf32, #tpu.memory_space<vmem>>, vector<16xf32>,
        tpu.vector_store %arg17[%swap3A_511], %add3A_510 {strides = array<i32>} : memref<20480xf32, #tpu.memory_space<vmem>>, vector<16xf32>,
        %scan3A_513 = arith.constant 0 : i32
        scf.yield %scan3A_513 : i32
      }
      %scan3A_376 = arith.constant 64 : i32
      %dma_start3A_377 = arith.constant 0 : i32
      %dma_start3A_378 = tpu.memref_slice %arg15[%dma_start3A_377] : memref<5120xf32, #tpu.memory_space<vmem>> -> memref<1024xf32, #tpu.memory_space<vmem>>
      %dma_start3A_379 = arith.constant 15360 : i32
      %dma_start3A_380 = tpu.memref_slice %arg12[%dma_start3A_379] : memref<20480xi32, #tpu.memory_space<vmem>> -> memref<1024xi32, #tpu.memory_space<vmem>>
      %dma_start3A_381 = arith.constant 0 : i32
      %dma_start3A_382 = tpu.memref_slice %arg9[%dma_start3A_381] : memref<1000000xf32, #tpu.memory_space<vmem_shared>> -> memref<1000000xf32, #tpu.memory_space<vmem_shared>>
      tpu.enqueue_indirect_dma source(%dma_start3A_382 : memref<1000000xf32, #tpu.memory_space<vmem_shared>>) target(%dma_start3A_378 : memref<1024xf32, #tpu.memory_space<vmem>>) offsets(%dma_start3A_380 : memref<1024xi32, #tpu.memory_space<vmem>>) semaphore(%arg19 : memref<!tpu.dma_semaphore, #tpu.memory_space<semaphore_mem>>)
      %dma_start3A_383 = arith.constant 1024 : i32
      %dma_start3A_384 = tpu.memref_slice %arg15[%dma_start3A_383] : memref<5120xf32, #tpu.memory_space<vmem>> -> memref<1024xf32, #tpu.memory_space<vmem>>
      %dma_start3A_385 = arith.constant 16384 : i32
      %dma_start3A_386 = tpu.memref_slice %arg12[%dma_start3A_385] : memref<20480xi32, #tpu.memory_space<vmem>> -> memref<1024xi32, #tpu.memory_space<vmem>>
      %dma_start3A_387 = arith.constant 0 : i32
      %dma_start3A_388 = tpu.memref_slice %arg9[%dma_start3A_387] : memref<1000000xf32, #tpu.memory_space<vmem_shared>> -> memref<1000000xf32, #tpu.memory_space<vmem_shared>>
      tpu.enqueue_indirect_dma source(%dma_start3A_388 : memref<1000000xf32, #tpu.memory_space<vmem_shared>>) target(%dma_start3A_384 : memref<1024xf32, #tpu.memory_space<vmem>>) offsets(%dma_start3A_386 : memref<1024xi32, #tpu.memory_space<vmem>>) semaphore(%arg19 : memref<!tpu.dma_semaphore, #tpu.memory_space<semaphore_mem>>)
      %dma_start3A_389 = arith.constant 2048 : i32
      %dma_start3A_390 = tpu.memref_slice %arg15[%dma_start3A_389] : memref<5120xf32, #tpu.memory_space<vmem>> -> memref<1024xf32, #tpu.memory_space<vmem>>
      %dma_start3A_391 = arith.constant 17408 : i32
      %dma_start3A_392 = tpu.memref_slice %arg12[%dma_start3A_391] : memref<20480xi32, #tpu.memory_space<vmem>> -> memref<1024xi32, #tpu.memory_space<vmem>>
      %dma_start3A_393 = arith.constant 0 : i32
      %dma_start3A_394 = tpu.memref_slice %arg9[%dma_start3A_393] : memref<1000000xf32, #tpu.memory_space<vmem_shared>> -> memref<1000000xf32, #tpu.memory_space<vmem_shared>>
      tpu.enqueue_indirect_dma source(%dma_start3A_394 : memref<1000000xf32, #tpu.memory_space<vmem_shared>>) target(%dma_start3A_390 : memref<1024xf32, #tpu.memory_space<vmem>>) offsets(%dma_start3A_392 : memref<1024xi32, #tpu.memory_space<vmem>>) semaphore(%arg19 : memref<!tpu.dma_semaphore, #tpu.memory_space<semaphore_mem>>)
      %dma_start3A_395 = arith.constant 3072 : i32
      %dma_start3A_396 = tpu.memref_slice %arg15[%dma_start3A_395] : memref<5120xf32, #tpu.memory_space<vmem>> -> memref<1024xf32, #tpu.memory_space<vmem>>
      %dma_start3A_397 = arith.constant 18432 : i32
      %dma_start3A_398 = tpu.memref_slice %arg12[%dma_start3A_397] : memref<20480xi32, #tpu.memory_space<vmem>> -> memref<1024xi32, #tpu.memory_space<vmem>>
      %dma_start3A_399 = arith.constant 0 : i32
      %dma_start3A_400 = tpu.memref_slice %arg9[%dma_start3A_399] : memref<1000000xf32, #tpu.memory_space<vmem_shared>> -> memref<1000000xf32, #tpu.memory_space<vmem_shared>>
      tpu.enqueue_indirect_dma source(%dma_start3A_400 : memref<1000000xf32, #tpu.memory_space<vmem_shared>>) target(%dma_start3A_396 : memref<1024xf32, #tpu.memory_space<vmem>>) offsets(%dma_start3A_398 : memref<1024xi32, #tpu.memory_space<vmem>>) semaphore(%arg19 : memref<!tpu.dma_semaphore, #tpu.memory_space<semaphore_mem>>)
      %dma_start3A_401 = arith.constant 4096 : i32
      %dma_start3A_402 = tpu.memref_slice %arg15[%dma_start3A_401] : memref<5120xf32, #tpu.memory_space<vmem>> -> memref<1024xf32, #tpu.memory_space<vmem>>
      %dma_start3A_403 = arith.constant 19456 : i32
      %dma_start3A_404 = tpu.memref_slice %arg12[%dma_start3A_403] : memref<20480xi32, #tpu.memory_space<vmem>> -> memref<1024xi32, #tpu.memory_space<vmem>>
      %dma_start3A_405 = arith.constant 0 : i32
      %dma_start3A_406 = tpu.memref_slice %arg9[%dma_start3A_405] : memref<1000000xf32, #tpu.memory_space<vmem_shared>> -> memref<1000000xf32, #tpu.memory_space<vmem_shared>>
      tpu.enqueue_indirect_dma source(%dma_start3A_406 : memref<1000000xf32, #tpu.memory_space<vmem_shared>>) target(%dma_start3A_402 : memref<1024xf32, #tpu.memory_space<vmem>>) offsets(%dma_start3A_404 : memref<1024xi32, #tpu.memory_space<vmem>>) semaphore(%arg19 : memref<!tpu.dma_semaphore, #tpu.memory_space<semaphore_mem>>)
      %dma_wait3A_407 = arith.constant 0 : i32
      %dma_wait3A_408 = tpu.memref_slice %arg15[%dma_wait3A_407] : memref<5120xf32, #tpu.memory_space<vmem>> -> memref<1024xf32, #tpu.memory_space<vmem>>
      %dma_wait3A_409 = arith.constant 15360 : i32
      %dma_wait3A_410 = tpu.memref_slice %arg12[%dma_wait3A_409] : memref<20480xi32, #tpu.memory_space<vmem>> -> memref<1024xi32, #tpu.memory_space<vmem>>
      %dma_wait3A_411 = arith.constant 0 : i32
      %dma_wait3A_412 = tpu.memref_slice %arg9[%dma_wait3A_411] : memref<1000000xf32, #tpu.memory_space<vmem_shared>> -> memref<1000000xf32, #tpu.memory_space<vmem_shared>>
      tpu.wait_indirect_dma semaphore(%arg19 : memref<!tpu.dma_semaphore, #tpu.memory_space<semaphore_mem>>) src(%dma_wait3A_412 : memref<1000000xf32, #tpu.memory_space<vmem_shared>>) dst(%dma_wait3A_408 : memref<1024xf32, #tpu.memory_space<vmem>>)
      %dma_wait3A_413 = arith.constant 1024 : i32
      %dma_wait3A_414 = tpu.memref_slice %arg15[%dma_wait3A_413] : memref<5120xf32, #tpu.memory_space<vmem>> -> memref<1024xf32, #tpu.memory_space<vmem>>
      %dma_wait3A_415 = arith.constant 16384 : i32
      %dma_wait3A_416 = tpu.memref_slice %arg12[%dma_wait3A_415] : memref<20480xi32, #tpu.memory_space<vmem>> -> memref<1024xi32, #tpu.memory_space<vmem>>
      %dma_wait3A_417 = arith.constant 0 : i32
      %dma_wait3A_418 = tpu.memref_slice %arg9[%dma_wait3A_417] : memref<1000000xf32, #tpu.memory_space<vmem_shared>> -> memref<1000000xf32, #tpu.memory_space<vmem_shared>>
      tpu.wait_indirect_dma semaphore(%arg19 : memref<!tpu.dma_semaphore, #tpu.memory_space<semaphore_mem>>) src(%dma_wait3A_418 : memref<1000000xf32, #tpu.memory_space<vmem_shared>>) dst(%dma_wait3A_414 : memref<1024xf32, #tpu.memory_space<vmem>>)
      %dma_wait3A_419 = arith.constant 2048 : i32
      %dma_wait3A_420 = tpu.memref_slice %arg15[%dma_wait3A_419] : memref<5120xf32, #tpu.memory_space<vmem>> -> memref<1024xf32, #tpu.memory_space<vmem>>
      %dma_wait3A_421 = arith.constant 17408 : i32
      %dma_wait3A_422 = tpu.memref_slice %arg12[%dma_wait3A_421] : memref<20480xi32, #tpu.memory_space<vmem>> -> memref<1024xi32, #tpu.memory_space<vmem>>
      %dma_wait3A_423 = arith.constant 0 : i32
      %dma_wait3A_424 = tpu.memref_slice %arg9[%dma_wait3A_423] : memref<1000000xf32, #tpu.memory_space<vmem_shared>> -> memref<1000000xf32, #tpu.memory_space<vmem_shared>>
      tpu.wait_indirect_dma semaphore(%arg19 : memref<!tpu.dma_semaphore, #tpu.memory_space<semaphore_mem>>) src(%dma_wait3A_424 : memref<1000000xf32, #tpu.memory_space<vmem_shared>>) dst(%dma_wait3A_420 : memref<1024xf32, #tpu.memory_space<vmem>>)
      %dma_wait3A_425 = arith.constant 3072 : i32
      %dma_wait3A_426 = tpu.memref_slice %arg15[%dma_wait3A_425] : memref<5120xf32, #tpu.memory_space<vmem>> -> memref<1024xf32, #tpu.memory_space<vmem>>
      %dma_wait3A_427 = arith.constant 18432 : i32
      %dma_wait3A_428 = tpu.memref_slice %arg12[%dma_wait3A_427] : memref<20480xi32, #tpu.memory_space<vmem>> -> memref<1024xi32, #tpu.memory_space<vmem>>
      %dma_wait3A_429 = arith.constant 0 : i32
      %dma_wait3A_430 = tpu.memref_slice %arg9[%dma_wait3A_429] : memref<1000000xf32, #tpu.memory_space<vmem_shared>> -> memref<1000000xf32, #tpu.memory_space<vmem_shared>>
      tpu.wait_indirect_dma semaphore(%arg19 : memref<!tpu.dma_semaphore, #tpu.memory_space<semaphore_mem>>) src(%dma_wait3A_430 : memref<1000000xf32, #tpu.memory_space<vmem_shared>>) dst(%dma_wait3A_426 : memref<1024xf32, #tpu.memory_space<vmem>>)
      %dma_wait3A_431 = arith.constant 4096 : i32
      %dma_wait3A_432 = tpu.memref_slice %arg15[%dma_wait3A_431] : memref<5120xf32, #tpu.memory_space<vmem>> -> memref<1024xf32, #tpu.memory_space<vmem>>
      %dma_wait3A_433 = arith.constant 19456 : i32
      %dma_wait3A_434 = tpu.memref_slice %arg12[%dma_wait3A_433] : memref<20480xi32, #tpu.memory_space<vmem>> -> memref<1024xi32, #tpu.memory_space<vmem>>
      %dma_wait3A_435 = arith.constant 0 : i32
      %dma_wait3A_436 = tpu.memref_slice %arg9[%dma_wait3A_435] : memref<1000000xf32, #tpu.memory_space<vmem_shared>> -> memref<1000000xf32, #tpu.memory_space<vmem_shared>>
      tpu.wait_indirect_dma semaphore(%arg19 : memref<!tpu.dma_semaphore, #tpu.memory_space<semaphore_mem>>) src(%dma_wait3A_436 : memref<1000000xf32, #tpu.memory_space<vmem_shared>>) dst(%dma_wait3A_432 : memref<1024xf32, #tpu.memory_space<vmem>>)
      %scan3A_437 = arith.constant 0 : i32
      %scan3A_438 = arith.constant 0 : i32
      %scan3A_439 = arith.constant 64 : i32
      %scan3A_440 = arith.addi %scan3A_438, %scan3A_439 : i32
      %scan3A_441 = arith.constant 1 : i32
      %scan3A_442 = scf.for %scan3A_446 = %scan3A_438 to %scan3A_440 step %scan3A_441 iter_args(%scan3A_447 = %scan3A_437) -> (i32)  : i32 {
        %mul3A_448 = arith.constant 16 : i32
        %mul3A_449 = arith.muli %scan3A_446, %mul3A_448 : i32
        %mul3A_450 = arith.constant 1024 : i32
        %mul3A_451 = arith.muli %scan3A_164, %mul3A_450 : i32
        %add3A_452 = arith.addi %mul3A_451, %mul3A_449 : i32
        %get3A = arith.index_cast %add3A_452 : i32 to index
        %get3A_453 = tpu.vector_load %arg13[%get3A] {strides = array<i32>} : memref<16384xf32, #tpu.memory_space<vmem>>, vector<16xf32>,
        %add3A_454 = arith.constant 15360 : i32
        %add3A_455 = arith.addi %add3A_454, %mul3A_449 : i32
        %add3A_456 = arith.constant 0 : i32
        %add3A_457 = arith.addi %add3A_456, %mul3A_449 : i32
        %get3A_458 = arith.index_cast %add3A_455 : i32 to index
        %get3A_459 = tpu.vector_load %arg17[%get3A_458] {strides = array<i32>} : memref<20480xf32, #tpu.memory_space<vmem>>, vector<16xf32>,
        %get3A_460 = arith.index_cast %add3A_457 : i32 to index
        %get3A_461 = tpu.vector_load %arg15[%get3A_460] {strides = array<i32>} : memref<5120xf32, #tpu.memory_space<vmem>>, vector<16xf32>,
        %mul3A_462 = arith.mulf %get3A_453, %get3A_461 : vector<16xf32>
        %add3A_463 = arith.addf %get3A_459, %mul3A_462 : vector<16xf32>
        %swap3A = arith.index_cast %add3A_455 : i32 to index
        %swap3A_464 = tpu.vector_load %arg17[%swap3A] {strides = array<i32>} : memref<20480xf32, #tpu.memory_space<vmem>>, vector<16xf32>,
        tpu.vector_store %arg17[%swap3A], %add3A_463 {strides = array<i32>} : memref<20480xf32, #tpu.memory_space<vmem>>, vector<16xf32>,
        %add3A_465 = arith.constant 16384 : i32
        %add3A_466 = arith.addi %add3A_465, %mul3A_449 : i32
        %add3A_467 = arith.constant 1024 : i32
        %add3A_468 = arith.addi %add3A_467, %mul3A_449 : i32
        %get3A_469 = arith.index_cast %add3A_466 : i32 to index
        %get3A_470 = tpu.vector_load %arg17[%get3A_469] {strides = array<i32>} : memref<20480xf32, #tpu.memory_space<vmem>>, vector<16xf32>,
        %get3A_471 = arith.index_cast %add3A_468 : i32 to index
        %get3A_472 = tpu.vector_load %arg15[%get3A_471] {strides = array<i32>} : memref<5120xf32, #tpu.memory_space<vmem>>, vector<16xf32>,
        %mul3A_473 = arith.mulf %get3A_453, %get3A_472 : vector<16xf32>
        %add3A_474 = arith.addf %get3A_470, %mul3A_473 : vector<16xf32>
        %swap3A_475 = arith.index_cast %add3A_466 : i32 to index
        %swap3A_476 = tpu.vector_load %arg17[%swap3A_475] {strides = array<i32>} : memref<20480xf32, #tpu.memory_space<vmem>>, vector<16xf32>,
        tpu.vector_store %arg17[%swap3A_475], %add3A_474 {strides = array<i32>} : memref<20480xf32, #tpu.memory_space<vmem>>, vector<16xf32>,
        %add3A_477 = arith.constant 17408 : i32
        %add3A_478 = arith.addi %add3A_477, %mul3A_449 : i32
        %add3A_479 = arith.constant 2048 : i32
        %add3A_480 = arith.addi %add3A_479, %mul3A_449 : i32
        %get3A_481 = arith.index_cast %add3A_478 : i32 to index
        %get3A_482 = tpu.vector_load %arg17[%get3A_481] {strides = array<i32>} : memref<20480xf32, #tpu.memory_space<vmem>>, vector<16xf32>,
        %get3A_483 = arith.index_cast %add3A_480 : i32 to index
        %get3A_484 = tpu.vector_load %arg15[%get3A_483] {strides = array<i32>} : memref<5120xf32, #tpu.memory_space<vmem>>, vector<16xf32>,
        %mul3A_485 = arith.mulf %get3A_453, %get3A_484 : vector<16xf32>
        %add3A_486 = arith.addf %get3A_482, %mul3A_485 : vector<16xf32>
        %swap3A_487 = arith.index_cast %add3A_478 : i32 to index
        %swap3A_488 = tpu.vector_load %arg17[%swap3A_487] {strides = array<i32>} : memref<20480xf32, #tpu.memory_space<vmem>>, vector<16xf32>,
        tpu.vector_store %arg17[%swap3A_487], %add3A_486 {strides = array<i32>} : memref<20480xf32, #tpu.memory_space<vmem>>, vector<16xf32>,
        %add3A_489 = arith.constant 18432 : i32
        %add3A_490 = arith.addi %add3A_489, %mul3A_449 : i32
        %add3A_491 = arith.constant 3072 : i32
        %add3A_492 = arith.addi %add3A_491, %mul3A_449 : i32
        %get3A_493 = arith.index_cast %add3A_490 : i32 to index
        %get3A_494 = tpu.vector_load %arg17[%get3A_493] {strides = array<i32>} : memref<20480xf32, #tpu.memory_space<vmem>>, vector<16xf32>,
        %get3A_495 = arith.index_cast %add3A_492 : i32 to index
        %get3A_496 = tpu.vector_load %arg15[%get3A_495] {strides = array<i32>} : memref<5120xf32, #tpu.memory_space<vmem>>, vector<16xf32>,
        %mul3A_497 = arith.mulf %get3A_453, %get3A_496 : vector<16xf32>
        %add3A_498 = arith.addf %get3A_494, %mul3A_497 : vector<16xf32>
        %swap3A_499 = arith.index_cast %add3A_490 : i32 to index
        %swap3A_500 = tpu.vector_load %arg17[%swap3A_499] {strides = array<i32>} : memref<20480xf32, #tpu.memory_space<vmem>>, vector<16xf32>,
        tpu.vector_store %arg17[%swap3A_499], %add3A_498 {strides = array<i32>} : memref<20480xf32, #tpu.memory_space<vmem>>, vector<16xf32>,
        %add3A_501 = arith.constant 19456 : i32
        %add3A_502 = arith.addi %add3A_501, %mul3A_449 : i32
        %add3A_503 = arith.constant 4096 : i32
        %add3A_504 = arith.addi %add3A_503, %mul3A_449 : i32
        %get3A_505 = arith.index_cast %add3A_502 : i32 to index
        %get3A_506 = tpu.vector_load %arg17[%get3A_505] {strides = array<i32>} : memref<20480xf32, #tpu.memory_space<vmem>>, vector<16xf32>,
        %get3A_507 = arith.index_cast %add3A_504 : i32 to index
        %get3A_508 = tpu.vector_load %arg15[%get3A_507] {strides = array<i32>} : memref<5120xf32, #tpu.memory_space<vmem>>, vector<16xf32>,
        %mul3A_509 = arith.mulf %get3A_453, %get3A_508 : vector<16xf32>
        %add3A_510 = arith.addf %get3A_506, %mul3A_509 : vector<16xf32>
        %swap3A_511 = arith.index_cast %add3A_502 : i32 to index
        %swap3A_512 = tpu.vector_load %arg17[%swap3A_511] {strides = array<i32>} : memref<20480xf32, #tpu.memory_space<vmem>>, vector<16xf32>,
        tpu.vector_store %arg17[%swap3A_511], %add3A_510 {strides = array<i32>} : memref<20480xf32, #tpu.memory_space<vmem>>, vector<16xf32>,
        %scan3A_513 = arith.constant 0 : i32
        scf.yield %scan3A_513 : i32
      }
      %scan3A_443 = arith.constant 64 : i32
      %barrier3A_444 = arith.constant 0 : index
      tpu.barrier barrier_id(%barrier3A_444)
      %scan3A_445 = arith.constant 0 : i32
      scf.yield %scan3A_445 : i32
    }
    %scan3A_60 = arith.constant 16 : i32
    %mul3A_61 = arith.constant 16384 : i32
    %mul3A_62 = arith.muli %arg0, %mul3A_61 : i32
    %add3A_63 = arith.addi %mul3A_62, %mul3A_0 : i32
    "tpu.region"() ({
      %run_scoped3A = tpu.sem_alloc : memref<!tpu.dma_semaphore, #tpu.memory_space<semaphore_mem>>
      %dma_start3A = tpu.memref_slice %arg7[%add3A_63] : memref<32768xf32, #tpu.memory_space<hbm>> -> memref<1024xf32, #tpu.memory_space<hbm>>
      %dma_start3A_164 = tpu.memref_slice %arg7[%add3A_63] : memref<32768xf32, #tpu.memory_space<hbm>> -> memref<1024xf32, #tpu.memory_space<hbm>>
      tpu.enqueue_dma source(%arg16 : memref<1024xf32, #tpu.memory_space<vmem>>) target(%dma_start3A_164 : memref<1024xf32, #tpu.memory_space<hbm>>) target_semaphore(%run_scoped3A : memref<!tpu.dma_semaphore, #tpu.memory_space<semaphore_mem>>)
      %dma_wait3A = tpu.memref_slice %arg7[%add3A_63] : memref<32768xf32, #tpu.memory_space<hbm>> -> memref<1024xf32, #tpu.memory_space<hbm>>
      %dma_wait3A_165 = tpu.memref_slice %arg7[%add3A_63] : memref<32768xf32, #tpu.memory_space<hbm>> -> memref<1024xf32, #tpu.memory_space<hbm>>
      tpu.wait_dma2 semaphore(%run_scoped3A : memref<!tpu.dma_semaphore, #tpu.memory_space<semaphore_mem>>) src(%arg16 : memref<1024xf32, #tpu.memory_space<vmem>>) dst(%dma_wait3A_165 : memref<1024xf32, #tpu.memory_space<hbm>>)
      tpu.yield
    }) : () -> ()
    %mul3A_64 = arith.constant 327680 : i32
    %mul3A_65 = arith.muli %arg0, %mul3A_64 : i32
    %add3A_66 = arith.constant 0 : i32
    %add3A_67 = arith.addi %mul3A_65, %add3A_66 : i32
    %add3A_68 = arith.addi %add3A_67, %mul3A_0 : i32
    "tpu.region"() ({
      %run_scoped3A = tpu.sem_alloc : memref<!tpu.dma_semaphore, #tpu.memory_space<semaphore_mem>>
      %dma_start3A = arith.constant 0 : i32
      %dma_start3A_164 = tpu.memref_slice %arg17[%dma_start3A] : memref<20480xf32, #tpu.memory_space<vmem>> -> memref<1024xf32, #tpu.memory_space<vmem>>
      %dma_start3A_165 = tpu.memref_slice %arg8[%add3A_68] : memref<655360xf32, #tpu.memory_space<hbm>> -> memref<1024xf32, #tpu.memory_space<hbm>>
      %dma_start3A_166 = tpu.memref_slice %arg8[%add3A_68] : memref<655360xf32, #tpu.memory_space<hbm>> -> memref<1024xf32, #tpu.memory_space<hbm>>
      %dma_start3A_167 = arith.constant 0 : i32
      %dma_start3A_168 = tpu.memref_slice %arg17[%dma_start3A_167] : memref<20480xf32, #tpu.memory_space<vmem>> -> memref<1024xf32, #tpu.memory_space<vmem>>
      tpu.enqueue_dma source(%dma_start3A_168 : memref<1024xf32, #tpu.memory_space<vmem>>) target(%dma_start3A_166 : memref<1024xf32, #tpu.memory_space<hbm>>) target_semaphore(%run_scoped3A : memref<!tpu.dma_semaphore, #tpu.memory_space<semaphore_mem>>)
      %dma_wait3A = arith.constant 0 : i32
      %dma_wait3A_169 = tpu.memref_slice %arg17[%dma_wait3A] : memref<20480xf32, #tpu.memory_space<vmem>> -> memref<1024xf32, #tpu.memory_space<vmem>>
      %dma_wait3A_170 = tpu.memref_slice %arg8[%add3A_68] : memref<655360xf32, #tpu.memory_space<hbm>> -> memref<1024xf32, #tpu.memory_space<hbm>>
      %dma_wait3A_171 = tpu.memref_slice %arg8[%add3A_68] : memref<655360xf32, #tpu.memory_space<hbm>> -> memref<1024xf32, #tpu.memory_space<hbm>>
      %dma_wait3A_172 = arith.constant 0 : i32
      %dma_wait3A_173 = tpu.memref_slice %arg17[%dma_wait3A_172] : memref<20480xf32, #tpu.memory_space<vmem>> -> memref<1024xf32, #tpu.memory_space<vmem>>
      tpu.wait_dma2 semaphore(%run_scoped3A : memref<!tpu.dma_semaphore, #tpu.memory_space<semaphore_mem>>) src(%dma_wait3A_173 : memref<1024xf32, #tpu.memory_space<vmem>>) dst(%dma_wait3A_171 : memref<1024xf32, #tpu.memory_space<hbm>>)
      tpu.yield
    }) : () -> ()
    %mul3A_69 = arith.constant 327680 : i32
    %mul3A_70 = arith.muli %arg0, %mul3A_69 : i32
    %add3A_71 = arith.constant 16384 : i32
    %add3A_72 = arith.addi %mul3A_70, %add3A_71 : i32
    %add3A_73 = arith.addi %add3A_72, %mul3A_0 : i32
    "tpu.region"() ({
      %run_scoped3A = tpu.sem_alloc : memref<!tpu.dma_semaphore, #tpu.memory_space<semaphore_mem>>
      %dma_start3A = arith.constant 1024 : i32
      %dma_start3A_164 = tpu.memref_slice %arg17[%dma_start3A] : memref<20480xf32, #tpu.memory_space<vmem>> -> memref<1024xf32, #tpu.memory_space<vmem>>
      %dma_start3A_165 = tpu.memref_slice %arg8[%add3A_73] : memref<655360xf32, #tpu.memory_space<hbm>> -> memref<1024xf32, #tpu.memory_space<hbm>>
      %dma_start3A_166 = tpu.memref_slice %arg8[%add3A_73] : memref<655360xf32, #tpu.memory_space<hbm>> -> memref<1024xf32, #tpu.memory_space<hbm>>
      %dma_start3A_167 = arith.constant 1024 : i32
      %dma_start3A_168 = tpu.memref_slice %arg17[%dma_start3A_167] : memref<20480xf32, #tpu.memory_space<vmem>> -> memref<1024xf32, #tpu.memory_space<vmem>>
      tpu.enqueue_dma source(%dma_start3A_168 : memref<1024xf32, #tpu.memory_space<vmem>>) target(%dma_start3A_166 : memref<1024xf32, #tpu.memory_space<hbm>>) target_semaphore(%run_scoped3A : memref<!tpu.dma_semaphore, #tpu.memory_space<semaphore_mem>>)
      %dma_wait3A = arith.constant 1024 : i32
      %dma_wait3A_169 = tpu.memref_slice %arg17[%dma_wait3A] : memref<20480xf32, #tpu.memory_space<vmem>> -> memref<1024xf32, #tpu.memory_space<vmem>>
      %dma_wait3A_170 = tpu.memref_slice %arg8[%add3A_73] : memref<655360xf32, #tpu.memory_space<hbm>> -> memref<1024xf32, #tpu.memory_space<hbm>>
      %dma_wait3A_171 = tpu.memref_slice %arg8[%add3A_73] : memref<655360xf32, #tpu.memory_space<hbm>> -> memref<1024xf32, #tpu.memory_space<hbm>>
      %dma_wait3A_172 = arith.constant 1024 : i32
      %dma_wait3A_173 = tpu.memref_slice %arg17[%dma_wait3A_172] : memref<20480xf32, #tpu.memory_space<vmem>> -> memref<1024xf32, #tpu.memory_space<vmem>>
      tpu.wait_dma2 semaphore(%run_scoped3A : memref<!tpu.dma_semaphore, #tpu.memory_space<semaphore_mem>>) src(%dma_wait3A_173 : memref<1024xf32, #tpu.memory_space<vmem>>) dst(%dma_wait3A_171 : memref<1024xf32, #tpu.memory_space<hbm>>)
      tpu.yield
    }) : () -> ()
    %mul3A_74 = arith.constant 327680 : i32
    %mul3A_75 = arith.muli %arg0, %mul3A_74 : i32
    %add3A_76 = arith.constant 32768 : i32
    %add3A_77 = arith.addi %mul3A_75, %add3A_76 : i32
    %add3A_78 = arith.addi %add3A_77, %mul3A_0 : i32
    "tpu.region"() ({
      %run_scoped3A = tpu.sem_alloc : memref<!tpu.dma_semaphore, #tpu.memory_space<semaphore_mem>>
      %dma_start3A = arith.constant 2048 : i32
      %dma_start3A_164 = tpu.memref_slice %arg17[%dma_start3A] : memref<20480xf32, #tpu.memory_space<vmem>> -> memref<1024xf32, #tpu.memory_space<vmem>>
      %dma_start3A_165 = tpu.memref_slice %arg8[%add3A_78] : memref<655360xf32, #tpu.memory_space<hbm>> -> memref<1024xf32, #tpu.memory_space<hbm>>
      %dma_start3A_166 = tpu.memref_slice %arg8[%add3A_78] : memref<655360xf32, #tpu.memory_space<hbm>> -> memref<1024xf32, #tpu.memory_space<hbm>>
      %dma_start3A_167 = arith.constant 2048 : i32
      %dma_start3A_168 = tpu.memref_slice %arg17[%dma_start3A_167] : memref<20480xf32, #tpu.memory_space<vmem>> -> memref<1024xf32, #tpu.memory_space<vmem>>
      tpu.enqueue_dma source(%dma_start3A_168 : memref<1024xf32, #tpu.memory_space<vmem>>) target(%dma_start3A_166 : memref<1024xf32, #tpu.memory_space<hbm>>) target_semaphore(%run_scoped3A : memref<!tpu.dma_semaphore, #tpu.memory_space<semaphore_mem>>)
      %dma_wait3A = arith.constant 2048 : i32
      %dma_wait3A_169 = tpu.memref_slice %arg17[%dma_wait3A] : memref<20480xf32, #tpu.memory_space<vmem>> -> memref<1024xf32, #tpu.memory_space<vmem>>
      %dma_wait3A_170 = tpu.memref_slice %arg8[%add3A_78] : memref<655360xf32, #tpu.memory_space<hbm>> -> memref<1024xf32, #tpu.memory_space<hbm>>
      %dma_wait3A_171 = tpu.memref_slice %arg8[%add3A_78] : memref<655360xf32, #tpu.memory_space<hbm>> -> memref<1024xf32, #tpu.memory_space<hbm>>
      %dma_wait3A_172 = arith.constant 2048 : i32
      %dma_wait3A_173 = tpu.memref_slice %arg17[%dma_wait3A_172] : memref<20480xf32, #tpu.memory_space<vmem>> -> memref<1024xf32, #tpu.memory_space<vmem>>
      tpu.wait_dma2 semaphore(%run_scoped3A : memref<!tpu.dma_semaphore, #tpu.memory_space<semaphore_mem>>) src(%dma_wait3A_173 : memref<1024xf32, #tpu.memory_space<vmem>>) dst(%dma_wait3A_171 : memref<1024xf32, #tpu.memory_space<hbm>>)
      tpu.yield
    }) : () -> ()
    %mul3A_79 = arith.constant 327680 : i32
    %mul3A_80 = arith.muli %arg0, %mul3A_79 : i32
    %add3A_81 = arith.constant 49152 : i32
    %add3A_82 = arith.addi %mul3A_80, %add3A_81 : i32
    %add3A_83 = arith.addi %add3A_82, %mul3A_0 : i32
    "tpu.region"() ({
      %run_scoped3A = tpu.sem_alloc : memref<!tpu.dma_semaphore, #tpu.memory_space<semaphore_mem>>
      %dma_start3A = arith.constant 3072 : i32
      %dma_start3A_164 = tpu.memref_slice %arg17[%dma_start3A] : memref<20480xf32, #tpu.memory_space<vmem>> -> memref<1024xf32, #tpu.memory_space<vmem>>
      %dma_start3A_165 = tpu.memref_slice %arg8[%add3A_83] : memref<655360xf32, #tpu.memory_space<hbm>> -> memref<1024xf32, #tpu.memory_space<hbm>>
      %dma_start3A_166 = tpu.memref_slice %arg8[%add3A_83] : memref<655360xf32, #tpu.memory_space<hbm>> -> memref<1024xf32, #tpu.memory_space<hbm>>
      %dma_start3A_167 = arith.constant 3072 : i32
      %dma_start3A_168 = tpu.memref_slice %arg17[%dma_start3A_167] : memref<20480xf32, #tpu.memory_space<vmem>> -> memref<1024xf32, #tpu.memory_space<vmem>>
      tpu.enqueue_dma source(%dma_start3A_168 : memref<1024xf32, #tpu.memory_space<vmem>>) target(%dma_start3A_166 : memref<1024xf32, #tpu.memory_space<hbm>>) target_semaphore(%run_scoped3A : memref<!tpu.dma_semaphore, #tpu.memory_space<semaphore_mem>>)
      %dma_wait3A = arith.constant 3072 : i32
      %dma_wait3A_169 = tpu.memref_slice %arg17[%dma_wait3A] : memref<20480xf32, #tpu.memory_space<vmem>> -> memref<1024xf32, #tpu.memory_space<vmem>>
      %dma_wait3A_170 = tpu.memref_slice %arg8[%add3A_83] : memref<655360xf32, #tpu.memory_space<hbm>> -> memref<1024xf32, #tpu.memory_space<hbm>>
      %dma_wait3A_171 = tpu.memref_slice %arg8[%add3A_83] : memref<655360xf32, #tpu.memory_space<hbm>> -> memref<1024xf32, #tpu.memory_space<hbm>>
      %dma_wait3A_172 = arith.constant 3072 : i32
      %dma_wait3A_173 = tpu.memref_slice %arg17[%dma_wait3A_172] : memref<20480xf32, #tpu.memory_space<vmem>> -> memref<1024xf32, #tpu.memory_space<vmem>>
      tpu.wait_dma2 semaphore(%run_scoped3A : memref<!tpu.dma_semaphore, #tpu.memory_space<semaphore_mem>>) src(%dma_wait3A_173 : memref<1024xf32, #tpu.memory_space<vmem>>) dst(%dma_wait3A_171 : memref<1024xf32, #tpu.memory_space<hbm>>)
      tpu.yield
    }) : () -> ()
    %mul3A_84 = arith.constant 327680 : i32
    %mul3A_85 = arith.muli %arg0, %mul3A_84 : i32
    %add3A_86 = arith.constant 65536 : i32
    %add3A_87 = arith.addi %mul3A_85, %add3A_86 : i32
    %add3A_88 = arith.addi %add3A_87, %mul3A_0 : i32
    "tpu.region"() ({
      %run_scoped3A = tpu.sem_alloc : memref<!tpu.dma_semaphore, #tpu.memory_space<semaphore_mem>>
      %dma_start3A = arith.constant 4096 : i32
      %dma_start3A_164 = tpu.memref_slice %arg17[%dma_start3A] : memref<20480xf32, #tpu.memory_space<vmem>> -> memref<1024xf32, #tpu.memory_space<vmem>>
      %dma_start3A_165 = tpu.memref_slice %arg8[%add3A_88] : memref<655360xf32, #tpu.memory_space<hbm>> -> memref<1024xf32, #tpu.memory_space<hbm>>
      %dma_start3A_166 = tpu.memref_slice %arg8[%add3A_88] : memref<655360xf32, #tpu.memory_space<hbm>> -> memref<1024xf32, #tpu.memory_space<hbm>>
      %dma_start3A_167 = arith.constant 4096 : i32
      %dma_start3A_168 = tpu.memref_slice %arg17[%dma_start3A_167] : memref<20480xf32, #tpu.memory_space<vmem>> -> memref<1024xf32, #tpu.memory_space<vmem>>
      tpu.enqueue_dma source(%dma_start3A_168 : memref<1024xf32, #tpu.memory_space<vmem>>) target(%dma_start3A_166 : memref<1024xf32, #tpu.memory_space<hbm>>) target_semaphore(%run_scoped3A : memref<!tpu.dma_semaphore, #tpu.memory_space<semaphore_mem>>)
      %dma_wait3A = arith.constant 4096 : i32
      %dma_wait3A_169 = tpu.memref_slice %arg17[%dma_wait3A] : memref<20480xf32, #tpu.memory_space<vmem>> -> memref<1024xf32, #tpu.memory_space<vmem>>
      %dma_wait3A_170 = tpu.memref_slice %arg8[%add3A_88] : memref<655360xf32, #tpu.memory_space<hbm>> -> memref<1024xf32, #tpu.memory_space<hbm>>
      %dma_wait3A_171 = tpu.memref_slice %arg8[%add3A_88] : memref<655360xf32, #tpu.memory_space<hbm>> -> memref<1024xf32, #tpu.memory_space<hbm>>
      %dma_wait3A_172 = arith.constant 4096 : i32
      %dma_wait3A_173 = tpu.memref_slice %arg17[%dma_wait3A_172] : memref<20480xf32, #tpu.memory_space<vmem>> -> memref<1024xf32, #tpu.memory_space<vmem>>
      tpu.wait_dma2 semaphore(%run_scoped3A : memref<!tpu.dma_semaphore, #tpu.memory_space<semaphore_mem>>) src(%dma_wait3A_173 : memref<1024xf32, #tpu.memory_space<vmem>>) dst(%dma_wait3A_171 : memref<1024xf32, #tpu.memory_space<hbm>>)
      tpu.yield
    }) : () -> ()
    %mul3A_89 = arith.constant 327680 : i32
    %mul3A_90 = arith.muli %arg0, %mul3A_89 : i32
    %add3A_91 = arith.constant 81920 : i32
    %add3A_92 = arith.addi %mul3A_90, %add3A_91 : i32
    %add3A_93 = arith.addi %add3A_92, %mul3A_0 : i32
    "tpu.region"() ({
      %run_scoped3A = tpu.sem_alloc : memref<!tpu.dma_semaphore, #tpu.memory_space<semaphore_mem>>
      %dma_start3A = arith.constant 5120 : i32
      %dma_start3A_164 = tpu.memref_slice %arg17[%dma_start3A] : memref<20480xf32, #tpu.memory_space<vmem>> -> memref<1024xf32, #tpu.memory_space<vmem>>
      %dma_start3A_165 = tpu.memref_slice %arg8[%add3A_93] : memref<655360xf32, #tpu.memory_space<hbm>> -> memref<1024xf32, #tpu.memory_space<hbm>>
      %dma_start3A_166 = tpu.memref_slice %arg8[%add3A_93] : memref<655360xf32, #tpu.memory_space<hbm>> -> memref<1024xf32, #tpu.memory_space<hbm>>
      %dma_start3A_167 = arith.constant 5120 : i32
      %dma_start3A_168 = tpu.memref_slice %arg17[%dma_start3A_167] : memref<20480xf32, #tpu.memory_space<vmem>> -> memref<1024xf32, #tpu.memory_space<vmem>>
      tpu.enqueue_dma source(%dma_start3A_168 : memref<1024xf32, #tpu.memory_space<vmem>>) target(%dma_start3A_166 : memref<1024xf32, #tpu.memory_space<hbm>>) target_semaphore(%run_scoped3A : memref<!tpu.dma_semaphore, #tpu.memory_space<semaphore_mem>>)
      %dma_wait3A = arith.constant 5120 : i32
      %dma_wait3A_169 = tpu.memref_slice %arg17[%dma_wait3A] : memref<20480xf32, #tpu.memory_space<vmem>> -> memref<1024xf32, #tpu.memory_space<vmem>>
      %dma_wait3A_170 = tpu.memref_slice %arg8[%add3A_93] : memref<655360xf32, #tpu.memory_space<hbm>> -> memref<1024xf32, #tpu.memory_space<hbm>>
      %dma_wait3A_171 = tpu.memref_slice %arg8[%add3A_93] : memref<655360xf32, #tpu.memory_space<hbm>> -> memref<1024xf32, #tpu.memory_space<hbm>>
      %dma_wait3A_172 = arith.constant 5120 : i32
      %dma_wait3A_173 = tpu.memref_slice %arg17[%dma_wait3A_172] : memref<20480xf32, #tpu.memory_space<vmem>> -> memref<1024xf32, #tpu.memory_space<vmem>>
      tpu.wait_dma2 semaphore(%run_scoped3A : memref<!tpu.dma_semaphore, #tpu.memory_space<semaphore_mem>>) src(%dma_wait3A_173 : memref<1024xf32, #tpu.memory_space<vmem>>) dst(%dma_wait3A_171 : memref<1024xf32, #tpu.memory_space<hbm>>)
      tpu.yield
    }) : () -> ()
    %mul3A_94 = arith.constant 327680 : i32
    %mul3A_95 = arith.muli %arg0, %mul3A_94 : i32
    %add3A_96 = arith.constant 98304 : i32
    %add3A_97 = arith.addi %mul3A_95, %add3A_96 : i32
    %add3A_98 = arith.addi %add3A_97, %mul3A_0 : i32
    "tpu.region"() ({
      %run_scoped3A = tpu.sem_alloc : memref<!tpu.dma_semaphore, #tpu.memory_space<semaphore_mem>>
      %dma_start3A = arith.constant 6144 : i32
      %dma_start3A_164 = tpu.memref_slice %arg17[%dma_start3A] : memref<20480xf32, #tpu.memory_space<vmem>> -> memref<1024xf32, #tpu.memory_space<vmem>>
      %dma_start3A_165 = tpu.memref_slice %arg8[%add3A_98] : memref<655360xf32, #tpu.memory_space<hbm>> -> memref<1024xf32, #tpu.memory_space<hbm>>
      %dma_start3A_166 = tpu.memref_slice %arg8[%add3A_98] : memref<655360xf32, #tpu.memory_space<hbm>> -> memref<1024xf32, #tpu.memory_space<hbm>>
      %dma_start3A_167 = arith.constant 6144 : i32
      %dma_start3A_168 = tpu.memref_slice %arg17[%dma_start3A_167] : memref<20480xf32, #tpu.memory_space<vmem>> -> memref<1024xf32, #tpu.memory_space<vmem>>
      tpu.enqueue_dma source(%dma_start3A_168 : memref<1024xf32, #tpu.memory_space<vmem>>) target(%dma_start3A_166 : memref<1024xf32, #tpu.memory_space<hbm>>) target_semaphore(%run_scoped3A : memref<!tpu.dma_semaphore, #tpu.memory_space<semaphore_mem>>)
      %dma_wait3A = arith.constant 6144 : i32
      %dma_wait3A_169 = tpu.memref_slice %arg17[%dma_wait3A] : memref<20480xf32, #tpu.memory_space<vmem>> -> memref<1024xf32, #tpu.memory_space<vmem>>
      %dma_wait3A_170 = tpu.memref_slice %arg8[%add3A_98] : memref<655360xf32, #tpu.memory_space<hbm>> -> memref<1024xf32, #tpu.memory_space<hbm>>
      %dma_wait3A_171 = tpu.memref_slice %arg8[%add3A_98] : memref<655360xf32, #tpu.memory_space<hbm>> -> memref<1024xf32, #tpu.memory_space<hbm>>
      %dma_wait3A_172 = arith.constant 6144 : i32
      %dma_wait3A_173 = tpu.memref_slice %arg17[%dma_wait3A_172] : memref<20480xf32, #tpu.memory_space<vmem>> -> memref<1024xf32, #tpu.memory_space<vmem>>
      tpu.wait_dma2 semaphore(%run_scoped3A : memref<!tpu.dma_semaphore, #tpu.memory_space<semaphore_mem>>) src(%dma_wait3A_173 : memref<1024xf32, #tpu.memory_space<vmem>>) dst(%dma_wait3A_171 : memref<1024xf32, #tpu.memory_space<hbm>>)
      tpu.yield
    }) : () -> ()
    %mul3A_99 = arith.constant 327680 : i32
    %mul3A_100 = arith.muli %arg0, %mul3A_99 : i32
    %add3A_101 = arith.constant 114688 : i32
    %add3A_102 = arith.addi %mul3A_100, %add3A_101 : i32
    %add3A_103 = arith.addi %add3A_102, %mul3A_0 : i32
    "tpu.region"() ({
      %run_scoped3A = tpu.sem_alloc : memref<!tpu.dma_semaphore, #tpu.memory_space<semaphore_mem>>
      %dma_start3A = arith.constant 7168 : i32
      %dma_start3A_164 = tpu.memref_slice %arg17[%dma_start3A] : memref<20480xf32, #tpu.memory_space<vmem>> -> memref<1024xf32, #tpu.memory_space<vmem>>
      %dma_start3A_165 = tpu.memref_slice %arg8[%add3A_103] : memref<655360xf32, #tpu.memory_space<hbm>> -> memref<1024xf32, #tpu.memory_space<hbm>>
      %dma_start3A_166 = tpu.memref_slice %arg8[%add3A_103] : memref<655360xf32, #tpu.memory_space<hbm>> -> memref<1024xf32, #tpu.memory_space<hbm>>
      %dma_start3A_167 = arith.constant 7168 : i32
      %dma_start3A_168 = tpu.memref_slice %arg17[%dma_start3A_167] : memref<20480xf32, #tpu.memory_space<vmem>> -> memref<1024xf32, #tpu.memory_space<vmem>>
      tpu.enqueue_dma source(%dma_start3A_168 : memref<1024xf32, #tpu.memory_space<vmem>>) target(%dma_start3A_166 : memref<1024xf32, #tpu.memory_space<hbm>>) target_semaphore(%run_scoped3A : memref<!tpu.dma_semaphore, #tpu.memory_space<semaphore_mem>>)
      %dma_wait3A = arith.constant 7168 : i32
      %dma_wait3A_169 = tpu.memref_slice %arg17[%dma_wait3A] : memref<20480xf32, #tpu.memory_space<vmem>> -> memref<1024xf32, #tpu.memory_space<vmem>>
      %dma_wait3A_170 = tpu.memref_slice %arg8[%add3A_103] : memref<655360xf32, #tpu.memory_space<hbm>> -> memref<1024xf32, #tpu.memory_space<hbm>>
      %dma_wait3A_171 = tpu.memref_slice %arg8[%add3A_103] : memref<655360xf32, #tpu.memory_space<hbm>> -> memref<1024xf32, #tpu.memory_space<hbm>>
      %dma_wait3A_172 = arith.constant 7168 : i32
      %dma_wait3A_173 = tpu.memref_slice %arg17[%dma_wait3A_172] : memref<20480xf32, #tpu.memory_space<vmem>> -> memref<1024xf32, #tpu.memory_space<vmem>>
      tpu.wait_dma2 semaphore(%run_scoped3A : memref<!tpu.dma_semaphore, #tpu.memory_space<semaphore_mem>>) src(%dma_wait3A_173 : memref<1024xf32, #tpu.memory_space<vmem>>) dst(%dma_wait3A_171 : memref<1024xf32, #tpu.memory_space<hbm>>)
      tpu.yield
    }) : () -> ()
    %mul3A_104 = arith.constant 327680 : i32
    %mul3A_105 = arith.muli %arg0, %mul3A_104 : i32
    %add3A_106 = arith.constant 131072 : i32
    %add3A_107 = arith.addi %mul3A_105, %add3A_106 : i32
    %add3A_108 = arith.addi %add3A_107, %mul3A_0 : i32
    "tpu.region"() ({
      %run_scoped3A = tpu.sem_alloc : memref<!tpu.dma_semaphore, #tpu.memory_space<semaphore_mem>>
      %dma_start3A = arith.constant 8192 : i32
      %dma_start3A_164 = tpu.memref_slice %arg17[%dma_start3A] : memref<20480xf32, #tpu.memory_space<vmem>> -> memref<1024xf32, #tpu.memory_space<vmem>>
      %dma_start3A_165 = tpu.memref_slice %arg8[%add3A_108] : memref<655360xf32, #tpu.memory_space<hbm>> -> memref<1024xf32, #tpu.memory_space<hbm>>
      %dma_start3A_166 = tpu.memref_slice %arg8[%add3A_108] : memref<655360xf32, #tpu.memory_space<hbm>> -> memref<1024xf32, #tpu.memory_space<hbm>>
      %dma_start3A_167 = arith.constant 8192 : i32
      %dma_start3A_168 = tpu.memref_slice %arg17[%dma_start3A_167] : memref<20480xf32, #tpu.memory_space<vmem>> -> memref<1024xf32, #tpu.memory_space<vmem>>
      tpu.enqueue_dma source(%dma_start3A_168 : memref<1024xf32, #tpu.memory_space<vmem>>) target(%dma_start3A_166 : memref<1024xf32, #tpu.memory_space<hbm>>) target_semaphore(%run_scoped3A : memref<!tpu.dma_semaphore, #tpu.memory_space<semaphore_mem>>)
      %dma_wait3A = arith.constant 8192 : i32
      %dma_wait3A_169 = tpu.memref_slice %arg17[%dma_wait3A] : memref<20480xf32, #tpu.memory_space<vmem>> -> memref<1024xf32, #tpu.memory_space<vmem>>
      %dma_wait3A_170 = tpu.memref_slice %arg8[%add3A_108] : memref<655360xf32, #tpu.memory_space<hbm>> -> memref<1024xf32, #tpu.memory_space<hbm>>
      %dma_wait3A_171 = tpu.memref_slice %arg8[%add3A_108] : memref<655360xf32, #tpu.memory_space<hbm>> -> memref<1024xf32, #tpu.memory_space<hbm>>
      %dma_wait3A_172 = arith.constant 8192 : i32
      %dma_wait3A_173 = tpu.memref_slice %arg17[%dma_wait3A_172] : memref<20480xf32, #tpu.memory_space<vmem>> -> memref<1024xf32, #tpu.memory_space<vmem>>
      tpu.wait_dma2 semaphore(%run_scoped3A : memref<!tpu.dma_semaphore, #tpu.memory_space<semaphore_mem>>) src(%dma_wait3A_173 : memref<1024xf32, #tpu.memory_space<vmem>>) dst(%dma_wait3A_171 : memref<1024xf32, #tpu.memory_space<hbm>>)
      tpu.yield
    }) : () -> ()
    %mul3A_109 = arith.constant 327680 : i32
    %mul3A_110 = arith.muli %arg0, %mul3A_109 : i32
    %add3A_111 = arith.constant 147456 : i32
    %add3A_112 = arith.addi %mul3A_110, %add3A_111 : i32
    %add3A_113 = arith.addi %add3A_112, %mul3A_0 : i32
    "tpu.region"() ({
      %run_scoped3A = tpu.sem_alloc : memref<!tpu.dma_semaphore, #tpu.memory_space<semaphore_mem>>
      %dma_start3A = arith.constant 9216 : i32
      %dma_start3A_164 = tpu.memref_slice %arg17[%dma_start3A] : memref<20480xf32, #tpu.memory_space<vmem>> -> memref<1024xf32, #tpu.memory_space<vmem>>
      %dma_start3A_165 = tpu.memref_slice %arg8[%add3A_113] : memref<655360xf32, #tpu.memory_space<hbm>> -> memref<1024xf32, #tpu.memory_space<hbm>>
      %dma_start3A_166 = tpu.memref_slice %arg8[%add3A_113] : memref<655360xf32, #tpu.memory_space<hbm>> -> memref<1024xf32, #tpu.memory_space<hbm>>
      %dma_start3A_167 = arith.constant 9216 : i32
      %dma_start3A_168 = tpu.memref_slice %arg17[%dma_start3A_167] : memref<20480xf32, #tpu.memory_space<vmem>> -> memref<1024xf32, #tpu.memory_space<vmem>>
      tpu.enqueue_dma source(%dma_start3A_168 : memref<1024xf32, #tpu.memory_space<vmem>>) target(%dma_start3A_166 : memref<1024xf32, #tpu.memory_space<hbm>>) target_semaphore(%run_scoped3A : memref<!tpu.dma_semaphore, #tpu.memory_space<semaphore_mem>>)
      %dma_wait3A = arith.constant 9216 : i32
      %dma_wait3A_169 = tpu.memref_slice %arg17[%dma_wait3A] : memref<20480xf32, #tpu.memory_space<vmem>> -> memref<1024xf32, #tpu.memory_space<vmem>>
      %dma_wait3A_170 = tpu.memref_slice %arg8[%add3A_113] : memref<655360xf32, #tpu.memory_space<hbm>> -> memref<1024xf32, #tpu.memory_space<hbm>>
      %dma_wait3A_171 = tpu.memref_slice %arg8[%add3A_113] : memref<655360xf32, #tpu.memory_space<hbm>> -> memref<1024xf32, #tpu.memory_space<hbm>>
      %dma_wait3A_172 = arith.constant 9216 : i32
      %dma_wait3A_173 = tpu.memref_slice %arg17[%dma_wait3A_172] : memref<20480xf32, #tpu.memory_space<vmem>> -> memref<1024xf32, #tpu.memory_space<vmem>>
      tpu.wait_dma2 semaphore(%run_scoped3A : memref<!tpu.dma_semaphore, #tpu.memory_space<semaphore_mem>>) src(%dma_wait3A_173 : memref<1024xf32, #tpu.memory_space<vmem>>) dst(%dma_wait3A_171 : memref<1024xf32, #tpu.memory_space<hbm>>)
      tpu.yield
    }) : () -> ()
    %mul3A_114 = arith.constant 327680 : i32
    %mul3A_115 = arith.muli %arg0, %mul3A_114 : i32
    %add3A_116 = arith.constant 163840 : i32
    %add3A_117 = arith.addi %mul3A_115, %add3A_116 : i32
    %add3A_118 = arith.addi %add3A_117, %mul3A_0 : i32
    "tpu.region"() ({
      %run_scoped3A = tpu.sem_alloc : memref<!tpu.dma_semaphore, #tpu.memory_space<semaphore_mem>>
      %dma_start3A = arith.constant 10240 : i32
      %dma_start3A_164 = tpu.memref_slice %arg17[%dma_start3A] : memref<20480xf32, #tpu.memory_space<vmem>> -> memref<1024xf32, #tpu.memory_space<vmem>>
      %dma_start3A_165 = tpu.memref_slice %arg8[%add3A_118] : memref<655360xf32, #tpu.memory_space<hbm>> -> memref<1024xf32, #tpu.memory_space<hbm>>
      %dma_start3A_166 = tpu.memref_slice %arg8[%add3A_118] : memref<655360xf32, #tpu.memory_space<hbm>> -> memref<1024xf32, #tpu.memory_space<hbm>>
      %dma_start3A_167 = arith.constant 10240 : i32
      %dma_start3A_168 = tpu.memref_slice %arg17[%dma_start3A_167] : memref<20480xf32, #tpu.memory_space<vmem>> -> memref<1024xf32, #tpu.memory_space<vmem>>
      tpu.enqueue_dma source(%dma_start3A_168 : memref<1024xf32, #tpu.memory_space<vmem>>) target(%dma_start3A_166 : memref<1024xf32, #tpu.memory_space<hbm>>) target_semaphore(%run_scoped3A : memref<!tpu.dma_semaphore, #tpu.memory_space<semaphore_mem>>)
      %dma_wait3A = arith.constant 10240 : i32
      %dma_wait3A_169 = tpu.memref_slice %arg17[%dma_wait3A] : memref<20480xf32, #tpu.memory_space<vmem>> -> memref<1024xf32, #tpu.memory_space<vmem>>
      %dma_wait3A_170 = tpu.memref_slice %arg8[%add3A_118] : memref<655360xf32, #tpu.memory_space<hbm>> -> memref<1024xf32, #tpu.memory_space<hbm>>
      %dma_wait3A_171 = tpu.memref_slice %arg8[%add3A_118] : memref<655360xf32, #tpu.memory_space<hbm>> -> memref<1024xf32, #tpu.memory_space<hbm>>
      %dma_wait3A_172 = arith.constant 10240 : i32
      %dma_wait3A_173 = tpu.memref_slice %arg17[%dma_wait3A_172] : memref<20480xf32, #tpu.memory_space<vmem>> -> memref<1024xf32, #tpu.memory_space<vmem>>
      tpu.wait_dma2 semaphore(%run_scoped3A : memref<!tpu.dma_semaphore, #tpu.memory_space<semaphore_mem>>) src(%dma_wait3A_173 : memref<1024xf32, #tpu.memory_space<vmem>>) dst(%dma_wait3A_171 : memref<1024xf32, #tpu.memory_space<hbm>>)
      tpu.yield
    }) : () -> ()
    %mul3A_119 = arith.constant 327680 : i32
    %mul3A_120 = arith.muli %arg0, %mul3A_119 : i32
    %add3A_121 = arith.constant 180224 : i32
    %add3A_122 = arith.addi %mul3A_120, %add3A_121 : i32
    %add3A_123 = arith.addi %add3A_122, %mul3A_0 : i32
    "tpu.region"() ({
      %run_scoped3A = tpu.sem_alloc : memref<!tpu.dma_semaphore, #tpu.memory_space<semaphore_mem>>
      %dma_start3A = arith.constant 11264 : i32
      %dma_start3A_164 = tpu.memref_slice %arg17[%dma_start3A] : memref<20480xf32, #tpu.memory_space<vmem>> -> memref<1024xf32, #tpu.memory_space<vmem>>
      %dma_start3A_165 = tpu.memref_slice %arg8[%add3A_123] : memref<655360xf32, #tpu.memory_space<hbm>> -> memref<1024xf32, #tpu.memory_space<hbm>>
      %dma_start3A_166 = tpu.memref_slice %arg8[%add3A_123] : memref<655360xf32, #tpu.memory_space<hbm>> -> memref<1024xf32, #tpu.memory_space<hbm>>
      %dma_start3A_167 = arith.constant 11264 : i32
      %dma_start3A_168 = tpu.memref_slice %arg17[%dma_start3A_167] : memref<20480xf32, #tpu.memory_space<vmem>> -> memref<1024xf32, #tpu.memory_space<vmem>>
      tpu.enqueue_dma source(%dma_start3A_168 : memref<1024xf32, #tpu.memory_space<vmem>>) target(%dma_start3A_166 : memref<1024xf32, #tpu.memory_space<hbm>>) target_semaphore(%run_scoped3A : memref<!tpu.dma_semaphore, #tpu.memory_space<semaphore_mem>>)
      %dma_wait3A = arith.constant 11264 : i32
      %dma_wait3A_169 = tpu.memref_slice %arg17[%dma_wait3A] : memref<20480xf32, #tpu.memory_space<vmem>> -> memref<1024xf32, #tpu.memory_space<vmem>>
      %dma_wait3A_170 = tpu.memref_slice %arg8[%add3A_123] : memref<655360xf32, #tpu.memory_space<hbm>> -> memref<1024xf32, #tpu.memory_space<hbm>>
      %dma_wait3A_171 = tpu.memref_slice %arg8[%add3A_123] : memref<655360xf32, #tpu.memory_space<hbm>> -> memref<1024xf32, #tpu.memory_space<hbm>>
      %dma_wait3A_172 = arith.constant 11264 : i32
      %dma_wait3A_173 = tpu.memref_slice %arg17[%dma_wait3A_172] : memref<20480xf32, #tpu.memory_space<vmem>> -> memref<1024xf32, #tpu.memory_space<vmem>>
      tpu.wait_dma2 semaphore(%run_scoped3A : memref<!tpu.dma_semaphore, #tpu.memory_space<semaphore_mem>>) src(%dma_wait3A_173 : memref<1024xf32, #tpu.memory_space<vmem>>) dst(%dma_wait3A_171 : memref<1024xf32, #tpu.memory_space<hbm>>)
      tpu.yield
    }) : () -> ()
    %mul3A_124 = arith.constant 327680 : i32
    %mul3A_125 = arith.muli %arg0, %mul3A_124 : i32
    %add3A_126 = arith.constant 196608 : i32
    %add3A_127 = arith.addi %mul3A_125, %add3A_126 : i32
    %add3A_128 = arith.addi %add3A_127, %mul3A_0 : i32
    "tpu.region"() ({
      %run_scoped3A = tpu.sem_alloc : memref<!tpu.dma_semaphore, #tpu.memory_space<semaphore_mem>>
      %dma_start3A = arith.constant 12288 : i32
      %dma_start3A_164 = tpu.memref_slice %arg17[%dma_start3A] : memref<20480xf32, #tpu.memory_space<vmem>> -> memref<1024xf32, #tpu.memory_space<vmem>>
      %dma_start3A_165 = tpu.memref_slice %arg8[%add3A_128] : memref<655360xf32, #tpu.memory_space<hbm>> -> memref<1024xf32, #tpu.memory_space<hbm>>
      %dma_start3A_166 = tpu.memref_slice %arg8[%add3A_128] : memref<655360xf32, #tpu.memory_space<hbm>> -> memref<1024xf32, #tpu.memory_space<hbm>>
      %dma_start3A_167 = arith.constant 12288 : i32
      %dma_start3A_168 = tpu.memref_slice %arg17[%dma_start3A_167] : memref<20480xf32, #tpu.memory_space<vmem>> -> memref<1024xf32, #tpu.memory_space<vmem>>
      tpu.enqueue_dma source(%dma_start3A_168 : memref<1024xf32, #tpu.memory_space<vmem>>) target(%dma_start3A_166 : memref<1024xf32, #tpu.memory_space<hbm>>) target_semaphore(%run_scoped3A : memref<!tpu.dma_semaphore, #tpu.memory_space<semaphore_mem>>)
      %dma_wait3A = arith.constant 12288 : i32
      %dma_wait3A_169 = tpu.memref_slice %arg17[%dma_wait3A] : memref<20480xf32, #tpu.memory_space<vmem>> -> memref<1024xf32, #tpu.memory_space<vmem>>
      %dma_wait3A_170 = tpu.memref_slice %arg8[%add3A_128] : memref<655360xf32, #tpu.memory_space<hbm>> -> memref<1024xf32, #tpu.memory_space<hbm>>
      %dma_wait3A_171 = tpu.memref_slice %arg8[%add3A_128] : memref<655360xf32, #tpu.memory_space<hbm>> -> memref<1024xf32, #tpu.memory_space<hbm>>
      %dma_wait3A_172 = arith.constant 12288 : i32
      %dma_wait3A_173 = tpu.memref_slice %arg17[%dma_wait3A_172] : memref<20480xf32, #tpu.memory_space<vmem>> -> memref<1024xf32, #tpu.memory_space<vmem>>
      tpu.wait_dma2 semaphore(%run_scoped3A : memref<!tpu.dma_semaphore, #tpu.memory_space<semaphore_mem>>) src(%dma_wait3A_173 : memref<1024xf32, #tpu.memory_space<vmem>>) dst(%dma_wait3A_171 : memref<1024xf32, #tpu.memory_space<hbm>>)
      tpu.yield
    }) : () -> ()
    %mul3A_129 = arith.constant 327680 : i32
    %mul3A_130 = arith.muli %arg0, %mul3A_129 : i32
    %add3A_131 = arith.constant 212992 : i32
    %add3A_132 = arith.addi %mul3A_130, %add3A_131 : i32
    %add3A_133 = arith.addi %add3A_132, %mul3A_0 : i32
    "tpu.region"() ({
      %run_scoped3A = tpu.sem_alloc : memref<!tpu.dma_semaphore, #tpu.memory_space<semaphore_mem>>
      %dma_start3A = arith.constant 13312 : i32
      %dma_start3A_164 = tpu.memref_slice %arg17[%dma_start3A] : memref<20480xf32, #tpu.memory_space<vmem>> -> memref<1024xf32, #tpu.memory_space<vmem>>
      %dma_start3A_165 = tpu.memref_slice %arg8[%add3A_133] : memref<655360xf32, #tpu.memory_space<hbm>> -> memref<1024xf32, #tpu.memory_space<hbm>>
      %dma_start3A_166 = tpu.memref_slice %arg8[%add3A_133] : memref<655360xf32, #tpu.memory_space<hbm>> -> memref<1024xf32, #tpu.memory_space<hbm>>
      %dma_start3A_167 = arith.constant 13312 : i32
      %dma_start3A_168 = tpu.memref_slice %arg17[%dma_start3A_167] : memref<20480xf32, #tpu.memory_space<vmem>> -> memref<1024xf32, #tpu.memory_space<vmem>>
      tpu.enqueue_dma source(%dma_start3A_168 : memref<1024xf32, #tpu.memory_space<vmem>>) target(%dma_start3A_166 : memref<1024xf32, #tpu.memory_space<hbm>>) target_semaphore(%run_scoped3A : memref<!tpu.dma_semaphore, #tpu.memory_space<semaphore_mem>>)
      %dma_wait3A = arith.constant 13312 : i32
      %dma_wait3A_169 = tpu.memref_slice %arg17[%dma_wait3A] : memref<20480xf32, #tpu.memory_space<vmem>> -> memref<1024xf32, #tpu.memory_space<vmem>>
      %dma_wait3A_170 = tpu.memref_slice %arg8[%add3A_133] : memref<655360xf32, #tpu.memory_space<hbm>> -> memref<1024xf32, #tpu.memory_space<hbm>>
      %dma_wait3A_171 = tpu.memref_slice %arg8[%add3A_133] : memref<655360xf32, #tpu.memory_space<hbm>> -> memref<1024xf32, #tpu.memory_space<hbm>>
      %dma_wait3A_172 = arith.constant 13312 : i32
      %dma_wait3A_173 = tpu.memref_slice %arg17[%dma_wait3A_172] : memref<20480xf32, #tpu.memory_space<vmem>> -> memref<1024xf32, #tpu.memory_space<vmem>>
      tpu.wait_dma2 semaphore(%run_scoped3A : memref<!tpu.dma_semaphore, #tpu.memory_space<semaphore_mem>>) src(%dma_wait3A_173 : memref<1024xf32, #tpu.memory_space<vmem>>) dst(%dma_wait3A_171 : memref<1024xf32, #tpu.memory_space<hbm>>)
      tpu.yield
    }) : () -> ()
    %mul3A_134 = arith.constant 327680 : i32
    %mul3A_135 = arith.muli %arg0, %mul3A_134 : i32
    %add3A_136 = arith.constant 229376 : i32
    %add3A_137 = arith.addi %mul3A_135, %add3A_136 : i32
    %add3A_138 = arith.addi %add3A_137, %mul3A_0 : i32
    "tpu.region"() ({
      %run_scoped3A = tpu.sem_alloc : memref<!tpu.dma_semaphore, #tpu.memory_space<semaphore_mem>>
      %dma_start3A = arith.constant 14336 : i32
      %dma_start3A_164 = tpu.memref_slice %arg17[%dma_start3A] : memref<20480xf32, #tpu.memory_space<vmem>> -> memref<1024xf32, #tpu.memory_space<vmem>>
      %dma_start3A_165 = tpu.memref_slice %arg8[%add3A_138] : memref<655360xf32, #tpu.memory_space<hbm>> -> memref<1024xf32, #tpu.memory_space<hbm>>
      %dma_start3A_166 = tpu.memref_slice %arg8[%add3A_138] : memref<655360xf32, #tpu.memory_space<hbm>> -> memref<1024xf32, #tpu.memory_space<hbm>>
      %dma_start3A_167 = arith.constant 14336 : i32
      %dma_start3A_168 = tpu.memref_slice %arg17[%dma_start3A_167] : memref<20480xf32, #tpu.memory_space<vmem>> -> memref<1024xf32, #tpu.memory_space<vmem>>
      tpu.enqueue_dma source(%dma_start3A_168 : memref<1024xf32, #tpu.memory_space<vmem>>) target(%dma_start3A_166 : memref<1024xf32, #tpu.memory_space<hbm>>) target_semaphore(%run_scoped3A : memref<!tpu.dma_semaphore, #tpu.memory_space<semaphore_mem>>)
      %dma_wait3A = arith.constant 14336 : i32
      %dma_wait3A_169 = tpu.memref_slice %arg17[%dma_wait3A] : memref<20480xf32, #tpu.memory_space<vmem>> -> memref<1024xf32, #tpu.memory_space<vmem>>
      %dma_wait3A_170 = tpu.memref_slice %arg8[%add3A_138] : memref<655360xf32, #tpu.memory_space<hbm>> -> memref<1024xf32, #tpu.memory_space<hbm>>
      %dma_wait3A_171 = tpu.memref_slice %arg8[%add3A_138] : memref<655360xf32, #tpu.memory_space<hbm>> -> memref<1024xf32, #tpu.memory_space<hbm>>
      %dma_wait3A_172 = arith.constant 14336 : i32
      %dma_wait3A_173 = tpu.memref_slice %arg17[%dma_wait3A_172] : memref<20480xf32, #tpu.memory_space<vmem>> -> memref<1024xf32, #tpu.memory_space<vmem>>
      tpu.wait_dma2 semaphore(%run_scoped3A : memref<!tpu.dma_semaphore, #tpu.memory_space<semaphore_mem>>) src(%dma_wait3A_173 : memref<1024xf32, #tpu.memory_space<vmem>>) dst(%dma_wait3A_171 : memref<1024xf32, #tpu.memory_space<hbm>>)
      tpu.yield
    }) : () -> ()
    %mul3A_139 = arith.constant 327680 : i32
    %mul3A_140 = arith.muli %arg0, %mul3A_139 : i32
    %add3A_141 = arith.constant 245760 : i32
    %add3A_142 = arith.addi %mul3A_140, %add3A_141 : i32
    %add3A_143 = arith.addi %add3A_142, %mul3A_0 : i32
    "tpu.region"() ({
      %run_scoped3A = tpu.sem_alloc : memref<!tpu.dma_semaphore, #tpu.memory_space<semaphore_mem>>
      %dma_start3A = arith.constant 15360 : i32
      %dma_start3A_164 = tpu.memref_slice %arg17[%dma_start3A] : memref<20480xf32, #tpu.memory_space<vmem>> -> memref<1024xf32, #tpu.memory_space<vmem>>
      %dma_start3A_165 = tpu.memref_slice %arg8[%add3A_143] : memref<655360xf32, #tpu.memory_space<hbm>> -> memref<1024xf32, #tpu.memory_space<hbm>>
      %dma_start3A_166 = tpu.memref_slice %arg8[%add3A_143] : memref<655360xf32, #tpu.memory_space<hbm>> -> memref<1024xf32, #tpu.memory_space<hbm>>
      %dma_start3A_167 = arith.constant 15360 : i32
      %dma_start3A_168 = tpu.memref_slice %arg17[%dma_start3A_167] : memref<20480xf32, #tpu.memory_space<vmem>> -> memref<1024xf32, #tpu.memory_space<vmem>>
      tpu.enqueue_dma source(%dma_start3A_168 : memref<1024xf32, #tpu.memory_space<vmem>>) target(%dma_start3A_166 : memref<1024xf32, #tpu.memory_space<hbm>>) target_semaphore(%run_scoped3A : memref<!tpu.dma_semaphore, #tpu.memory_space<semaphore_mem>>)
      %dma_wait3A = arith.constant 15360 : i32
      %dma_wait3A_169 = tpu.memref_slice %arg17[%dma_wait3A] : memref<20480xf32, #tpu.memory_space<vmem>> -> memref<1024xf32, #tpu.memory_space<vmem>>
      %dma_wait3A_170 = tpu.memref_slice %arg8[%add3A_143] : memref<655360xf32, #tpu.memory_space<hbm>> -> memref<1024xf32, #tpu.memory_space<hbm>>
      %dma_wait3A_171 = tpu.memref_slice %arg8[%add3A_143] : memref<655360xf32, #tpu.memory_space<hbm>> -> memref<1024xf32, #tpu.memory_space<hbm>>
      %dma_wait3A_172 = arith.constant 15360 : i32
      %dma_wait3A_173 = tpu.memref_slice %arg17[%dma_wait3A_172] : memref<20480xf32, #tpu.memory_space<vmem>> -> memref<1024xf32, #tpu.memory_space<vmem>>
      tpu.wait_dma2 semaphore(%run_scoped3A : memref<!tpu.dma_semaphore, #tpu.memory_space<semaphore_mem>>) src(%dma_wait3A_173 : memref<1024xf32, #tpu.memory_space<vmem>>) dst(%dma_wait3A_171 : memref<1024xf32, #tpu.memory_space<hbm>>)
      tpu.yield
    }) : () -> ()
    %mul3A_144 = arith.constant 327680 : i32
    %mul3A_145 = arith.muli %arg0, %mul3A_144 : i32
    %add3A_146 = arith.constant 262144 : i32
    %add3A_147 = arith.addi %mul3A_145, %add3A_146 : i32
    %add3A_148 = arith.addi %add3A_147, %mul3A_0 : i32
    "tpu.region"() ({
      %run_scoped3A = tpu.sem_alloc : memref<!tpu.dma_semaphore, #tpu.memory_space<semaphore_mem>>
      %dma_start3A = arith.constant 16384 : i32
      %dma_start3A_164 = tpu.memref_slice %arg17[%dma_start3A] : memref<20480xf32, #tpu.memory_space<vmem>> -> memref<1024xf32, #tpu.memory_space<vmem>>
      %dma_start3A_165 = tpu.memref_slice %arg8[%add3A_148] : memref<655360xf32, #tpu.memory_space<hbm>> -> memref<1024xf32, #tpu.memory_space<hbm>>
      %dma_start3A_166 = tpu.memref_slice %arg8[%add3A_148] : memref<655360xf32, #tpu.memory_space<hbm>> -> memref<1024xf32, #tpu.memory_space<hbm>>
      %dma_start3A_167 = arith.constant 16384 : i32
      %dma_start3A_168 = tpu.memref_slice %arg17[%dma_start3A_167] : memref<20480xf32, #tpu.memory_space<vmem>> -> memref<1024xf32, #tpu.memory_space<vmem>>
      tpu.enqueue_dma source(%dma_start3A_168 : memref<1024xf32, #tpu.memory_space<vmem>>) target(%dma_start3A_166 : memref<1024xf32, #tpu.memory_space<hbm>>) target_semaphore(%run_scoped3A : memref<!tpu.dma_semaphore, #tpu.memory_space<semaphore_mem>>)
      %dma_wait3A = arith.constant 16384 : i32
      %dma_wait3A_169 = tpu.memref_slice %arg17[%dma_wait3A] : memref<20480xf32, #tpu.memory_space<vmem>> -> memref<1024xf32, #tpu.memory_space<vmem>>
      %dma_wait3A_170 = tpu.memref_slice %arg8[%add3A_148] : memref<655360xf32, #tpu.memory_space<hbm>> -> memref<1024xf32, #tpu.memory_space<hbm>>
      %dma_wait3A_171 = tpu.memref_slice %arg8[%add3A_148] : memref<655360xf32, #tpu.memory_space<hbm>> -> memref<1024xf32, #tpu.memory_space<hbm>>
      %dma_wait3A_172 = arith.constant 16384 : i32
      %dma_wait3A_173 = tpu.memref_slice %arg17[%dma_wait3A_172] : memref<20480xf32, #tpu.memory_space<vmem>> -> memref<1024xf32, #tpu.memory_space<vmem>>
      tpu.wait_dma2 semaphore(%run_scoped3A : memref<!tpu.dma_semaphore, #tpu.memory_space<semaphore_mem>>) src(%dma_wait3A_173 : memref<1024xf32, #tpu.memory_space<vmem>>) dst(%dma_wait3A_171 : memref<1024xf32, #tpu.memory_space<hbm>>)
      tpu.yield
    }) : () -> ()
    %mul3A_149 = arith.constant 327680 : i32
    %mul3A_150 = arith.muli %arg0, %mul3A_149 : i32
    %add3A_151 = arith.constant 278528 : i32
    %add3A_152 = arith.addi %mul3A_150, %add3A_151 : i32
    %add3A_153 = arith.addi %add3A_152, %mul3A_0 : i32
    "tpu.region"() ({
      %run_scoped3A = tpu.sem_alloc : memref<!tpu.dma_semaphore, #tpu.memory_space<semaphore_mem>>
      %dma_start3A = arith.constant 17408 : i32
      %dma_start3A_164 = tpu.memref_slice %arg17[%dma_start3A] : memref<20480xf32, #tpu.memory_space<vmem>> -> memref<1024xf32, #tpu.memory_space<vmem>>
      %dma_start3A_165 = tpu.memref_slice %arg8[%add3A_153] : memref<655360xf32, #tpu.memory_space<hbm>> -> memref<1024xf32, #tpu.memory_space<hbm>>
      %dma_start3A_166 = tpu.memref_slice %arg8[%add3A_153] : memref<655360xf32, #tpu.memory_space<hbm>> -> memref<1024xf32, #tpu.memory_space<hbm>>
      %dma_start3A_167 = arith.constant 17408 : i32
      %dma_start3A_168 = tpu.memref_slice %arg17[%dma_start3A_167] : memref<20480xf32, #tpu.memory_space<vmem>> -> memref<1024xf32, #tpu.memory_space<vmem>>
      tpu.enqueue_dma source(%dma_start3A_168 : memref<1024xf32, #tpu.memory_space<vmem>>) target(%dma_start3A_166 : memref<1024xf32, #tpu.memory_space<hbm>>) target_semaphore(%run_scoped3A : memref<!tpu.dma_semaphore, #tpu.memory_space<semaphore_mem>>)
      %dma_wait3A = arith.constant 17408 : i32
      %dma_wait3A_169 = tpu.memref_slice %arg17[%dma_wait3A] : memref<20480xf32, #tpu.memory_space<vmem>> -> memref<1024xf32, #tpu.memory_space<vmem>>
      %dma_wait3A_170 = tpu.memref_slice %arg8[%add3A_153] : memref<655360xf32, #tpu.memory_space<hbm>> -> memref<1024xf32, #tpu.memory_space<hbm>>
      %dma_wait3A_171 = tpu.memref_slice %arg8[%add3A_153] : memref<655360xf32, #tpu.memory_space<hbm>> -> memref<1024xf32, #tpu.memory_space<hbm>>
      %dma_wait3A_172 = arith.constant 17408 : i32
      %dma_wait3A_173 = tpu.memref_slice %arg17[%dma_wait3A_172] : memref<20480xf32, #tpu.memory_space<vmem>> -> memref<1024xf32, #tpu.memory_space<vmem>>
      tpu.wait_dma2 semaphore(%run_scoped3A : memref<!tpu.dma_semaphore, #tpu.memory_space<semaphore_mem>>) src(%dma_wait3A_173 : memref<1024xf32, #tpu.memory_space<vmem>>) dst(%dma_wait3A_171 : memref<1024xf32, #tpu.memory_space<hbm>>)
      tpu.yield
    }) : () -> ()
    %mul3A_154 = arith.constant 327680 : i32
    %mul3A_155 = arith.muli %arg0, %mul3A_154 : i32
    %add3A_156 = arith.constant 294912 : i32
    %add3A_157 = arith.addi %mul3A_155, %add3A_156 : i32
    %add3A_158 = arith.addi %add3A_157, %mul3A_0 : i32
    "tpu.region"() ({
      %run_scoped3A = tpu.sem_alloc : memref<!tpu.dma_semaphore, #tpu.memory_space<semaphore_mem>>
      %dma_start3A = arith.constant 18432 : i32
      %dma_start3A_164 = tpu.memref_slice %arg17[%dma_start3A] : memref<20480xf32, #tpu.memory_space<vmem>> -> memref<1024xf32, #tpu.memory_space<vmem>>
      %dma_start3A_165 = tpu.memref_slice %arg8[%add3A_158] : memref<655360xf32, #tpu.memory_space<hbm>> -> memref<1024xf32, #tpu.memory_space<hbm>>
      %dma_start3A_166 = tpu.memref_slice %arg8[%add3A_158] : memref<655360xf32, #tpu.memory_space<hbm>> -> memref<1024xf32, #tpu.memory_space<hbm>>
      %dma_start3A_167 = arith.constant 18432 : i32
      %dma_start3A_168 = tpu.memref_slice %arg17[%dma_start3A_167] : memref<20480xf32, #tpu.memory_space<vmem>> -> memref<1024xf32, #tpu.memory_space<vmem>>
      tpu.enqueue_dma source(%dma_start3A_168 : memref<1024xf32, #tpu.memory_space<vmem>>) target(%dma_start3A_166 : memref<1024xf32, #tpu.memory_space<hbm>>) target_semaphore(%run_scoped3A : memref<!tpu.dma_semaphore, #tpu.memory_space<semaphore_mem>>)
      %dma_wait3A = arith.constant 18432 : i32
      %dma_wait3A_169 = tpu.memref_slice %arg17[%dma_wait3A] : memref<20480xf32, #tpu.memory_space<vmem>> -> memref<1024xf32, #tpu.memory_space<vmem>>
      %dma_wait3A_170 = tpu.memref_slice %arg8[%add3A_158] : memref<655360xf32, #tpu.memory_space<hbm>> -> memref<1024xf32, #tpu.memory_space<hbm>>
      %dma_wait3A_171 = tpu.memref_slice %arg8[%add3A_158] : memref<655360xf32, #tpu.memory_space<hbm>> -> memref<1024xf32, #tpu.memory_space<hbm>>
      %dma_wait3A_172 = arith.constant 18432 : i32
      %dma_wait3A_173 = tpu.memref_slice %arg17[%dma_wait3A_172] : memref<20480xf32, #tpu.memory_space<vmem>> -> memref<1024xf32, #tpu.memory_space<vmem>>
      tpu.wait_dma2 semaphore(%run_scoped3A : memref<!tpu.dma_semaphore, #tpu.memory_space<semaphore_mem>>) src(%dma_wait3A_173 : memref<1024xf32, #tpu.memory_space<vmem>>) dst(%dma_wait3A_171 : memref<1024xf32, #tpu.memory_space<hbm>>)
      tpu.yield
    }) : () -> ()
    %mul3A_159 = arith.constant 327680 : i32
    %mul3A_160 = arith.muli %arg0, %mul3A_159 : i32
    %add3A_161 = arith.constant 311296 : i32
    %add3A_162 = arith.addi %mul3A_160, %add3A_161 : i32
    %add3A_163 = arith.addi %add3A_162, %mul3A_0 : i32
    "tpu.region"() ({
      %run_scoped3A = tpu.sem_alloc : memref<!tpu.dma_semaphore, #tpu.memory_space<semaphore_mem>>
      %dma_start3A = arith.constant 19456 : i32
      %dma_start3A_164 = tpu.memref_slice %arg17[%dma_start3A] : memref<20480xf32, #tpu.memory_space<vmem>> -> memref<1024xf32, #tpu.memory_space<vmem>>
      %dma_start3A_165 = tpu.memref_slice %arg8[%add3A_163] : memref<655360xf32, #tpu.memory_space<hbm>> -> memref<1024xf32, #tpu.memory_space<hbm>>
      %dma_start3A_166 = tpu.memref_slice %arg8[%add3A_163] : memref<655360xf32, #tpu.memory_space<hbm>> -> memref<1024xf32, #tpu.memory_space<hbm>>
      %dma_start3A_167 = arith.constant 19456 : i32
      %dma_start3A_168 = tpu.memref_slice %arg17[%dma_start3A_167] : memref<20480xf32, #tpu.memory_space<vmem>> -> memref<1024xf32, #tpu.memory_space<vmem>>
      tpu.enqueue_dma source(%dma_start3A_168 : memref<1024xf32, #tpu.memory_space<vmem>>) target(%dma_start3A_166 : memref<1024xf32, #tpu.memory_space<hbm>>) target_semaphore(%run_scoped3A : memref<!tpu.dma_semaphore, #tpu.memory_space<semaphore_mem>>)
      %dma_wait3A = arith.constant 19456 : i32
      %dma_wait3A_169 = tpu.memref_slice %arg17[%dma_wait3A] : memref<20480xf32, #tpu.memory_space<vmem>> -> memref<1024xf32, #tpu.memory_space<vmem>>
      %dma_wait3A_170 = tpu.memref_slice %arg8[%add3A_163] : memref<655360xf32, #tpu.memory_space<hbm>> -> memref<1024xf32, #tpu.memory_space<hbm>>
      %dma_wait3A_171 = tpu.memref_slice %arg8[%add3A_163] : memref<655360xf32, #tpu.memory_space<hbm>> -> memref<1024xf32, #tpu.memory_space<hbm>>
      %dma_wait3A_172 = arith.constant 19456 : i32
      %dma_wait3A_173 = tpu.memref_slice %arg17[%dma_wait3A_172] : memref<20480xf32, #tpu.memory_space<vmem>> -> memref<1024xf32, #tpu.memory_space<vmem>>
      tpu.wait_dma2 semaphore(%run_scoped3A : memref<!tpu.dma_semaphore, #tpu.memory_space<semaphore_mem>>) src(%dma_wait3A_173 : memref<1024xf32, #tpu.memory_space<vmem>>) dst(%dma_wait3A_171 : memref<1024xf32, #tpu.memory_space<hbm>>)
      tpu.yield
    }) : () -> ()
    return
  }
}

module attributes {stable_mosaic.version = 14 : i64} {
  func.func @_repack_body(%arg0: i32, %arg1: i32, %arg2: memref<8x4096xf32, #tpu.memory_space<vmem>>, %arg3: memref<8x32x128xf32, #tpu.memory_space<vmem>>) attributes {dimension_semantics = [#tpu.dimension_semantics<arbitrary>, #tpu.dimension_semantics<arbitrary>], iteration_bounds = array<i64: 4, 245>, scalar_prefetch = 0 : i64, scratch_operands = 0 : i64, tpu.core_type = #tpu.core_type<tc>, window_params = [{transform_indices = @transform_0, window_bounds = array<i64: 8, 4096>}, {transform_indices = @transform_1, window_bounds = array<i64: 8, 32, 128>}]} {
    %get3A = arith.constant 0 : index
    %get3A_0 = arith.constant 0 : index
    %get3A_1 = vector.load %arg2[%get3A, %get3A_0] : memref<8x4096xf32, #tpu.memory_space<vmem>>, vector<8x4096xf32>
    %reshape3A = vector.shape_cast %get3A_1 : vector<8x4096xf32> to vector<8x32x128xf32>
    %swap3A = arith.constant 0 : index
    %swap3A_2 = arith.constant 0 : index
    %swap3A_3 = arith.constant 0 : index
    %swap3A_4 = vector.load %arg3[%swap3A, %swap3A_2, %swap3A_3] : memref<8x32x128xf32, #tpu.memory_space<vmem>>, vector<8x32x128xf32>
    tpu.vector_store %arg3[%swap3A, %swap3A_2, %swap3A_3], %reshape3A {strides = array<i32>} : memref<8x32x128xf32, #tpu.memory_space<vmem>>, vector<8x32x128xf32>,
    return
  }
  func.func @transform_0(%arg0: i32, %arg1: i32) -> (i32, i32) {
    %c0_i32 = arith.constant 0 : i32
    return %arg0, %arg1 : i32, i32
  }
  func.func @transform_1(%arg0: i32, %arg1: i32) -> (i32, i32, i32) {
    %c0_i32 = arith.constant 0 : i32
    %c0_i32_0 = arith.constant 0 : i32
    return %arg0, %arg1, %c0_i32 : i32, i32, i32
  }
}

module attributes {stable_mosaic.version = 14 : i64} {
  func.func @_loss_body(%arg0: memref<2x16384xf32, #tpu.memory_space<vmem>>, %arg1: memref<40x16384xf32, #tpu.memory_space<vmem>>, %arg2: memref<1x1xf32, #tpu.memory_space<smem>>) attributes {dimension_semantics = [], scalar_prefetch = 0 : i64, scratch_operands = 0 : i64, tpu.core_type = #tpu.core_type<tc>} {
    %get3A = arith.constant 0 : index
    %get3A_0 = arith.constant 0 : index
    %get3A_1 = vector.load %arg0[%get3A, %get3A_0] : memref<2x16384xf32, #tpu.memory_space<vmem>>, vector<1x16384xf32>
    %get3A_2 = vector.shape_cast %get3A_1 : vector<1x16384xf32> to vector<16384xf32>
    %get3A_3 = arith.constant 1 : index
    %get3A_4 = arith.constant 0 : index
    %get3A_5 = vector.load %arg0[%get3A_3, %get3A_4] : memref<2x16384xf32, #tpu.memory_space<vmem>>, vector<1x16384xf32>
    %get3A_6 = vector.shape_cast %get3A_5 : vector<1x16384xf32> to vector<16384xf32>
    %add3A = arith.addf %get3A_2, %get3A_6 : vector<16384xf32>
    %get3A_7 = arith.constant 0 : index
    %get3A_8 = arith.constant 0 : index
    %get3A_9 = vector.load %arg1[%get3A_7, %get3A_8] : memref<40x16384xf32, #tpu.memory_space<vmem>>, vector<20x16384xf32>
    %get3A_10 = arith.constant 20 : index
    %get3A_11 = arith.constant 0 : index
    %get3A_12 = vector.load %arg1[%get3A_10, %get3A_11] : memref<40x16384xf32, #tpu.memory_space<vmem>>, vector<20x16384xf32>
    %add3A_13 = arith.addf %get3A_9, %get3A_12 : vector<20x16384xf32>
    %neg3A = arith.constant 0.000000e+00 : f32
    %neg3A_14 = vector.broadcast %neg3A : f32 to vector<16384xf32>
    %neg3A_15 = arith.subf %neg3A_14, %add3A : vector<16384xf32>
    %exp3A = math.exp %neg3A_15 : vector<16384xf32>
    %add3A_16 = arith.constant 1.000000e+00 : f32
    %add3A_17 = vector.broadcast %add3A_16 : f32 to vector<16384xf32>
    %add3A_18 = arith.addf %add3A_17, %exp3A : vector<16384xf32>
    %div3A = arith.constant 1.000000e+00 : f32
    %div3A_19 = vector.broadcast %div3A : f32 to vector<16384xf32>
    %div3A_20 = arith.divf %div3A_19, %add3A_18 : vector<16384xf32>
    %exp3A_21 = math.exp %add3A_13 : vector<20x16384xf32>
    %add3A_22 = arith.constant 1.000000e+00 : f32
    %add3A_23 = vector.broadcast %add3A_22 : f32 to vector<20x16384xf32>
    %add3A_24 = arith.addf %add3A_23, %exp3A_21 : vector<20x16384xf32>
    %div3A_25 = arith.constant 1.000000e+00 : f32
    %div3A_26 = vector.broadcast %div3A_25 : f32 to vector<20x16384xf32>
    %div3A_27 = arith.divf %div3A_26, %add3A_24 : vector<20x16384xf32>
    %reduce_sum3A = arith.constant dense<0.000000e+00> : vector<16384xf32>
    %reduce_sum3A_28 = vector.multi_reduction <add>, %div3A_27, %reduce_sum3A [0] : vector<20x16384xf32> to vector<16384xf32>
    %log3A = math.log %div3A_20 : vector<16384xf32>
    %reduce_sum3A_29 = vector.shape_cast %log3A : vector<16384xf32> to vector<1x16384xf32>
    %reduce_sum3A_30 = arith.constant dense<0.000000e+00> : vector<1xf32>
    %reduce_sum3A_31 = vector.multi_reduction <add>, %reduce_sum3A_29, %reduce_sum3A_30 [1] : vector<1x16384xf32> to vector<1xf32>
    %reduce_sum3A_32 = vector.shape_cast %reduce_sum3A_31 : vector<1xf32> to vector<1x1xf32>
    %reduce_sum3A_33 = vector.extract %reduce_sum3A_32[0, 0] : f32 from vector<1x1xf32>
    %log3A_34 = math.log %reduce_sum3A_28 : vector<16384xf32>
    %reduce_sum3A_35 = vector.shape_cast %log3A_34 : vector<16384xf32> to vector<1x16384xf32>
    %reduce_sum3A_36 = arith.constant dense<0.000000e+00> : vector<1xf32>
    %reduce_sum3A_37 = vector.multi_reduction <add>, %reduce_sum3A_35, %reduce_sum3A_36 [1] : vector<1x16384xf32> to vector<1xf32>
    %reduce_sum3A_38 = vector.shape_cast %reduce_sum3A_37 : vector<1xf32> to vector<1x1xf32>
    %reduce_sum3A_39 = vector.extract %reduce_sum3A_38[0, 0] : f32 from vector<1x1xf32>
    %add3A_40 = arith.addf %reduce_sum3A_33, %reduce_sum3A_39 : f32
    %neg3A_41 = arith.constant 0.000000e+00 : f32
    %neg3A_42 = arith.subf %neg3A_41, %add3A_40 : f32
    %div3A_43 = arith.constant 1.638400e+04 : f32
    %div3A_44 = arith.divf %neg3A_42, %div3A_43 : f32
    %swap3A = arith.constant 0 : index
    %swap3A_45 = arith.constant 0 : index
    %swap3A_46 = memref.load %arg2[%swap3A, %swap3A_45] : memref<1x1xf32, #tpu.memory_space<smem>>
    memref.store %div3A_44, %arg2[%swap3A, %swap3A_45] : memref<1x1xf32, #tpu.memory_space<smem>>
    return
  }
}

</mosaic_0001>

<sc_bundles>
// kernel: kernel.6.cloned.1.call-start
scs
__scs_entry_jumppad:
0x0: {  	(pc) =	sbr.rel $0x88, $3  }
0x1: {  	(tag) =	ssettag $0x0;
	lr =	simm.s32 $0x1  }
0x2: {  	[smem:$0x3F9C] =	sst lr;
	_ =	strace $0xD0000000  }
0x3: {  	_ = 	snop  }
0x4: {  	_ = 	snop  }
0x5: {  	_ = 	snop  }
0x6: {  	_ = 	snop  }
0x7: {  	_ = 	snop  }
__scs_overlays_trampoline_lowered:
0x8: {  	[smem:$0x3FAB] =	sst s0  }
0x9: {  	[smem:$0x3FAC] =	sst s1  }
0xa: {  	[smem:$0x3FAD] =	sst s2  }
0xb: {  	[smem:$0x3FAE] =	sst s3  }
0xc: {  	[smem:$0x3FAF] =	sst s4  }
0xd: {  	[smem:$0x3FB0] =	sst s5  }
0xe: {  	[smem:$0x3FB1] =	sst s6  }
0xf: {  	[smem:$0x3FB2] =	sst s7  }
0x10: {  	[smem:$0x3FB3] =	sst s8  }
0x11: {  	[smem:$0x3FB4] =	sst s9;
	s0 =	simm.s32 @!p0 $0x0  }
0x12: {  	s1 =	sld [smem:$0x3F9A];
	s0 =	simm.s32 @p0 $0x1  }
0x13: {  	[smem:$0x3FB5] =	sst s0;
	s0 =	simm.s32 @!p1 $0x0  }
0x14: {  	s2 =	sld [smem:$0x3F99];
	s0 =	simm.s32 @p1 $0x1  }
0x15: {  	[smem:$0x3FB6] =	sst s0;
	s0 =	simm.s32 @!p2 $0x0  }
0x16: {  	s3 =	sld [smem:$0x3FDB];
	s0 =	simm.s32 @p2 $0x1  }
0x17: {  	s4 =	simm.s32 $0x1BF5;
	[smem:$0x3FB8] =	sst s0  }
0x18: {  	s0 =	sld [smem:$0x3F9B];
	_ =	swait.ge [sflag:s4], $0x0  }
0x19: {  	s7 =	sld [smem:$0x3F9C]  }
0x1a: {  	s8 =	sadd.s32 $0xFFFFE003, lr  }
0x1b: {  	s9 =	sadd.s32 $0xFFFFFEF7, lr;
	s5 =	simm.s32 $0xFFFFFFFF;
	p2 =	slt.u32 s8, $0xFFFFF086  }
0x1c: {  	p1 =	slt.u32 s9, $0xF7A;
	s5 =	simm.s32 @!p2 $0x0  }
0x1d: {  	s5 =	simm.s32 @p1 $0x1;
	p0 =	seq.s32 s7, s2  }
0x1e: {  	s7 =	smul.u32 @!p0 $0xF7A, s2;
	p2 =	seq.s32 @!p0 s5, $0x0  }
0x1f: {  	s9 =	smul.u32 $0xF7A, s1;
	s8 =	simm.s32 @!p0 $0x1BF5;
	p2 =	por !p2, p0  }
0x20: {  	[sflag:s8] =	ssyncset.s32 @!p0 $0xFFFFF086;
	s6 =	sadd.s32 @!p0 s3, s7;
	s7 =	simm.s32 @!p0 $0x108  }
0x21: {  	s3 =	sadd.s32 s3, s9;
	s6 =	sadd.s32 @!p0 $0x88, s6;
	s7 =	simm.s32 @p2 $0x1082  }
0x22: {  	[simem:s7], [sflag:s8] =	dma.local @!p0 [hbm:s6], $0xF7A  }
0x23: {  	s9 =	sor.u32 $0xD0000000, s2;
	s6 =	simm.s32 $0x108;
	_ =	swait.ge @!p0 [sflag:s8], $0x0  }
0x24: {  	s3 =	sadd.s32 $0x88, s3;
	s6 =	simm.s32 @!p1 $0x1082;
	[sflag:s4] =	ssyncset.s32 $0xFFFFF086  }
0x25: {  	[simem:s6], [sflag:s4] =	dma.local [hbm:s3], $0xF7A  }
0x26: {  	[smem:$0x3F9C] =	sst s1;
	(tag) =	ssettag s2;
	_ =	strace s9  }
0x27: {  	s1 =	sld [smem:$0x3FAC]  }
0x28: {  	s2 =	sld [smem:$0x3FAD]  }
0x29: {  	s4 =	sld [smem:$0x3FAF]  }
0x2a: {  	p0 =	seq.s32 s5, $0x0;
	s5 =	sld [smem:$0x3FB0]  }
0x2b: {  	s6 =	sld [smem:$0x3FB1]  }
0x2c: {  	s7 =	sld [smem:$0x3FB2]  }
0x2d: {  	s3 =	simm.s32 $0x108;
	s8 =	sld [smem:$0x3FB3]  }
0x2e: {  	s3 =	simm.s32 @!p0 $0x1082;
	s9 =	sld [smem:$0x3FB4]  }
0x2f: {  	lr =	sadd.s32 s0, s3;
	s0 =	sld [smem:$0x3FAB]  }
0x30: {  	s3 =	sld [smem:$0x3FAE]  }
0x31: {  	[smem:$0x3FB7] =	sst s10  }
0x32: {  	s10 =	sld [smem:$0x3FB5];
	_ =	sdelay $0x3  }
0x33: {  	p0 =	seq.s32 s10, $0x1;
	s10 =	sld [smem:$0x3FB7];
	_ =	sdelay $0x3  }
0x34: {  	[smem:$0x3FB7] =	sst s10  }
0x35: {  	s10 =	sld [smem:$0x3FB6];
	_ =	sdelay $0x3  }
0x36: {  	p1 =	seq.s32 s10, $0x1;
	s10 =	sld [smem:$0x3FB7];
	_ =	sdelay $0x3  }
0x37: {  	[smem:$0x3FB7] =	sst s10  }
0x38: {  	s10 =	sld [smem:$0x3FB8]  }
0x39: {  	_ = 	snop;
	(pc) =	sbr.ind lr, $3  }
0x3a: {  	_ = 	snop  }
0x3b: {  	_ = 	snop  }
0x3c: {  	p2 =	seq.s32 s10, $0x1;
	s10 =	sld [smem:$0x3FB7]  }
0x3d: {  	_ =	shalt  }
0x3e: {  	_ =	shalt  }
0x3f: {  	_ =	shalt  }
0x40: {  	_ =	shalt  }
0x41: {  	_ =	shalt  }
0x42: {  	_ =	shalt  }
0x43: {  	_ =	shalt  }
0x44: {  	_ =	shalt  }
0x45: {  	_ =	shalt  }
0x46: {  	_ =	shalt  }
0x47: {  	_ =	shalt  }
0x48: {  	_ =	shalt  }
0x49: {  	_ =	shalt  }
0x4a: {  	_ =	shalt  }
0x4b: {  	_ =	shalt  }
0x4c: {  	_ =	shalt  }
0x4d: {  	_ =	shalt  }
0x4e: {  	_ =	shalt  }
0x4f: {  	_ =	shalt  }
0x50: {  	_ =	shalt  }
0x51: {  	_ =	shalt  }
0x52: {  	_ =	shalt  }
0x53: {  	_ =	shalt  }
0x54: {  	_ =	shalt  }
0x55: {  	_ =	shalt  }
0x56: {  	_ =	shalt  }
0x57: {  	_ =	shalt  }
0x58: {  	_ =	shalt  }
0x59: {  	_ =	shalt  }
0x5a: {  	_ =	shalt  }
0x5b: {  	_ =	shalt  }
0x5c: {  	_ =	shalt  }
0x5d: {  	_ =	shalt  }
0x5e: {  	_ =	shalt  }
0x5f: {  	_ =	shalt  }
0x60: {  	_ =	shalt  }
0x61: {  	_ =	shalt  }
0x62: {  	_ =	shalt  }
0x63: {  	_ =	shalt  }
0x64: {  	_ =	shalt  }
0x65: {  	_ =	shalt  }
0x66: {  	_ =	shalt  }
0x67: {  	_ =	shalt  }
0x68: {  	_ =	shalt  }
0x69: {  	_ =	shalt  }
0x6a: {  	_ =	shalt  }
0x6b: {  	_ =	shalt  }
0x6c: {  	_ =	shalt  }
0x6d: {  	_ =	shalt  }
0x6e: {  	_ =	shalt  }
0x6f: {  	_ =	shalt  }
0x70: {  	_ =	shalt  }
0x71: {  	_ =	shalt  }
0x72: {  	_ =	shalt  }
0x73: {  	_ =	shalt  }
0x74: {  	_ =	shalt  }
0x75: {  	_ =	shalt  }
0x76: {  	_ =	shalt  }
0x77: {  	_ =	shalt  }
0x78: {  	_ =	shalt  }
0x79: {  	_ =	shalt  }
0x7a: {  	_ =	shalt  }
0x7b: {  	_ =	shalt  }
0x7c: {  	_ =	shalt  }
0x7d: {  	_ =	shalt  }
0x7e: {  	_ =	shalt  }
0x7f: {  	_ =	shalt  }
0x80: {  	_ =	shalt  }
0x81: {  	_ =	shalt  }
0x82: {  	_ =	shalt  }
0x83: {  	_ =	shalt  }
0x84: {  	_ =	shalt  }
0x85: {  	_ =	shalt  }
0x86: {  	_ =	shalt  }
0x87: {  	_ =	shalt  }
.Lfunc_end0:
.L_simem_size_0:
called_computation_lowered:
.L_overlay_start_0:
0x88: {  	s2 =	sld [smem:$0x3FD9]  }
0x89: {  	s3 =	sld [smem:$0x3FFE];
	_ =	sdelay $0x1  }
0x8a: {  	s1 =	srdreg.scid  }
0x8b: {  	s0 =	sand.u32 $0x1, s1  }
0x8c: {  	s17 =	sshll.u32 s0, $0xA;
	s2 =	sadd.s32 s3, s2  }
0x8d: {  	s2 =	sadd.s32 s2, s17  }
0x8e: {  	[smem:$0x3FC3] =	sst s2  }
0x8f: {  	_ = 	snop  }
0x90: {  	s2 =	sld [smem:$0x3FC9]  }
0x91: {  	s18 =	sld [smem:$0x3FC8];
	(tm) =	ssettm $0x1  }
0x92: {  	s4 =	sld [smem:$0x3FFB];
	_ =	sdelay $0x3  }
0x93: {  	_ =	strace s4  }
0x94: {  	s4 =	sld [smem:$0x3FFC];
	_ =	sdelay $0x3  }
0x95: {  	_ =	strace s4  }
0x96: {  	s4 =	sld [smem:$0x3FFD];
	_ =	sdelay $0x3  }
0x97: {  	_ =	strace s4  }
0x98: {  	_ =	strace $0x8FFFFFFF  }
0x99: {  	s19 =	sld [smem:$0x3FDB];
	_ =	sdelay $0x1  }
0x9a: {  	s5 =	simm.s32 $_scs_section_size  }
0x9b: {  	s6 =	simm.s32 $_size__tile_overlayer_lowered;
	s7 =	simm.s32 $_tile_overlayer_lowered  }
0x9c: {  	s22 =	simm.s32 $0x1BFF;
	s21 =	sshll.u32 s7, $0x1;
	s4 =	sadd.s32 s5, s19  }
0x9d: {  	s8 =	simm.s32 $0x0;
	s20 =	sshll.u32 s6, $0x1;
	s6 =	sadd.s32 s21, s4  }
0x9e: {  	[timem:s8], [sflag:s22] =	dma.local [hbm:s6], s20  }
0x9f: {  	_ =	swait.ge [sflag:s22], s20  }
0xa0: {  	s5 =	ssub.s32 $0x0, s20;
	[sflag:s22] =	ssyncset.done $0x0  }
0xa1: {  	[sflag:s22] =	ssyncadd.s32 s5;
	_ =	sdelay $0x1  }
0xa2: {  	s23 =	simm.s32 $0x1B8B  }
0xa3: {  	_ =	swait.ge [sflag:s23], $0x1  }
0xa4: {  	[sflag:s23] =	ssyncset.done $0x0  }
0xa5: {  	s25 =	simm.s32 $0x1B8E;
	s24 =	sld [smem:$0x3FFE];
	[sflag:s23] =	ssyncadd.s32 $0xFFFFFFFF  }
0xa6: {  	s26 =	simm.s32 $execute0_lowered;
	[smem:$0x3FD2] =	sst s25  }
0xa7: {  	s6 =	sshll.u32 s26, $0x1;
	_ =	strace $0x80000046;
	[dreg:$0x1] =	wrdreg $0xFFFFFFFF  }
0xa8: {  	s28 =	simm.s32 $_size_execute0_lowered;
	s4 =	sadd.s32 s4, s6;
	[dreg:$0x0] =	wrdreg $0x0  }
0xa9: {  	s6 =	sshll.u32 s28, $0x1;
	[dreg:$0x2] =	wrdreg s4  }
0xaa: {  	[dreg:$0x3] =	wrdreg s6  }
0xab: {  	[dreg:$0x4] =	wrdreg $0xC0  }
0xac: {  	_ =	task [dreg:s8], $0x5FFFF  }
0xad: {  	[dreg:$0x1] =	wrdreg $0xFFFFFFFF  }
0xae: {  	[dreg:$0x0] =	wrdreg $0x60  }
0xaf: {  	[dreg:$0x2] =	wrdreg s2  }
0xb0: {  	[dreg:$0x3] =	wrdreg s18  }
0xb1: {  	[dreg:$0x4] =	wrdreg s24  }
0xb2: {  	[dreg:$0x5] =	wrdreg $0x0  }
0xb3: {  	[dreg:$0x6] =	wrdreg $0x9  }
0xb4: {  	_ =	task.clear_ibuf [dreg:s8], $0x7FFFF;
	_ =	strace $0x90000046  }
0xb5: {  	s29 =	simm.s32 $0x9;
	_ =	strace $0x80000048  }
0xb6: {  	_ =	swait.ge [sflag:s29], $0x1  }
0xb7: {  	[sflag:s29] =	ssyncadd.s32 $0xFFFFFFFF  }
0xb8: {  	_ =	strace $0x90000048  }
0xb9: {  	_ =	sfence  }
0xba: {  	s30 =	sld [smem:$0x0];
	_ =	sdelay $0x2  }
0xbb: {  	s31 =	sshll.u32 s1, $0xD;
	s1 =	sshrl.u32 s1, $0x2  }
0xbc: {  	s3 =	sand.u32 $0x4000, s31;
	s1 =	sadd.s32 s1, s30  }
0xbd: {  	s0 =	sor.u32 s3, s0;
	s1 =	sshll.u32 s1, $0x11  }
0xbe: {  	s0 =	sor.u32 s1, s0  }
0xbf: {  	s0 =	sadd.s32 $0x8F2B, s0  }
0xc0: {  	[sflag:s0] =	ssyncadd.remote.s32 $0x1  }
0xc1: {  	_ =	sfence.sel $0xFFFF  }
0xc2: {  	[dreg:$0x0] =	wrdreg $0xFFFFFFFF;
	(pc) =	sbr.abs _section_cstart, $3  }
0xc3: {  	[dreg:$0x1] =	wrdreg $0xFFFFFFFF  }
0xc4: {  	_ =	task.clear_ibuf [dreg:s8], $0x2FFFF;
	_ =	strace $0x9FFFFFFF  }
0xc5: {  	(tm) =	ssettm $0x7FFFFFFF  }
tec
execute0_lowered:
.L_overlay_start_1:
0x0: {  	(tag) =	ssettag $0x1  }
0x1: {  	s4 =	rddreg [dreg:$0x0]  }
0x2: {  	s5 =	rddreg [dreg:$0x1]  }
0x3: {  	s3 =	rddreg [dreg:$0x2];
	s0 =	srdreg.scid  }
0x4: {  	s12 =	stileid.u32;
	s1 =	simm.s32 $0x0;
	s0 =	sand.u32 $0x1, s0  }
0x5: {  	s7 =	sshll.u32 s12, $0xA;
	[smem:$0x7FF] =	sst s1;
	s9 =	smul.u32 $0x50000, s0  }
0x6: {  	s10 =	sadd.s32 $0x7B3800, s3;
	s2 =	sshll.u32 s0, $0xE;
	s8 =	ssub.s32 $0x2, s0  }
0x7: {  	s6 =	sor.u32 s7, s2;
	s22 =	sshrl.u32 s8, $0x1;
	s7 =	sor.u32 s7, s9  }
0x8: {  	s2 =	ssub.s32 s8, s22;
	s23 =	sshrl.u32 s7, $0x3;
	s9 =	sadd.s32 $0x10000, s7  }
0x9: {  	s11 =	sadd.s32 $0x14000, s7;
	s14 =	sadd.s32 $0x20000, s7;
	s18 =	sadd.s32 $0x24000, s7  }
0xa: {  	s19 =	sadd.s32 $0x28000, s7;
	s20 =	sadd.s32 $0x2C000, s7;
	s13 =	sadd.s32 s10, s23  }
0xb: {  	s24 =	sshrl.u32 s9, $0x3;
	s25 =	sshrl.u32 s11, $0x3;
	s9 =	sadd.s32 $0x18000, s7  }
0xc: {  	s11 =	sadd.s32 $0x1C000, s7;
	s16 =	sshrl.u32 s14, $0x3;
	s21 =	sshrl.u32 s19, $0x3  }
0xd: {  	s22 =	sshrl.u32 s20, $0x3;
	s19 =	sadd.s32 $0x44000, s7;
	s8 =	sadd.s32 s10, s24  }
0xe: {  	s26 =	sadd.s32 s10, s25;
	s15 =	sshrl.u32 s11, $0x3;
	[dreg:$0x6] =	wrdreg s8  }
0xf: {  	s17 =	sadd.s32 s10, s16;
	s23 =	sadd.s32 s10, s22;
	[dreg:$0x7] =	wrdreg s26  }
0x10: {  	s24 =	sadd.s32 $0x30000, s7;
	s25 =	sadd.s32 $0x34000, s7;
	[dreg:$0xa] =	wrdreg s17  }
0x11: {  	s8 =	sshrl.u32 s9, $0x3;
	[dreg:$0xd] =	wrdreg s23;
	s26 =	sadd.s32 $0x38000, s7  }
0x12: {  	s14 =	sshrl.u32 s25, $0x3;
	s17 =	sadd.s32 $0x3C000, s7;
	s8 =	sadd.s32 s10, s8  }
0x13: {  	[dreg:$0x8] =	wrdreg s8;
	s8 =	sadd.s32 s10, s15;
	s15 =	sshrl.u32 s26, $0x3  }
0x14: {  	[dreg:$0x9] =	wrdreg s8;
	s8 =	sshrl.u32 s18, $0x3;
	s16 =	sadd.s32 s10, s15  }
0x15: {  	s23 =	sadd.s32 $0x48000, s7;
	s8 =	sadd.s32 s10, s8;
	[dreg:$0x10] =	wrdreg s16  }
0x16: {  	s18 =	sadd.s32 $0x40000, s7;
	[dreg:$0xb] =	wrdreg s8;
	s8 =	sadd.s32 s10, s21  }
0x17: {  	s7 =	sadd.s32 $0x4C000, s7;
	[dreg:$0xc] =	wrdreg s8;
	s8 =	sshrl.u32 s24, $0x3  }
0x18: {  	s21 =	sshrl.u32 s19, $0x3;
	s19 =	rddreg [dreg:$0x3];
	s8 =	sadd.s32 s10, s8  }
0x19: {  	s7 =	sshrl.u32 s7, $0x3;
	[dreg:$0xe] =	wrdreg s8;
	s8 =	sadd.s32 s10, s14  }
0x1a: {  	s7 =	sadd.s32 s10, s7;
	[dreg:$0xf] =	wrdreg s8;
	s8 =	sshrl.u32 s17, $0x3  }
0x1b: {  	s20 =	sshrl.u32 s18, $0x3;
	[dreg:$0x15] =	wrdreg s7;
	s8 =	sadd.s32 s10, s8  }
0x1c: {  	[dreg:$0x11] =	wrdreg s8;
	s8 =	sadd.s32 s10, s20  }
0x1d: {  	s22 =	sadd.s32 s10, s21;
	[dreg:$0x12] =	wrdreg s8;
	s8 =	sshrl.u32 s23, $0x3  }
0x1e: {  	s26 =	sshll.u32 s12, $0x7;
	[dreg:$0x13] =	wrdreg s22;
	s8 =	sadd.s32 s10, s8  }
0x1f: {  	s4 =	sadd.s32 s4, s26;
	[dreg:$0x14] =	wrdreg s8  }
0x20: {  	s9 =	sadd.s32 s5, s26;
	_ =	strace $0x80000047;
	[dreg:$0x16] =	wrdreg s4  }
0x21: {  	[dreg:$0x17] =	wrdreg s9;
	s4 =	sadd.s32 s26, s3  }
0x22: {  	[dreg:$0x5] =	wrdreg s13;
	s10 =	sadd.s32 $0x800, s4  }
0x23: {  	s11 =	sadd.s32 $0x1000, s4;
	[dreg:$0x18] =	wrdreg s10  }
0x24: {  	s14 =	sadd.s32 $0x1800, s4;
	[dreg:$0x19] =	wrdreg s11  }
0x25: {  	s15 =	sadd.s32 $0x2000, s4;
	[dreg:$0x1a] =	wrdreg s14  }
0x26: {  	s16 =	sadd.s32 $0x2800, s4;
	[dreg:$0x1b] =	wrdreg s15  }
0x27: {  	s17 =	sadd.s32 $0x3000, s4;
	[dreg:$0x1c] =	wrdreg s16  }
0x28: {  	s18 =	smul.u32 $0x1E848, s12;
	s20 =	sadd.s32 $0x3800, s4;
	[dreg:$0x1d] =	wrdreg s17  }
0x29: {  	s24 =	smul.u32 $0xF50000, s0;
	s21 =	sadd.s32 $0x4000, s4;
	[dreg:$0x1e] =	wrdreg s20  }
0x2a: {  	s22 =	sadd.s32 $0x4800, s4;
	[dreg:$0x1f] =	wrdreg s21  }
0x2b: {  	s25 =	sadd.s32 s18, s24;
	s23 =	sadd.s32 $0x5000, s4;
	[smem:$0x7EB] =	sst s22  }
0x2c: {  	s7 =	sshrl.u32 s25, $0x3;
	s25 =	sadd.s32 $0x5800, s4;
	[smem:$0x7EC] =	sst s23  }
0x2d: {  	s26 =	sadd.s32 $0x6000, s4;
	[smem:$0x7ED] =	sst s25  }
0x2e: {  	s5 =	sadd.s32 s7, s3;
	s7 =	sadd.s32 $0x6800, s4;
	[smem:$0x7EE] =	sst s26  }
0x2f: {  	s8 =	sadd.s32 $0x7000, s4;
	[smem:$0x7EF] =	sst s7  }
0x30: {  	s9 =	sadd.s32 $0x7800, s4;
	[smem:$0x7F0] =	sst s8  }
0x31: {  	[smem:$0x7F1] =	sst s9;
	s10 =	sadd.s32 $0x8000, s4  }
0x32: {  	s11 =	sadd.s32 $0x8800, s4;
	[smem:$0x7F2] =	sst s10  }
0x33: {  	s28 =	simm.s32 $0xF428;
	s14 =	sadd.s32 $0x9000, s4;
	[smem:$0x7F3] =	sst s11  }
0x34: {  	s6 =	sshrl.u32 s6, $0x3;
	s15 =	sadd.s32 $0x9800, s4;
	[smem:$0x7F4] =	sst s14  }
0x35: {  	s6 =	sadd.s32 s6, s3;
	s16 =	sadd.s32 $0xA000, s4;
	[smem:$0x7F5] =	sst s15  }
0x36: {  	s29 =	simm.s32 $0x3;
	s17 =	sadd.s32 $0x7B2800, s6;
	[smem:$0x7F6] =	sst s16  }
0x37: {  	s30 =	simm.s32 $0x19828;
	s20 =	smax.u32 s2, $0x1;
	[smem:$0x7F7] =	sst s17  }
0x38: {  	s31 =	simm.s32 $0x19C28;
	s21 =	sadd.s32 $0xA800, s5;
	[smem:$0x7F8] =	sst s20  }
0x39: {  	p0 =	sgt.u32 s12, $0x7;
	s22 =	sadd.s32 s18, s19;
	[smem:$0x7F9] =	sst s21  }
0x3a: {  	s12 =	simm.s32 $0x10028;
	s23 =	sadd.s32 $0x800, s13;
	[smem:$0x7FA] =	sst s22  }
0x3b: {  	s24 =	sadd.s32 $0x3DE800, s3;
	s25 =	sadd.s32 $0x1000, s13;
	[smem:$0x7FB] =	sst s23  }
0x3c: {  	s3 =	simm.s32 $0x0;
	s26 =	sadd.s32 $0x1800, s13;
	[smem:$0x7FC] =	sst s25  }
0x3d: {  	s13 =	simm.s32 $0x13428;
	s15 =	sshll.u32 s0, $0x4;
	[smem:$0x7FD] =	sst s26  }
0x3e: {  	s10 =	simm.s32 $0xF828;
	s11 =	simm.s32 $0xFC28;
	s14 =	simm.s32 $0x13828  }
0x3f: {  	s16 =	simm.s32 $0x13C28;
	s20 =	simm.s32 $0x14028;
	s22 =	simm.s32 $0x14428  }
0x40: {  	s23 =	simm.s32 $0x14828;
	s25 =	simm.s32 $0x400;
	s21 =	simm.s32 $0x19028  }
0x41: {  	v0 =	vimm.f32 $0.0e+00;
	s26 =	simm.s32 $0x19428;
	s17 =	simm.s32 $0x1A028;
	s0 =	simm.s32 $0x2  }
.LBB2_1:
0x42: {  	[smem:$0x7EA] =	sst s3  }
0x43: {  	s2 =	rddreg [dreg:$0x16]  }
0x44: {  	[tilespmem:s28], [sflag:$0x3] =	stream.linear.gather [hbm4b:s2+s1], $0x400, $0x38;
	[tilespmem:$0x1F828] =	vst v63  }
0x45: {  	_ =	swait.ge [sflag:s29], $0x400  }
0x46: {  	[sflag:s29] =	ssyncset.done $0x0  }
0x47: {  	s9 =	rddreg [dreg:$0x17];
	[sflag:s29] =	ssyncadd.s32 $0xFFFFFC00  }
0x48: {  	[tilespmem:s10], [sflag:$0x3] =	stream.linear.gather [hbm4b:s9+s1], $0x400, $0x38;
	[tilespmem:$0x1F828] =	vst v63  }
0x49: {  	_ =	swait.ge [sflag:s29], $0x400  }
0x4a: {  	[sflag:s29] =	ssyncset.done $0x0  }
0x4b: {  	s10 =	rddreg [dreg:$0x18];
	[sflag:s29] =	ssyncadd.s32 $0xFFFFFC00  }
0x4c: {  	[tilespmem:s11], [sflag:$0x3] =	stream.linear.gather [hbm4b:s10+s1], $0x400, $0x38;
	[tilespmem:$0x1F828] =	vst v63  }
0x4d: {  	_ =	swait.ge [sflag:s29], $0x400  }
0x4e: {  	[sflag:s29] =	ssyncset.done $0x0  }
0x4f: {  	s11 =	rddreg [dreg:$0x19];
	[sflag:s29] =	ssyncadd.s32 $0xFFFFFC00  }
0x50: {  	[tilespmem:s12], [sflag:$0x3] =	stream.linear.gather [hbm4b:s11+s1], $0x400, $0x38;
	[tilespmem:$0x1F828] =	vst v63  }
0x51: {  	_ =	swait.ge [sflag:s29], $0x400  }
0x52: {  	[sflag:s29] =	ssyncset.done $0x0  }
0x53: {  	s4 =	simm.s32 $0x10428;
	s3 =	rddreg [dreg:$0x1a];
	[sflag:s29] =	ssyncadd.s32 $0xFFFFFC00  }
0x54: {  	[tilespmem:s4], [sflag:$0x3] =	stream.linear.gather [hbm4b:s3+s1], $0x400, $0x38;
	[tilespmem:$0x1F828] =	vst v63  }
0x55: {  	_ =	swait.ge [sflag:s29], $0x400  }
0x56: {  	[sflag:s29] =	ssyncset.done $0x0  }
0x57: {  	s6 =	simm.s32 $0x10828;
	s5 =	rddreg [dreg:$0x1b];
	[sflag:s29] =	ssyncadd.s32 $0xFFFFFC00  }
0x58: {  	[tilespmem:s6], [sflag:$0x3] =	stream.linear.gather [hbm4b:s5+s1], $0x400, $0x38;
	[tilespmem:$0x1F828] =	vst v63  }
0x59: {  	_ =	swait.ge [sflag:s29], $0x400  }
0x5a: {  	[sflag:s29] =	ssyncset.done $0x0  }
0x5b: {  	s8 =	simm.s32 $0x10C28;
	s7 =	rddreg [dreg:$0x1c];
	[sflag:s29] =	ssyncadd.s32 $0xFFFFFC00  }
0x5c: {  	[tilespmem:s8], [sflag:$0x3] =	stream.linear.gather [hbm4b:s7+s1], $0x400, $0x38;
	[tilespmem:$0x1F828] =	vst v63  }
0x5d: {  	_ =	swait.ge [sflag:s29], $0x400  }
0x5e: {  	[sflag:s29] =	ssyncset.done $0x0  }
0x5f: {  	s10 =	simm.s32 $0x11028;
	s9 =	rddreg [dreg:$0x1d];
	[sflag:s29] =	ssyncadd.s32 $0xFFFFFC00  }
0x60: {  	[tilespmem:s10], [sflag:$0x3] =	stream.linear.gather [hbm4b:s9+s1], $0x400, $0x38;
	[tilespmem:$0x1F828] =	vst v63  }
0x61: {  	_ =	swait.ge [sflag:s29], $0x400  }
0x62: {  	[sflag:s29] =	ssyncset.done $0x0  }
0x63: {  	s12 =	simm.s32 $0x11428;
	s11 =	rddreg [dreg:$0x1e];
	[sflag:s29] =	ssyncadd.s32 $0xFFFFFC00  }
0x64: {  	[tilespmem:s12], [sflag:$0x3] =	stream.linear.gather [hbm4b:s11+s1], $0x400, $0x38;
	[tilespmem:$0x1F828] =	vst v63  }
0x65: {  	_ =	swait.ge [sflag:s29], $0x400  }
0x66: {  	[sflag:s29] =	ssyncset.done $0x0  }
0x67: {  	s4 =	simm.s32 $0x11828;
	s3 =	rddreg [dreg:$0x1f];
	[sflag:s29] =	ssyncadd.s32 $0xFFFFFC00  }
0x68: {  	[tilespmem:s4], [sflag:$0x3] =	stream.linear.gather [hbm4b:s3+s1], $0x400, $0x38;
	[tilespmem:$0x1F828] =	vst v63  }
0x69: {  	_ =	swait.ge [sflag:s29], $0x400  }
0x6a: {  	s5 =	sld [smem:$0x7EB]  }
0x6b: {  	[sflag:s29] =	ssyncset.done $0x0  }
0x6c: {  	s6 =	simm.s32 $0x11C28;
	[sflag:s29] =	ssyncadd.s32 $0xFFFFFC00  }
0x6d: {  	[tilespmem:s6], [sflag:$0x3] =	stream.linear.gather [hbm4b:s5+s1], $0x400, $0x38;
	[tilespmem:$0x1F828] =	vst v63  }
0x6e: {  	_ =	swait.ge [sflag:s29], $0x400  }
0x6f: {  	s7 =	sld [smem:$0x7EC]  }
0x70: {  	[sflag:s29] =	ssyncset.done $0x0  }
0x71: {  	s8 =	simm.s32 $0x12028;
	[sflag:s29] =	ssyncadd.s32 $0xFFFFFC00  }
0x72: {  	[tilespmem:s8], [sflag:$0x3] =	stream.linear.gather [hbm4b:s7+s1], $0x400, $0x38;
	[tilespmem:$0x1F828] =	vst v63  }
0x73: {  	_ =	swait.ge [sflag:s29], $0x400  }
0x74: {  	s9 =	sld [smem:$0x7ED]  }
0x75: {  	[sflag:s29] =	ssyncset.done $0x0  }
0x76: {  	s10 =	simm.s32 $0x12428;
	[sflag:s29] =	ssyncadd.s32 $0xFFFFFC00  }
0x77: {  	[tilespmem:s10], [sflag:$0x3] =	stream.linear.gather [hbm4b:s9+s1], $0x400, $0x38;
	[tilespmem:$0x1F828] =	vst v63  }
0x78: {  	_ =	swait.ge [sflag:s29], $0x400  }
0x79: {  	s11 =	sld [smem:$0x7EE]  }
0x7a: {  	[sflag:s29] =	ssyncset.done $0x0  }
0x7b: {  	s12 =	simm.s32 $0x12828;
	[sflag:s29] =	ssyncadd.s32 $0xFFFFFC00  }
0x7c: {  	[tilespmem:s12], [sflag:$0x3] =	stream.linear.gather [hbm4b:s11+s1], $0x400, $0x38;
	[tilespmem:$0x1F828] =	vst v63  }
0x7d: {  	_ =	swait.ge [sflag:s29], $0x400  }
0x7e: {  	s3 =	sld [smem:$0x7EF]  }
0x7f: {  	[sflag:s29] =	ssyncset.done $0x0  }
0x80: {  	s4 =	simm.s32 $0x12C28;
	[sflag:s29] =	ssyncadd.s32 $0xFFFFFC00  }
0x81: {  	[tilespmem:s4], [sflag:$0x3] =	stream.linear.gather [hbm4b:s3+s1], $0x400, $0x38;
	[tilespmem:$0x1F828] =	vst v63  }
0x82: {  	_ =	swait.ge [sflag:s29], $0x400  }
0x83: {  	s5 =	sld [smem:$0x7F0]  }
0x84: {  	[sflag:s29] =	ssyncset.done $0x0  }
0x85: {  	s6 =	simm.s32 $0x13028;
	[sflag:s29] =	ssyncadd.s32 $0xFFFFFC00  }
0x86: {  	[tilespmem:s6], [sflag:$0x3] =	stream.linear.gather [hbm4b:s5+s1], $0x400, $0x38;
	[tilespmem:$0x1F828] =	vst v63  }
0x87: {  	_ =	swait.ge [sflag:s29], $0x400  }
0x88: {  	s7 =	sld [smem:$0x7F1]  }
0x89: {  	[sflag:s29] =	ssyncset.done $0x0  }
0x8a: {  	[sflag:s29] =	ssyncadd.s32 $0xFFFFFC00  }
0x8b: {  	[tilespmem:s13], [sflag:$0x3] =	stream.linear.gather [hbm4b:s7+s1], $0x400, $0x38;
	[tilespmem:$0x1F828] =	vst v63  }
0x8c: {  	_ =	swait.ge [sflag:s29], $0x400  }
0x8d: {  	s8 =	sld [smem:$0x7F2]  }
0x8e: {  	[sflag:s29] =	ssyncset.done $0x0  }
0x8f: {  	[sflag:s29] =	ssyncadd.s32 $0xFFFFFC00  }
0x90: {  	[tilespmem:s14], [sflag:$0x3] =	stream.linear.gather [hbm4b:s8+s1], $0x400, $0x38;
	[tilespmem:$0x1F828] =	vst v63  }
0x91: {  	_ =	swait.ge [sflag:s29], $0x400  }
0x92: {  	s9 =	sld [smem:$0x7F3]  }
0x93: {  	[sflag:s29] =	ssyncset.done $0x0  }
0x94: {  	[sflag:s29] =	ssyncadd.s32 $0xFFFFFC00  }
0x95: {  	[tilespmem:s16], [sflag:$0x3] =	stream.linear.gather [hbm4b:s9+s1], $0x400, $0x38;
	[tilespmem:$0x1F828] =	vst v63  }
0x96: {  	_ =	swait.ge [sflag:s29], $0x400  }
0x97: {  	s10 =	sld [smem:$0x7F4]  }
0x98: {  	[sflag:s29] =	ssyncset.done $0x0  }
0x99: {  	[sflag:s29] =	ssyncadd.s32 $0xFFFFFC00  }
0x9a: {  	[tilespmem:s20], [sflag:$0x3] =	stream.linear.gather [hbm4b:s10+s1], $0x400, $0x38;
	[tilespmem:$0x1F828] =	vst v63  }
0x9b: {  	_ =	swait.ge [sflag:s29], $0x400  }
0x9c: {  	s11 =	sld [smem:$0x7F5]  }
0x9d: {  	[sflag:s29] =	ssyncset.done $0x0  }
0x9e: {  	[sflag:s29] =	ssyncadd.s32 $0xFFFFFC00  }
0x9f: {  	[tilespmem:s22], [sflag:$0x3] =	stream.linear.gather [hbm4b:s11+s1], $0x400, $0x38;
	[tilespmem:$0x1F828] =	vst v63  }
0xa0: {  	_ =	swait.ge [sflag:s29], $0x400  }
0xa1: {  	s12 =	sld [smem:$0x7F6]  }
0xa2: {  	[sflag:s29] =	ssyncset.done $0x0  }
0xa3: {  	[sflag:s29] =	ssyncadd.s32 $0xFFFFFC00  }
0xa4: {  	[tilespmem:s23], [sflag:$0x3] =	stream.linear.gather [hbm4b:s12+s1], $0x400, $0x38;
	[tilespmem:$0x1F828] =	vst v63  }
0xa5: {  	_ =	swait.ge [sflag:s29], $0x400  }
0xa6: {  	[sflag:s29] =	ssyncset.done $0x0  }
0xa7: {  	s3 =	simm.s32 $0x0;
	s4 =	simm.s32 $0x40;
	[sflag:s29] =	ssyncadd.s32 $0xFFFFFC00  }
.LBB2_2:
0xa8: {  	p1 =	sne.s32 s4, $0xFC0;
	[tilespmem:s3+$0x1F428] =	vst v0  }
0xa9: {  	[tilespmem:s3+$0x1A428] =	vst v0  }
0xaa: {  	[tilespmem:s3+$0x1A828] =	vst v0  }
0xab: {  	[tilespmem:s3+$0x1AC28] =	vst v0  }
0xac: {  	[tilespmem:s3+$0x1B028] =	vst v0  }
0xad: {  	[tilespmem:s3+$0x1B428] =	vst v0  }
0xae: {  	[tilespmem:s3+$0x1B828] =	vst v0  }
0xaf: {  	[tilespmem:s3+$0x1BC28] =	vst v0  }
0xb0: {  	[tilespmem:s3+$0x1C028] =	vst v0  }
0xb1: {  	[tilespmem:s3+$0x1C428] =	vst v0  }
0xb2: {  	[tilespmem:s3+$0x1C828] =	vst v0  }
0xb3: {  	[tilespmem:s3+$0x1CC28] =	vst v0  }
0xb4: {  	[tilespmem:s3+$0x1D028] =	vst v0  }
0xb5: {  	[tilespmem:s3+$0x1D428] =	vst v0  }
0xb6: {  	[tilespmem:s3+$0x1D828] =	vst v0  }
0xb7: {  	[tilespmem:s3+$0x1DC28] =	vst v0  }
.Ltmp0:
0xb8: {  	[tilespmem:s3+$0x1E028] =	vst v0;
	(pc) =	sbr.rel @p1 .LBB2_2-.Ltmp0, $4  }
0xb9: {  	[tilespmem:s3+$0x1E428] =	vst v0  }
0xba: {  	[tilespmem:s3+$0x1E828] =	vst v0  }
0xbb: {  	[tilespmem:s3+$0x1EC28] =	vst v0  }
0xbc: {  	[tilespmem:s3+$0x1F028] =	vst v0;
	s3 =	sshra.s32 s4, $0x2;
	s4 =	sadd.s32 $0x40, s4  }
0xbd: {  	[tilespmem:s3+$0x1F428] =	vst v0  }
0xbe: {  	[tilespmem:s3+$0x1A428] =	vst v0  }
0xbf: {  	[tilespmem:s3+$0x1A828] =	vst v0  }
0xc0: {  	[tilespmem:s3+$0x1AC28] =	vst v0  }
0xc1: {  	[tilespmem:s3+$0x1B028] =	vst v0  }
0xc2: {  	[tilespmem:s3+$0x1B428] =	vst v0  }
0xc3: {  	[tilespmem:s3+$0x1B828] =	vst v0  }
0xc4: {  	[tilespmem:s3+$0x1BC28] =	vst v0  }
0xc5: {  	[tilespmem:s3+$0x1C028] =	vst v0  }
0xc6: {  	[tilespmem:s3+$0x1C428] =	vst v0  }
0xc7: {  	[tilespmem:s3+$0x1C828] =	vst v0  }
0xc8: {  	[tilespmem:s3+$0x1CC28] =	vst v0  }
0xc9: {  	[tilespmem:s3+$0x1D028] =	vst v0  }
0xca: {  	[tilespmem:s3+$0x1D428] =	vst v0  }
0xcb: {  	[tilespmem:s3+$0x1D828] =	vst v0  }
0xcc: {  	[tilespmem:s3+$0x1DC28] =	vst v0  }
0xcd: {  	[tilespmem:s3+$0x1E028] =	vst v0;
	s2 =	stileid.u32  }
0xce: {  	[tilespmem:s3+$0x1E428] =	vst v0;
	s7 =	sshll.u32 @!p0 s2, $0x6;
	s2 =	sld [smem:$0x7FA]  }
0xcf: {  	[tilespmem:s3+$0x1E828] =	vst v0;
	s9 =	sld [smem:$0x7F9]  }
0xd0: {  	[tilespmem:s3+$0x1EC28] =	vst v0  }
0xd1: {  	[tilespmem:s3+$0x1F028] =	vst v0;
	s4 =	simm.s32 @!p0 $0x1;
	s5 =	sor.u32 @!p0 $0x1C01, s7;
	s2 =	sshrl.u32 @!p0 s2, $0x3  }
0xd2: {  	[spmem:s2], [sflag:s5] =	dma.local @!p0 [hbm:s9], $0x3D09  }
0xd3: {  	_ =	swait.ge @!p0 [sflag:s4], $0x3D09  }
0xd4: {  	[sflag:s4] =	ssyncset.done @!p0 $0x0  }
0xd5: {  	[sflag:s4] =	ssyncadd.s32 @!p0 $0xFFFFC2F7  }
0xd6: {  	s12 =	simm.s32 $0x14C28;
	[bflag:$0x0] =	sbarrier.arrive $0xFFFF  }
0xd7: {  	[tilespmem:s12], [sflag:$0x3] =	stream.indirect.gather [spmem:s19], $0x1, s28, s25, $0xb8;
	[tilespmem:$0x1F828] =	vst v63  }
0xd8: {  	s6 =	simm.s32 $0x0;
	_ =	swait.ge [sflag:s29], $0x400  }
0xd9: {  	s8 =	simm.s32 $0x1000;
	s10 =	simm.s32 $0x2000;
	[sflag:s29] =	ssyncset.done $0x0  }
0xda: {  	s9 =	sadd.s32 $0x1EA00, s9;
	s3 =	smov.u32 s2;
	[sflag:s29] =	ssyncadd.s32 $0xFFFFFC00  }
.LBB2_4:
0xdb: {  	s11 =	sor.u32 @!p0 $0x1C01, s7;
	[bflag:$0x0] =	sbarrier.arrive $0xFFFF;
	s12 =	smov.u32 s10  }
0xdc: {  	[spmem:s3], [sflag:s11] =	dma.local @!p0 [hbm:s9], $0x3D09  }
0xdd: {  	s10 =	sadd.s32 $0x1000, s10;
	s3 =	smov.u32 s2;
	_ =	swait.ge @!p0 [sflag:s4], $0x3D09  }
0xde: {  	p1 =	sne.s32 s10, $0x10000;
	[sflag:s4] =	ssyncset.done @!p0 $0x0  }
0xdf: {  	s11 =	sshra.s32 s8, $0x2;
	s8 =	smov.u32 s12;
	[sflag:s4] =	ssyncadd.s32 @!p0 $0xFFFFC2F7  }
.Ltmp1:
0xe0: {  	s11 =	sadd.s32 $0x14C28, s11;
	[bflag:$0x0] =	sbarrier.arrive $0xFFFF;
	(pc) =	sbr.rel @p1 .LBB2_4-.Ltmp1, $4  }
0xe1: {  	[tilespmem:s11], [sflag:$0x3] =	stream.indirect.gather [spmem:s19], $0x1, s28, s25, $0xb8;
	[tilespmem:$0x1F828] =	vst v63  }
0xe2: {  	_ =	swait.ge [sflag:s29], $0x400  }
0xe3: {  	s9 =	sadd.s32 $0x1EA00, s9;
	[sflag:s29] =	ssyncset.done $0x0  }
0xe4: {  	[sflag:s29] =	ssyncadd.s32 $0xFFFFFC00  }
0xe5: {  	[bflag:$0x0] =	sbarrier.arrive $0xFFFF  }
0xe6: {  	[spmem:s3], [sflag:s5] =	dma.local @!p0 [hbm:s9], $0x3D09  }
0xe7: {  	_ =	swait.ge @!p0 [sflag:s4], $0x3D09  }
0xe8: {  	[sflag:s4] =	ssyncset.done @!p0 $0x0  }
0xe9: {  	s12 =	sshra.s32 s8, $0x2;
	[sflag:s4] =	ssyncadd.s32 @!p0 $0xFFFFC2F7  }
0xea: {  	s3 =	sadd.s32 $0x14C28, s12;
	[bflag:$0x0] =	sbarrier.arrive $0xFFFF  }
0xeb: {  	[tilespmem:s3], [sflag:$0x3] =	stream.indirect.gather [spmem:s19], $0x1, s28, s25, $0xb8;
	[tilespmem:$0x1F828] =	vst v63  }
0xec: {  	_ =	swait.ge [sflag:s29], $0x400  }
0xed: {  	[sflag:s29] =	ssyncset.done $0x0  }
0xee: {  	s7 =	simm.s32 $0x14C28;
	s10 =	simm.s32 $0xF828;
	[sflag:s29] =	ssyncadd.s32 $0xFFFFFC00  }
0xef: {  	s11 =	simm.s32 $0xFC28;
	s12 =	simm.s32 $0x10028;
	[bflag:$0x0] =	sbarrier.arrive $0xFFFF  }
.LBB2_6:
0xf0: {  	s3 =	sadd.s32 @!p0 s15, s6  }
0xf1: {  	s3 =	smul.u32 @!p0 $0xF5000, s3;
	_ =	sdelay $0x1  }
0xf2: {  	s3 =	sadd.s32 @!p0 s18, s3  }
0xf3: {  	s3 =	sshrl.u32 @!p0 s3, $0x3  }
0xf4: {  	s3 =	sadd.s32 @!p0 s24, s3  }
0xf5: {  	[spmem:s2], [sflag:s5] =	dma.local @!p0 [hbm:s3], $0x3D09  }
0xf6: {  	_ =	swait.ge @!p0 [sflag:s4], $0x3D09  }
0xf7: {  	[sflag:s4] =	ssyncset.done @!p0 $0x0  }
0xf8: {  	[sflag:s4] =	ssyncadd.s32 @!p0 $0xFFFFC2F7  }
0xf9: {  	s9 =	simm.s32 $0x18C28;
	v1 =	vmov s7;
	[bflag:$0x0] =	sbarrier.arrive $0xFFFF  }
0xfa: {  	[tilespmem:s9], [sflag:$0x3] =	stream.indirect.gather [spmem:s19], $0x1, s10, s25, $0xb8;
	[tilespmem:$0x1F828] =	vst v63  }
0xfb: {  	_ =	swait.ge [sflag:s29], $0x400  }
0xfc: {  	[sflag:s29] =	ssyncset.done $0x0  }
0xfd: {  	s8 =	simm.s32 $0x40;
	s3 =	simm.s32 $0x0;
	[sflag:s29] =	ssyncadd.s32 $0xFFFFFC00  }
.LBB2_7:
0xfe: {  	p1 =	sne.s32 s8, $0xFC0;
	v2 =	vld.idx.msk [tilespmem:v1+s3+$0x0 ss:$0x1], $0xffff  }
0xff: {  	v3 =	vld [tilespmem:s3+$0x18C28];
	_ =	sdelay $0x1  }
0x100: {  	v4 =	vld [tilespmem:s3+$0x1A428];
	_ =	sdelay $0x2  }
.Ltmp2:
0x101: {  	v2 =	vmul.f32 v3, v2;
	(pc) =	sbr.rel @p1 .LBB2_7-.Ltmp2, $3  }
0x102: {  	_ = 	snop  }
0x103: {  	v2 =	vadd.f32 v2, v4;
	_ =	sdelay $0x1  }
0x104: {  	[tilespmem:s3+$0x1A428] =	vst v2;
	s3 =	sshra.s32 s8, $0x2;
	s8 =	sadd.s32 $0x40, s8  }
0x105: {  	_ =	sdelay $0x3  }
0x106: {  	v2 =	vld.idx.msk [tilespmem:v1+s3+$0x0 ss:$0x1], $0xffff  }
0x107: {  	v3 =	vld [tilespmem:s3+$0x18C28];
	_ =	sdelay $0x1  }
0x108: {  	v4 =	vld [tilespmem:s3+$0x1A428];
	_ =	sdelay $0x2  }
0x109: {  	v2 =	vmul.f32 v3, v2;
	_ =	sdelay $0x1  }
0x10a: {  	v2 =	vadd.f32 v2, v4;
	_ =	sdelay $0x1  }
0x10b: {  	[tilespmem:s3+$0x1A428] =	vst v2  }
0x10c: {  	[tilespmem:s21], [sflag:$0x2] =	stream.indirect.gather [spmem:s19], $0x1, s11, s25, $0xb8;
	[tilespmem:$0x1F828] =	vst v63  }
0x10d: {  	_ = 	snop  }
0x10e: {  	[tilespmem:s26], [sflag:$0x2] =	stream.indirect.gather [spmem:s19], $0x1, s12, s25, $0xb8;
	[tilespmem:$0x1F828] =	vst v63  }
0x10f: {  	s9 =	simm.s32 $0x10428  }
0x110: {  	[tilespmem:s30], [sflag:$0x2] =	stream.indirect.gather [spmem:s19], $0x1, s9, s25, $0xb8;
	[tilespmem:$0x1F828] =	vst v63  }
0x111: {  	s8 =	simm.s32 $0x10828  }
0x112: {  	[tilespmem:s31], [sflag:$0x2] =	stream.indirect.gather [spmem:s19], $0x1, s8, s25, $0xb8;
	[tilespmem:$0x1F828] =	vst v63  }
0x113: {  	s9 =	simm.s32 $0x10C28  }
0x114: {  	[tilespmem:s17], [sflag:$0x2] =	stream.indirect.gather [spmem:s19], $0x1, s9, s25, $0xb8;
	[tilespmem:$0x1F828] =	vst v63  }
0x115: {  	_ =	swait.ge [sflag:s0], $0x400  }
0x116: {  	[sflag:s0] =	ssyncset.done $0x0  }
0x117: {  	[sflag:s0] =	ssyncadd.s32 $0xFFFFFC00  }
0x118: {  	_ =	swait.ge [sflag:s0], $0x400  }
0x119: {  	[sflag:s0] =	ssyncset.done $0x0  }
0x11a: {  	[sflag:s0] =	ssyncadd.s32 $0xFFFFFC00  }
0x11b: {  	_ =	swait.ge [sflag:s0], $0x400  }
0x11c: {  	[sflag:s0] =	ssyncset.done $0x0  }
0x11d: {  	[sflag:s0] =	ssyncadd.s32 $0xFFFFFC00  }
0x11e: {  	_ =	swait.ge [sflag:s0], $0x400  }
0x11f: {  	[sflag:s0] =	ssyncset.done $0x0  }
0x120: {  	[sflag:s0] =	ssyncadd.s32 $0xFFFFFC00  }
0x121: {  	_ =	swait.ge [sflag:s0], $0x400  }
0x122: {  	[sflag:s0] =	ssyncset.done $0x0  }
0x123: {  	s8 =	simm.s32 $0x0;
	[sflag:s0] =	ssyncadd.s32 $0xFFFFFC00  }
0x124: {  	v2 =	vld [tilespmem:s8+$0x19028]  }
0x125: {  	v3 =	vld [tilespmem:s8+$0x19428]  }
0x126: {  	v5 =	vld [tilespmem:s8+$0x19828]  }
0x127: {  	v6 =	vld [tilespmem:s8+$0x19C28]  }
0x128: {  	s9 =	simm.s32 $0x40;
	v4 =	vld [tilespmem:s8+$0x1A028]  }
.LBB2_9:
0x129: {  	p1 =	sne.s32 s9, $0xFC0;
	v7 =	vld.idx.msk [tilespmem:v1+s8+$0x0 ss:$0x1], $0xffff  }
0x12a: {  	v8 =	vld [tilespmem:s8+$0x1B428]  }
0x12b: {  	v9 =	vld [tilespmem:s8+$0x1AC28]  }
0x12c: {  	v10 =	vld [tilespmem:s8+$0x1A828]  }
0x12d: {  	v11 =	vld [tilespmem:s8+$0x1B028]  }
0x12e: {  	v12 =	vld [tilespmem:s8+$0x1B828]  }
0x12f: {  	v2 =	vmul.f32 v2, v7;
	v3 =	vmul.f32 v3, v7  }
0x130: {  	v5 =	vmul.f32 v5, v7;
	v6 =	vmul.f32 v6, v7  }
0x131: {  	v9 =	vadd.f32 v3, v9;
	v3 =	vmul.f32 v4, v7;
	v10 =	vadd.f32 v2, v10  }
0x132: {  	s3 =	sshra.s32 s9, $0x2;
	v7 =	vadd.f32 v6, v8;
	v4 =	vadd.f32 v5, v11  }
.Ltmp3:
0x133: {  	v2 =	vld [tilespmem:s3+$0x19028];
	[tilespmem:s8+$0x1A828] =	vst v10;
	v8 =	vadd.f32 v3, v12;
	(pc) =	sbr.rel @p1 .LBB2_9-.Ltmp3, $4  }
0x134: {  	v3 =	vld [tilespmem:s3+$0x19428];
	[tilespmem:s8+$0x1AC28] =	vst v9  }
0x135: {  	v5 =	vld [tilespmem:s3+$0x19828];
	[tilespmem:s8+$0x1B028] =	vst v4  }
0x136: {  	v6 =	vld [tilespmem:s3+$0x19C28];
	[tilespmem:s8+$0x1B428] =	vst v7  }
0x137: {  	s9 =	sadd.s32 $0x40, s9;
	v4 =	vld [tilespmem:s3+$0x1A028];
	[tilespmem:s8+$0x1B828] =	vst v8;
	s8 =	smov.u32 s3  }
0x138: {  	_ =	sdelay $0x3  }
0x139: {  	v7 =	vld.idx.msk [tilespmem:v1+s8+$0x0 ss:$0x1], $0xffff;
	_ =	sdelay $0x1  }
0x13a: {  	v8 =	vld [tilespmem:s8+$0x1A828]  }
0x13b: {  	v9 =	vld [tilespmem:s8+$0x1AC28]  }
0x13c: {  	v10 =	vld [tilespmem:s8+$0x1B028]  }
0x13d: {  	v11 =	vld [tilespmem:s8+$0x1B428];
	v2 =	vmul.f32 v2, v7  }
0x13e: {  	v12 =	vld [tilespmem:s8+$0x1B828];
	v3 =	vmul.f32 v3, v7  }
0x13f: {  	v5 =	vmul.f32 v5, v7;
	v2 =	vadd.f32 v2, v8  }
0x140: {  	v6 =	vmul.f32 v6, v7;
	v3 =	vadd.f32 v3, v9  }
0x141: {  	v4 =	vmul.f32 v4, v7;
	v5 =	vadd.f32 v5, v10;
	[tilespmem:s8+$0x1A828] =	vst v2  }
0x142: {  	v2 =	vadd.f32 v6, v11;
	[tilespmem:s8+$0x1AC28] =	vst v3  }
0x143: {  	v3 =	vadd.f32 v4, v12;
	[tilespmem:s8+$0x1B028] =	vst v5  }
0x144: {  	[tilespmem:s8+$0x1B428] =	vst v2  }
0x145: {  	s3 =	simm.s32 $0x11028;
	[tilespmem:s8+$0x1B828] =	vst v3  }
0x146: {  	[tilespmem:s21], [sflag:$0x2] =	stream.indirect.gather [spmem:s19], $0x1, s3, s25, $0xb8;
	[tilespmem:$0x1F828] =	vst v63  }
0x147: {  	s8 =	simm.s32 $0x11428  }
0x148: {  	[tilespmem:s26], [sflag:$0x2] =	stream.indirect.gather [spmem:s19], $0x1, s8, s25, $0xb8;
	[tilespmem:$0x1F828] =	vst v63  }
0x149: {  	s9 =	simm.s32 $0x11828  }
0x14a: {  	[tilespmem:s30], [sflag:$0x2] =	stream.indirect.gather [spmem:s19], $0x1, s9, s25, $0xb8;
	[tilespmem:$0x1F828] =	vst v63  }
0x14b: {  	s8 =	simm.s32 $0x11C28  }
0x14c: {  	[tilespmem:s31], [sflag:$0x2] =	stream.indirect.gather [spmem:s19], $0x1, s8, s25, $0xb8;
	[tilespmem:$0x1F828] =	vst v63  }
0x14d: {  	s9 =	simm.s32 $0x12028  }
0x14e: {  	[tilespmem:s17], [sflag:$0x2] =	stream.indirect.gather [spmem:s19], $0x1, s9, s25, $0xb8;
	[tilespmem:$0x1F828] =	vst v63  }
0x14f: {  	_ =	swait.ge [sflag:s0], $0x400  }
0x150: {  	[sflag:s0] =	ssyncset.done $0x0  }
0x151: {  	[sflag:s0] =	ssyncadd.s32 $0xFFFFFC00  }
0x152: {  	_ =	swait.ge [sflag:s0], $0x400  }
0x153: {  	[sflag:s0] =	ssyncset.done $0x0  }
0x154: {  	[sflag:s0] =	ssyncadd.s32 $0xFFFFFC00  }
0x155: {  	_ =	swait.ge [sflag:s0], $0x400  }
0x156: {  	[sflag:s0] =	ssyncset.done $0x0  }
0x157: {  	[sflag:s0] =	ssyncadd.s32 $0xFFFFFC00  }
0x158: {  	_ =	swait.ge [sflag:s0], $0x400  }
0x159: {  	[sflag:s0] =	ssyncset.done $0x0  }
0x15a: {  	[sflag:s0] =	ssyncadd.s32 $0xFFFFFC00  }
0x15b: {  	_ =	swait.ge [sflag:s0], $0x400  }
0x15c: {  	[sflag:s0] =	ssyncset.done $0x0  }
0x15d: {  	s8 =	simm.s32 $0x0;
	[sflag:s0] =	ssyncadd.s32 $0xFFFFFC00  }
0x15e: {  	v2 =	vld [tilespmem:s8+$0x19028]  }
0x15f: {  	v3 =	vld [tilespmem:s8+$0x19428]  }
0x160: {  	v5 =	vld [tilespmem:s8+$0x19828]  }
0x161: {  	v6 =	vld [tilespmem:s8+$0x19C28]  }
0x162: {  	s9 =	simm.s32 $0x40;
	v4 =	vld [tilespmem:s8+$0x1A028]  }
.LBB2_11:
0x163: {  	p1 =	sne.s32 s9, $0xFC0;
	v7 =	vld.idx.msk [tilespmem:v1+s8+$0x0 ss:$0x1], $0xffff  }
0x164: {  	v8 =	vld [tilespmem:s8+$0x1C828]  }
0x165: {  	v9 =	vld [tilespmem:s8+$0x1C028]  }
0x166: {  	v10 =	vld [tilespmem:s8+$0x1BC28]  }
0x167: {  	v11 =	vld [tilespmem:s8+$0x1C428]  }
0x168: {  	v12 =	vld [tilespmem:s8+$0x1CC28]  }
0x169: {  	v2 =	vmul.f32 v2, v7;
	v3 =	vmul.f32 v3, v7  }
0x16a: {  	v5 =	vmul.f32 v5, v7;
	v6 =	vmul.f32 v6, v7  }
0x16b: {  	v9 =	vadd.f32 v3, v9;
	v3 =	vmul.f32 v4, v7;
	v10 =	vadd.f32 v2, v10  }
0x16c: {  	s3 =	sshra.s32 s9, $0x2;
	v7 =	vadd.f32 v6, v8;
	v4 =	vadd.f32 v5, v11  }
.Ltmp4:
0x16d: {  	v2 =	vld [tilespmem:s3+$0x19028];
	[tilespmem:s8+$0x1BC28] =	vst v10;
	v8 =	vadd.f32 v3, v12;
	(pc) =	sbr.rel @p1 .LBB2_11-.Ltmp4, $4  }
0x16e: {  	v3 =	vld [tilespmem:s3+$0x19428];
	[tilespmem:s8+$0x1C028] =	vst v9  }
0x16f: {  	v5 =	vld [tilespmem:s3+$0x19828];
	[tilespmem:s8+$0x1C428] =	vst v4  }
0x170: {  	v6 =	vld [tilespmem:s3+$0x19C28];
	[tilespmem:s8+$0x1C828] =	vst v7  }
0x171: {  	s9 =	sadd.s32 $0x40, s9;
	v4 =	vld [tilespmem:s3+$0x1A028];
	[tilespmem:s8+$0x1CC28] =	vst v8;
	s8 =	smov.u32 s3  }
0x172: {  	_ =	sdelay $0x3  }
0x173: {  	v7 =	vld.idx.msk [tilespmem:v1+s8+$0x0 ss:$0x1], $0xffff;
	_ =	sdelay $0x1  }
0x174: {  	v8 =	vld [tilespmem:s8+$0x1BC28]  }
0x175: {  	v9 =	vld [tilespmem:s8+$0x1C028]  }
0x176: {  	v10 =	vld [tilespmem:s8+$0x1C428]  }
0x177: {  	v11 =	vld [tilespmem:s8+$0x1C828];
	v2 =	vmul.f32 v2, v7  }
0x178: {  	v12 =	vld [tilespmem:s8+$0x1CC28];
	v3 =	vmul.f32 v3, v7  }
0x179: {  	v5 =	vmul.f32 v5, v7;
	v2 =	vadd.f32 v2, v8  }
0x17a: {  	v6 =	vmul.f32 v6, v7;
	v3 =	vadd.f32 v3, v9  }
0x17b: {  	v4 =	vmul.f32 v4, v7;
	v5 =	vadd.f32 v5, v10;
	[tilespmem:s8+$0x1BC28] =	vst v2  }
0x17c: {  	v2 =	vadd.f32 v6, v11;
	[tilespmem:s8+$0x1C028] =	vst v3  }
0x17d: {  	v3 =	vadd.f32 v4, v12;
	[tilespmem:s8+$0x1C428] =	vst v5  }
0x17e: {  	[tilespmem:s8+$0x1C828] =	vst v2  }
0x17f: {  	s3 =	simm.s32 $0x12428;
	[tilespmem:s8+$0x1CC28] =	vst v3  }
0x180: {  	[tilespmem:s21], [sflag:$0x2] =	stream.indirect.gather [spmem:s19], $0x1, s3, s25, $0xb8;
	[tilespmem:$0x1F828] =	vst v63  }
0x181: {  	s9 =	simm.s32 $0x12828  }
0x182: {  	[tilespmem:s26], [sflag:$0x2] =	stream.indirect.gather [spmem:s19], $0x1, s9, s25, $0xb8;
	[tilespmem:$0x1F828] =	vst v63  }
0x183: {  	s8 =	simm.s32 $0x12C28  }
0x184: {  	[tilespmem:s30], [sflag:$0x2] =	stream.indirect.gather [spmem:s19], $0x1, s8, s25, $0xb8;
	[tilespmem:$0x1F828] =	vst v63  }
0x185: {  	s9 =	simm.s32 $0x13028  }
0x186: {  	[tilespmem:s31], [sflag:$0x2] =	stream.indirect.gather [spmem:s19], $0x1, s9, s25, $0xb8;
	[tilespmem:$0x1F828] =	vst v63  }
0x187: {  	_ = 	snop  }
0x188: {  	[tilespmem:s17], [sflag:$0x2] =	stream.indirect.gather [spmem:s19], $0x1, s13, s25, $0xb8;
	[tilespmem:$0x1F828] =	vst v63  }
0x189: {  	_ =	swait.ge [sflag:s0], $0x400  }
0x18a: {  	[sflag:s0] =	ssyncset.done $0x0  }
0x18b: {  	[sflag:s0] =	ssyncadd.s32 $0xFFFFFC00  }
0x18c: {  	_ =	swait.ge [sflag:s0], $0x400  }
0x18d: {  	[sflag:s0] =	ssyncset.done $0x0  }
0x18e: {  	[sflag:s0] =	ssyncadd.s32 $0xFFFFFC00  }
0x18f: {  	_ =	swait.ge [sflag:s0], $0x400  }
0x190: {  	[sflag:s0] =	ssyncset.done $0x0  }
0x191: {  	[sflag:s0] =	ssyncadd.s32 $0xFFFFFC00  }
0x192: {  	_ =	swait.ge [sflag:s0], $0x400  }
0x193: {  	[sflag:s0] =	ssyncset.done $0x0  }
0x194: {  	[sflag:s0] =	ssyncadd.s32 $0xFFFFFC00  }
0x195: {  	_ =	swait.ge [sflag:s0], $0x400  }
0x196: {  	[sflag:s0] =	ssyncset.done $0x0  }
0x197: {  	s8 =	simm.s32 $0x0;
	[sflag:s0] =	ssyncadd.s32 $0xFFFFFC00  }
0x198: {  	v2 =	vld [tilespmem:s8+$0x19028]  }
0x199: {  	v3 =	vld [tilespmem:s8+$0x19428]  }
0x19a: {  	v5 =	vld [tilespmem:s8+$0x19828]  }
0x19b: {  	v6 =	vld [tilespmem:s8+$0x19C28]  }
0x19c: {  	s9 =	simm.s32 $0x40;
	v4 =	vld [tilespmem:s8+$0x1A028]  }
.LBB2_13:
0x19d: {  	p1 =	sne.s32 s9, $0xFC0;
	v7 =	vld.idx.msk [tilespmem:v1+s8+$0x0 ss:$0x1], $0xffff  }
0x19e: {  	v8 =	vld [tilespmem:s8+$0x1DC28]  }
0x19f: {  	v9 =	vld [tilespmem:s8+$0x1D428]  }
0x1a0: {  	v10 =	vld [tilespmem:s8+$0x1D028]  }
0x1a1: {  	v11 =	vld [tilespmem:s8+$0x1D828]  }
0x1a2: {  	v12 =	vld [tilespmem:s8+$0x1E028]  }
0x1a3: {  	v2 =	vmul.f32 v2, v7;
	v3 =	vmul.f32 v3, v7  }
0x1a4: {  	v5 =	vmul.f32 v5, v7;
	v6 =	vmul.f32 v6, v7  }
0x1a5: {  	v9 =	vadd.f32 v3, v9;
	v3 =	vmul.f32 v4, v7;
	v10 =	vadd.f32 v2, v10  }
0x1a6: {  	s3 =	sshra.s32 s9, $0x2;
	v7 =	vadd.f32 v6, v8;
	v4 =	vadd.f32 v5, v11  }
.Ltmp5:
0x1a7: {  	v2 =	vld [tilespmem:s3+$0x19028];
	[tilespmem:s8+$0x1D028] =	vst v10;
	v8 =	vadd.f32 v3, v12;
	(pc) =	sbr.rel @p1 .LBB2_13-.Ltmp5, $4  }
0x1a8: {  	v3 =	vld [tilespmem:s3+$0x19428];
	[tilespmem:s8+$0x1D428] =	vst v9  }
0x1a9: {  	v5 =	vld [tilespmem:s3+$0x19828];
	[tilespmem:s8+$0x1D828] =	vst v4  }
0x1aa: {  	v6 =	vld [tilespmem:s3+$0x19C28];
	[tilespmem:s8+$0x1DC28] =	vst v7  }
0x1ab: {  	s9 =	sadd.s32 $0x40, s9;
	v4 =	vld [tilespmem:s3+$0x1A028];
	[tilespmem:s8+$0x1E028] =	vst v8;
	s8 =	smov.u32 s3  }
0x1ac: {  	_ =	sdelay $0x3  }
0x1ad: {  	v7 =	vld.idx.msk [tilespmem:v1+s8+$0x0 ss:$0x1], $0xffff;
	_ =	sdelay $0x1  }
0x1ae: {  	v8 =	vld [tilespmem:s8+$0x1D028]  }
0x1af: {  	v9 =	vld [tilespmem:s8+$0x1D428]  }
0x1b0: {  	v10 =	vld [tilespmem:s8+$0x1D828]  }
0x1b1: {  	v11 =	vld [tilespmem:s8+$0x1DC28];
	v2 =	vmul.f32 v2, v7  }
0x1b2: {  	v12 =	vld [tilespmem:s8+$0x1E028];
	v3 =	vmul.f32 v3, v7  }
0x1b3: {  	v5 =	vmul.f32 v5, v7;
	v2 =	vadd.f32 v2, v8  }
0x1b4: {  	v6 =	vmul.f32 v6, v7;
	v3 =	vadd.f32 v3, v9  }
0x1b5: {  	v4 =	vmul.f32 v4, v7;
	v5 =	vadd.f32 v5, v10;
	[tilespmem:s8+$0x1D028] =	vst v2  }
0x1b6: {  	v2 =	vadd.f32 v6, v11;
	[tilespmem:s8+$0x1D428] =	vst v3  }
0x1b7: {  	v3 =	vadd.f32 v4, v12;
	[tilespmem:s8+$0x1D828] =	vst v5  }
0x1b8: {  	[tilespmem:s8+$0x1DC28] =	vst v2  }
0x1b9: {  	[tilespmem:s8+$0x1E028] =	vst v3  }
0x1ba: {  	[tilespmem:s21], [sflag:$0x2] =	stream.indirect.gather [spmem:s19], $0x1, s14, s25, $0xb8;
	[tilespmem:$0x1F828] =	vst v63  }
0x1bb: {  	_ = 	snop  }
0x1bc: {  	[tilespmem:s26], [sflag:$0x2] =	stream.indirect.gather [spmem:s19], $0x1, s16, s25, $0xb8;
	[tilespmem:$0x1F828] =	vst v63  }
0x1bd: {  	_ = 	snop  }
0x1be: {  	[tilespmem:s30], [sflag:$0x2] =	stream.indirect.gather [spmem:s19], $0x1, s20, s25, $0xb8;
	[tilespmem:$0x1F828] =	vst v63  }
0x1bf: {  	_ = 	snop  }
0x1c0: {  	[tilespmem:s31], [sflag:$0x2] =	stream.indirect.gather [spmem:s19], $0x1, s22, s25, $0xb8;
	[tilespmem:$0x1F828] =	vst v63  }
0x1c1: {  	_ = 	snop  }
0x1c2: {  	[tilespmem:s17], [sflag:$0x2] =	stream.indirect.gather [spmem:s19], $0x1, s23, s25, $0xb8;
	[tilespmem:$0x1F828] =	vst v63  }
0x1c3: {  	_ =	swait.ge [sflag:s0], $0x400  }
0x1c4: {  	[sflag:s0] =	ssyncset.done $0x0  }
0x1c5: {  	[sflag:s0] =	ssyncadd.s32 $0xFFFFFC00  }
0x1c6: {  	_ =	swait.ge [sflag:s0], $0x400  }
0x1c7: {  	[sflag:s0] =	ssyncset.done $0x0  }
0x1c8: {  	[sflag:s0] =	ssyncadd.s32 $0xFFFFFC00  }
0x1c9: {  	_ =	swait.ge [sflag:s0], $0x400  }
0x1ca: {  	[sflag:s0] =	ssyncset.done $0x0  }
0x1cb: {  	[sflag:s0] =	ssyncadd.s32 $0xFFFFFC00  }
0x1cc: {  	_ =	swait.ge [sflag:s0], $0x400  }
0x1cd: {  	[sflag:s0] =	ssyncset.done $0x0  }
0x1ce: {  	[sflag:s0] =	ssyncadd.s32 $0xFFFFFC00  }
0x1cf: {  	_ =	swait.ge [sflag:s0], $0x400  }
0x1d0: {  	[sflag:s0] =	ssyncset.done $0x0  }
0x1d1: {  	s8 =	simm.s32 $0x0;
	[sflag:s0] =	ssyncadd.s32 $0xFFFFFC00  }
0x1d2: {  	v2 =	vld [tilespmem:s8+$0x19028]  }
0x1d3: {  	v3 =	vld [tilespmem:s8+$0x19428]  }
0x1d4: {  	v5 =	vld [tilespmem:s8+$0x19828]  }
0x1d5: {  	v6 =	vld [tilespmem:s8+$0x19C28]  }
0x1d6: {  	s9 =	simm.s32 $0x40;
	v4 =	vld [tilespmem:s8+$0x1A028]  }
.LBB2_15:
0x1d7: {  	p1 =	sne.s32 s9, $0xFC0;
	v7 =	vld.idx.msk [tilespmem:v1+s8+$0x0 ss:$0x1], $0xffff  }
0x1d8: {  	v8 =	vld [tilespmem:s8+$0x1F028]  }
0x1d9: {  	v9 =	vld [tilespmem:s8+$0x1E828]  }
0x1da: {  	v10 =	vld [tilespmem:s8+$0x1E428]  }
0x1db: {  	v11 =	vld [tilespmem:s8+$0x1EC28]  }
0x1dc: {  	v12 =	vld [tilespmem:s8+$0x1F428]  }
0x1dd: {  	v2 =	vmul.f32 v2, v7;
	v3 =	vmul.f32 v3, v7  }
0x1de: {  	v5 =	vmul.f32 v5, v7;
	v6 =	vmul.f32 v6, v7  }
0x1df: {  	v9 =	vadd.f32 v3, v9;
	v3 =	vmul.f32 v4, v7;
	v10 =	vadd.f32 v2, v10  }
0x1e0: {  	s3 =	sshra.s32 s9, $0x2;
	v7 =	vadd.f32 v6, v8;
	v4 =	vadd.f32 v5, v11  }
.Ltmp6:
0x1e1: {  	v2 =	vld [tilespmem:s3+$0x19028];
	[tilespmem:s8+$0x1E428] =	vst v10;
	v8 =	vadd.f32 v3, v12;
	(pc) =	sbr.rel @p1 .LBB2_15-.Ltmp6, $4  }
0x1e2: {  	v3 =	vld [tilespmem:s3+$0x19428];
	[tilespmem:s8+$0x1E828] =	vst v9  }
0x1e3: {  	v5 =	vld [tilespmem:s3+$0x19828];
	[tilespmem:s8+$0x1EC28] =	vst v4  }
0x1e4: {  	v6 =	vld [tilespmem:s3+$0x19C28];
	[tilespmem:s8+$0x1F028] =	vst v7  }
0x1e5: {  	s9 =	sadd.s32 $0x40, s9;
	v4 =	vld [tilespmem:s3+$0x1A028];
	[tilespmem:s8+$0x1F428] =	vst v8;
	s8 =	smov.u32 s3  }
0x1e6: {  	_ =	sdelay $0x3  }
0x1e7: {  	v1 =	vld.idx.msk [tilespmem:v1+s8+$0x0 ss:$0x1], $0xffff;
	_ =	sdelay $0x1  }
0x1e8: {  	v7 =	vld [tilespmem:s8+$0x1E428]  }
0x1e9: {  	v8 =	vld [tilespmem:s8+$0x1E828]  }
0x1ea: {  	v9 =	vld [tilespmem:s8+$0x1EC28]  }
0x1eb: {  	v11 =	vld [tilespmem:s8+$0x1F428];
	v2 =	vmul.f32 v2, v1  }
0x1ec: {  	v10 =	vld [tilespmem:s8+$0x1F028];
	v3 =	vmul.f32 v3, v1  }
0x1ed: {  	v5 =	vmul.f32 v5, v1;
	v2 =	vadd.f32 v2, v7  }
0x1ee: {  	v6 =	vmul.f32 v6, v1;
	v1 =	vmul.f32 v4, v1;
	v3 =	vadd.f32 v3, v8  }
0x1ef: {  	s6 =	sadd.s32 $0x1, s6;
	v63 =	vadd.f32 v5, v9;
	[tilespmem:s8+$0x1E428] =	vst v2  }
0x1f0: {  	p1 =	sne.s32 s6, $0x10;
	v1 =	vadd.f32 v1, v11;
	[tilespmem:s8+$0x1E828] =	vst v3  }
.Ltmp7:
0x1f1: {  	v2 =	vadd.f32 v6, v10;
	[tilespmem:s8+$0x1EC28] =	vst v63;
	(pc) =	sbr.rel @p1 .LBB2_6-.Ltmp7, $4  }
0x1f2: {  	[tilespmem:s8+$0x1F428] =	vst v1  }
0x1f3: {  	[tilespmem:s8+$0x1F028] =	vst v2  }
0x1f4: {  	[bflag:$0x0] =	sbarrier.arrive $0xFFFF  }
0x1f5: {  	s7 =	sadd.s32 $0x400, s7  }
0x1f6: {  	s2 =	sld [smem:$0x7F7];
	_ =	sdelay $0x1  }
0x1f7: {  	s3 =	simm.s32 $0x1A428  }
0x1f8: {  	[hbm4b:s2+s1] =	stream.linear.scatter [tilespmem:s3], [sflag:$0x3], $0x400, $0x38;
	[tilespmem:$0x1F828] =	vst v63  }
0x1f9: {  	_ =	swait.ge [sflag:s29], $0x400  }
0x1fa: {  	[sflag:s29] =	ssyncset.done $0x0  }
0x1fb: {  	s5 =	simm.s32 $0x1A828;
	s4 =	rddreg [dreg:$0x5];
	[sflag:s29] =	ssyncadd.s32 $0xFFFFFC00  }
0x1fc: {  	[hbm4b:s4+s1] =	stream.linear.scatter [tilespmem:s5], [sflag:$0x3], $0x400, $0x38;
	[tilespmem:$0x1F828] =	vst v63  }
0x1fd: {  	_ =	swait.ge [sflag:s29], $0x400  }
0x1fe: {  	s6 =	sld [smem:$0x7FB]  }
0x1ff: {  	[sflag:s29] =	ssyncset.done $0x0  }
0x200: {  	s7 =	simm.s32 $0x1AC28;
	[sflag:s29] =	ssyncadd.s32 $0xFFFFFC00  }
0x201: {  	[hbm4b:s6+s1] =	stream.linear.scatter [tilespmem:s7], [sflag:$0x3], $0x400, $0x38;
	[tilespmem:$0x1F828] =	vst v63  }
0x202: {  	_ =	swait.ge [sflag:s29], $0x400  }
0x203: {  	s8 =	sld [smem:$0x7FC]  }
0x204: {  	[sflag:s29] =	ssyncset.done $0x0  }
0x205: {  	s9 =	simm.s32 $0x1B028;
	[sflag:s29] =	ssyncadd.s32 $0xFFFFFC00  }
0x206: {  	[hbm4b:s8+s1] =	stream.linear.scatter [tilespmem:s9], [sflag:$0x3], $0x400, $0x38;
	[tilespmem:$0x1F828] =	vst v63  }
0x207: {  	_ =	swait.ge [sflag:s29], $0x400  }
0x208: {  	s4 =	sld [smem:$0x7FD]  }
0x209: {  	[sflag:s29] =	ssyncset.done $0x0  }
0x20a: {  	s5 =	simm.s32 $0x1B428;
	[sflag:s29] =	ssyncadd.s32 $0xFFFFFC00  }
0x20b: {  	[hbm4b:s4+s1] =	stream.linear.scatter [tilespmem:s5], [sflag:$0x3], $0x400, $0x38;
	[tilespmem:$0x1F828] =	vst v63  }
0x20c: {  	_ =	swait.ge [sflag:s29], $0x400  }
0x20d: {  	[sflag:s29] =	ssyncset.done $0x0  }
0x20e: {  	s7 =	simm.s32 $0x1B828;
	s6 =	rddreg [dreg:$0x6];
	[sflag:s29] =	ssyncadd.s32 $0xFFFFFC00  }
0x20f: {  	[hbm4b:s6+s1] =	stream.linear.scatter [tilespmem:s7], [sflag:$0x3], $0x400, $0x38;
	[tilespmem:$0x1F828] =	vst v63  }
0x210: {  	_ =	swait.ge [sflag:s29], $0x400  }
0x211: {  	[sflag:s29] =	ssyncset.done $0x0  }
0x212: {  	s9 =	simm.s32 $0x1BC28;
	s8 =	rddreg [dreg:$0x7];
	[sflag:s29] =	ssyncadd.s32 $0xFFFFFC00  }
0x213: {  	[hbm4b:s8+s1] =	stream.linear.scatter [tilespmem:s9], [sflag:$0x3], $0x400, $0x38;
	[tilespmem:$0x1F828] =	vst v63  }
0x214: {  	_ =	swait.ge [sflag:s29], $0x400  }
0x215: {  	[sflag:s29] =	ssyncset.done $0x0  }
0x216: {  	s5 =	simm.s32 $0x1C028;
	s4 =	rddreg [dreg:$0x8];
	[sflag:s29] =	ssyncadd.s32 $0xFFFFFC00  }
0x217: {  	[hbm4b:s4+s1] =	stream.linear.scatter [tilespmem:s5], [sflag:$0x3], $0x400, $0x38;
	[tilespmem:$0x1F828] =	vst v63  }
0x218: {  	_ =	swait.ge [sflag:s29], $0x400  }
0x219: {  	[sflag:s29] =	ssyncset.done $0x0  }
0x21a: {  	s7 =	simm.s32 $0x1C428;
	s6 =	rddreg [dreg:$0x9];
	[sflag:s29] =	ssyncadd.s32 $0xFFFFFC00  }
0x21b: {  	[hbm4b:s6+s1] =	stream.linear.scatter [tilespmem:s7], [sflag:$0x3], $0x400, $0x38;
	[tilespmem:$0x1F828] =	vst v63  }
0x21c: {  	_ =	swait.ge [sflag:s29], $0x400  }
0x21d: {  	[sflag:s29] =	ssyncset.done $0x0  }
0x21e: {  	s9 =	simm.s32 $0x1C828;
	s8 =	rddreg [dreg:$0xa];
	[sflag:s29] =	ssyncadd.s32 $0xFFFFFC00  }
0x21f: {  	[hbm4b:s8+s1] =	stream.linear.scatter [tilespmem:s9], [sflag:$0x3], $0x400, $0x38;
	[tilespmem:$0x1F828] =	vst v63  }
0x220: {  	_ =	swait.ge [sflag:s29], $0x400  }
0x221: {  	[sflag:s29] =	ssyncset.done $0x0  }
0x222: {  	s5 =	simm.s32 $0x1CC28;
	s4 =	rddreg [dreg:$0xb];
	[sflag:s29] =	ssyncadd.s32 $0xFFFFFC00  }
0x223: {  	[hbm4b:s4+s1] =	stream.linear.scatter [tilespmem:s5], [sflag:$0x3], $0x400, $0x38;
	[tilespmem:$0x1F828] =	vst v63  }
0x224: {  	_ =	swait.ge [sflag:s29], $0x400  }
0x225: {  	[sflag:s29] =	ssyncset.done $0x0  }
0x226: {  	s7 =	simm.s32 $0x1D028;
	s6 =	rddreg [dreg:$0xc];
	[sflag:s29] =	ssyncadd.s32 $0xFFFFFC00  }
0x227: {  	[hbm4b:s6+s1] =	stream.linear.scatter [tilespmem:s7], [sflag:$0x3], $0x400, $0x38;
	[tilespmem:$0x1F828] =	vst v63  }
0x228: {  	_ =	swait.ge [sflag:s29], $0x400  }
0x229: {  	[sflag:s29] =	ssyncset.done $0x0  }
0x22a: {  	s9 =	simm.s32 $0x1D428;
	s8 =	rddreg [dreg:$0xd];
	[sflag:s29] =	ssyncadd.s32 $0xFFFFFC00  }
0x22b: {  	[hbm4b:s8+s1] =	stream.linear.scatter [tilespmem:s9], [sflag:$0x3], $0x400, $0x38;
	[tilespmem:$0x1F828] =	vst v63  }
0x22c: {  	_ =	swait.ge [sflag:s29], $0x400  }
0x22d: {  	[sflag:s29] =	ssyncset.done $0x0  }
0x22e: {  	s5 =	simm.s32 $0x1D828;
	s4 =	rddreg [dreg:$0xe];
	[sflag:s29] =	ssyncadd.s32 $0xFFFFFC00  }
0x22f: {  	[hbm4b:s4+s1] =	stream.linear.scatter [tilespmem:s5], [sflag:$0x3], $0x400, $0x38;
	[tilespmem:$0x1F828] =	vst v63  }
0x230: {  	_ =	swait.ge [sflag:s29], $0x400  }
0x231: {  	[sflag:s29] =	ssyncset.done $0x0  }
0x232: {  	s7 =	simm.s32 $0x1DC28;
	s6 =	rddreg [dreg:$0xf];
	[sflag:s29] =	ssyncadd.s32 $0xFFFFFC00  }
0x233: {  	[hbm4b:s6+s1] =	stream.linear.scatter [tilespmem:s7], [sflag:$0x3], $0x400, $0x38;
	[tilespmem:$0x1F828] =	vst v63  }
0x234: {  	_ =	swait.ge [sflag:s29], $0x400  }
0x235: {  	[sflag:s29] =	ssyncset.done $0x0  }
0x236: {  	s9 =	simm.s32 $0x1E028;
	s8 =	rddreg [dreg:$0x10];
	[sflag:s29] =	ssyncadd.s32 $0xFFFFFC00  }
0x237: {  	[hbm4b:s8+s1] =	stream.linear.scatter [tilespmem:s9], [sflag:$0x3], $0x400, $0x38;
	[tilespmem:$0x1F828] =	vst v63  }
0x238: {  	_ =	swait.ge [sflag:s29], $0x400  }
0x239: {  	[sflag:s29] =	ssyncset.done $0x0  }
0x23a: {  	s5 =	simm.s32 $0x1E428;
	s4 =	rddreg [dreg:$0x11];
	[sflag:s29] =	ssyncadd.s32 $0xFFFFFC00  }
0x23b: {  	[hbm4b:s4+s1] =	stream.linear.scatter [tilespmem:s5], [sflag:$0x3], $0x400, $0x38;
	[tilespmem:$0x1F828] =	vst v63  }
0x23c: {  	_ =	swait.ge [sflag:s29], $0x400  }
0x23d: {  	[sflag:s29] =	ssyncset.done $0x0  }
0x23e: {  	s7 =	simm.s32 $0x1E828;
	s6 =	rddreg [dreg:$0x12];
	[sflag:s29] =	ssyncadd.s32 $0xFFFFFC00  }
0x23f: {  	[hbm4b:s6+s1] =	stream.linear.scatter [tilespmem:s7], [sflag:$0x3], $0x400, $0x38;
	[tilespmem:$0x1F828] =	vst v63  }
0x240: {  	_ =	swait.ge [sflag:s29], $0x400  }
0x241: {  	[sflag:s29] =	ssyncset.done $0x0  }
0x242: {  	s9 =	simm.s32 $0x1EC28;
	s8 =	rddreg [dreg:$0x13];
	[sflag:s29] =	ssyncadd.s32 $0xFFFFFC00  }
0x243: {  	[hbm4b:s8+s1] =	stream.linear.scatter [tilespmem:s9], [sflag:$0x3], $0x400, $0x38;
	[tilespmem:$0x1F828] =	vst v63  }
0x244: {  	_ =	swait.ge [sflag:s29], $0x400  }
0x245: {  	[sflag:s29] =	ssyncset.done $0x0  }
0x246: {  	s5 =	simm.s32 $0x1F028;
	s4 =	rddreg [dreg:$0x14];
	[sflag:s29] =	ssyncadd.s32 $0xFFFFFC00  }
0x247: {  	[hbm4b:s4+s1] =	stream.linear.scatter [tilespmem:s5], [sflag:$0x3], $0x400, $0x38;
	[tilespmem:$0x1F828] =	vst v63  }
0x248: {  	_ =	swait.ge [sflag:s29], $0x400  }
0x249: {  	[sflag:s29] =	ssyncset.done $0x0  }
0x24a: {  	s7 =	simm.s32 $0x1F428;
	s6 =	rddreg [dreg:$0x15];
	[sflag:s29] =	ssyncadd.s32 $0xFFFFFC00  }
0x24b: {  	[hbm4b:s6+s1] =	stream.linear.scatter [tilespmem:s7], [sflag:$0x3], $0x400, $0x38;
	[tilespmem:$0x1F828] =	vst v63  }
0x24c: {  	_ =	swait.ge [sflag:s29], $0x400  }
0x24d: {  	s8 =	sld [smem:$0x7EA]  }
0x24e: {  	s9 =	sld [smem:$0x7F8];
	_ =	sdelay $0x1  }
0x24f: {  	s3 =	sadd.s32 $0x1, s8  }
0x250: {  	p1 =	sne.s32 s3, s9  }
.Ltmp8:
0x251: {  	_ = 	snop;
	(pc) =	sbr.rel @p1 .LBB2_1-.Ltmp8, $3  }
0x252: {  	_ =	sdelay $0x1  }
0x253: {  	[sflag:s29] =	ssyncset.done $0x0  }
0x254: {  	[sflag:s29] =	ssyncadd.s32 $0xFFFFFC00  }
0x255: {  	_ =	sfence.sel $0x180000  }
0x256: {  	[bflag:$0x0] =	sbarrier.arrive $0xFFFF  }
0x257: {  	_ =	strace $0x90000047  }
0x258: {  	s0 =	stileid.u32;
	[bflag:$0x2] =	sbarrier.arrive $0xFFFF  }
0x259: {  	p0 =	sne.s32 s0, $0x0;
	s0 =	rddreg [dreg:$0x4]  }
0x25a: {  	s0 =	sadd.s32 @!p0 $0x100000, s0  }
0x25b: {  	[sflag:s0] =	ssyncadd.tile.s32 @!p0 $0x1;
	_ =	shalt  }
.Lfunc_end2:
_tile_overlayer_lowered:
.L_overlay_start_2:
0x25c: {  	(tag) =	ssettag $0x2  }
0x25d: {  	s0 =	rddreg [dreg:$0x0];
	s2 =	stileid.u32  }
0x25e: {  	s1 =	rddreg [dreg:$0x1];
	p0 =	sne.s32 s2, $0x0  }
0x25f: {  	s3 =	rddreg [dreg:$0x2];
	[bflag:$0x3] =	sbarrier.arrive $0xFFFF;
	s2 =	simm.s32 @!p0 $0x1C03  }
0x260: {  	[timem:s3], [sflag:s2] =	dma.local @!p0 [hbm:s0], s1  }
0x261: {  	s0 =	simm.s32 @!p0 $0x3  }
0x262: {  	_ =	swait.ge @!p0 [sflag:s0], s1  }
0x263: {  	s1 =	ssub.s32 @!p0 $0x0, s1;
	[sflag:s0] =	ssyncset.done @!p0 $0x0  }
0x264: {  	[sflag:s0] =	ssyncadd.s32 @!p0 s1  }
0x265: {  	[bflag:$0x3] =	sbarrier.arrive $0xFFFF  }
0x266: {  	_ =	shalt  }

</sc_bundles>
